<compile_context>
chip_gen: v7x
topology: tpu7x:2x2x1
jax: 0.10.2.dev20260603
libtpu: 0.0.44.dev20260713+nightly
codegen_flags: <defaults>
</compile_context>

<pallas_src>
import functools

import jax
import jax.numpy as jnp
from jax import lax
from jax.experimental import pallas as pl
from jax.experimental.pallas import tpu as pltpu
from jax.experimental.pallas import tpu_sc as plsc

VOCAB = 100000
D = 128
B = 4096
S = 50
TI_LEN = 8
TI_START = 11

NC, NS = 2, 16
NW = NC * NS
N_ROWS = S * B

TI_LO = TI_START * B
TI_HI = (TI_START + TI_LEN) * B

A_PER_W = TI_LO // NW
B_PER_W = (N_ROWS - TI_HI) // NW
G_PER_W = A_PER_W + B_PER_W
TI_PER_W = (TI_HI - TI_LO) // NW

CHUNK = 448
N_CHUNKS = G_PER_W // CHUNK
FILL_ROWS = 32
N_FILL = TI_PER_W // FILL_ROWS


@functools.cache
def _build_sc_embed():
    mesh = plsc.VectorSubcoreMesh(
        core_axis_name="c", subcore_axis_name="s", num_cores=NC, num_subcores=NS
    )

    @functools.partial(
        pl.kernel,
        mesh=mesh,
        out_type=jax.ShapeDtypeStruct((N_ROWS, D), jnp.float32),
        scratch_types=[
            pltpu.VMEM((G_PER_W,), jnp.int32),
            pltpu.VMEM((FILL_ROWS, D), jnp.float32),
            pltpu.VMEM((1, D), jnp.float32),
            pltpu.VMEM((CHUNK, D), jnp.float32),
            pltpu.VMEM((CHUNK, D), jnp.float32),
            pltpu.SemaphoreType.DMA,
            pltpu.SemaphoreType.DMA,
            pltpu.SemaphoreType.DMA,
            pltpu.SemaphoreType.DMA,
            pltpu.SemaphoreType.DMA,
        ],
    )
    def _sc_embed(
        ids_hbm, table_hbm, ti_hbm, out_hbm,
        idx_v, fill_v, tirow_v, buf0, buf1, g0, g1, w0, w1, tsem,
    ):
        wid = lax.axis_index("s") * NC + lax.axis_index("c")
        bufs, gsems, wsems = (buf0, buf1), (g0, g1), (w0, w1)
        a0 = wid * A_PER_W
        b0 = TI_HI + wid * B_PER_W

        s_off = wid // (NW // TI_LEN)
        pltpu.sync_copy(ti_hbm.at[s_off], tirow_v.at[0])
        for c8 in range(D // 16):
            v = tirow_v[0, pl.ds(c8 * 16, 16)]
            for r in range(FILL_ROWS):
                fill_v[r, pl.ds(c8 * 16, 16)] = v
        ti0 = TI_LO + wid * TI_PER_W
        tds = [
            pltpu.async_copy(
                fill_v, out_hbm.at[pl.ds(ti0 + j * FILL_ROWS, FILL_ROWS)], tsem
            )
            for j in range(N_FILL)
        ]

        pltpu.sync_copy(ids_hbm.at[pl.ds(a0, A_PER_W)], idx_v.at[pl.ds(0, A_PER_W)])
        pltpu.sync_copy(
            ids_hbm.at[pl.ds(b0, B_PER_W)], idx_v.at[pl.ds(A_PER_W, B_PER_W)]
        )

        def gather(k):
            return pltpu.async_copy(
                table_hbm.at[idx_v.at[pl.ds(k * CHUNK, CHUNK)]],
                bufs[k % 2],
                gsems[k % 2],
            )

        def write(k):
            v0 = k * CHUNK
            wds = []
            if v0 < A_PER_W < v0 + CHUNK:
                la = A_PER_W - v0
                wds.append(
                    pltpu.async_copy(
                        bufs[k % 2].at[pl.ds(0, la)],
                        out_hbm.at[pl.ds(a0 + v0, la)],
                        wsems[k % 2],
                    )
                )
                wds.append(
                    pltpu.async_copy(
                        bufs[k % 2].at[pl.ds(la, CHUNK - la)],
                        out_hbm.at[pl.ds(b0, CHUNK - la)],
                        wsems[k % 2],
                    )
                )
            else:
                off = a0 + v0 if v0 + CHUNK <= A_PER_W else b0 + (v0 - A_PER_W)
                wds.append(
                    pltpu.async_copy(
                        bufs[k % 2],
                        out_hbm.at[pl.ds(off, CHUNK)],
                        wsems[k % 2],
                    )
                )
            return wds

        gds = {0: gather(0), 1: gather(1)}
        pending_w = {}
        for k in range(N_CHUNKS):
            gds.pop(k).wait()
            pending_w[k] = write(k)
            if k + 2 < N_CHUNKS:
                for wd in pending_w.pop(k):
                    wd.wait()
                gds[k + 2] = gather(k + 2)
        for k, wds in sorted(pending_w.items()):
            for wd in wds:
                wd.wait()
        for td in tds:
            td.wait()

    return _sc_embed


def kernel(input_ids, table, ti_vec, out_dtype):
    del out_dtype
    ids_t = input_ids.astype(jnp.int32).T.reshape(N_ROWS)
    out_flat = _build_sc_embed()(ids_t, table, ti_vec)
    return jnp.transpose(out_flat.reshape(S, B, D), (1, 0, 2))

# --- scband reference (transcript-rebuilt; emitter-appended) ---
"""Pipeline reference for scband-clipembedding-for-textual-inversion-27891517620811 (READ-ONLY COPY).

The authoritative reference and input builder live on the scoring server;
editing this copy changes nothing except your own understanding.
"""

import jax, jax.numpy as jnp
import numpy as np

VOCAB = 100000
EMBED_DIM = 128
BATCH = 4096
SEQ = 50
TI_NUM_VEC = 8
TI_OFFSET = 10


def setup_inputs(seed: int = 0) -> dict:
    key = jax.random.key(seed)
    k1, k2, k3 = jax.random.split(key, 3)
    input_ids = jax.random.randint(k1, (BATCH, SEQ), 0, VOCAB, dtype=jnp.int64 if jax.config.jax_enable_x64 else jnp.int32)
    table = jax.random.normal(k2, (VOCAB, EMBED_DIM), dtype=jnp.float32) * 0.02
    ti_vec = jax.random.normal(k3, (TI_NUM_VEC, EMBED_DIM), dtype=jnp.float32) * 0.02
    # out_dtype=0 denotes float32 (the torch module passes a dtype object; we model it as a flag)
    return {"input_ids": input_ids, "table": table, "ti_vec": ti_vec, "out_dtype": 0}


def reference(input_ids, table, ti_vec, out_dtype):
    # wrapped(input_ids, out_dtype): embedding lookup cast to out_dtype (float32)
    inputs_embeds = jnp.take(table, input_ids, axis=0).astype(jnp.float32)  # [B, S, D]
    # apply textual-inversion fix at fixed offset for every batch row
    offset = TI_OFFSET
    emb_len = min(SEQ - offset - 1, TI_NUM_VEC)
    emb = ti_vec[:emb_len].astype(inputs_embeds.dtype)  # [emb_len, D]
    fix = jnp.broadcast_to(emb[None, :, :], (inputs_embeds.shape[0], emb_len, inputs_embeds.shape[2]))
    out = jnp.concatenate(
        [inputs_embeds[:, : offset + 1], fix, inputs_embeds[:, offset + 1 + emb_len :]], axis=1
    ).astype(inputs_embeds.dtype)
    return out

if __name__ == "__main__":
    import jax
    _d = setup_inputs()
    print(jax.jit(kernel)(*tuple(_d.values())))

</pallas_src>

<mosaic_0001>
#map = affine_map<(d0, d1) -> (0)>
#map1 = affine_map<(d0, d1) -> (0, 0)>
module attributes {stable_mosaic.version = 14 : i64} {
  func.func @_sc_embed(%arg0: i32, %arg1: i32, %arg2: memref<204800xi32, #tpu.memory_space<hbm>>, %arg3: memref<100000x128xf32, #tpu.memory_space<hbm>>, %arg4: memref<8x128xf32, #tpu.memory_space<hbm>>, %arg5: memref<204800x128xf32, #tpu.memory_space<hbm>>, %arg6: memref<5376xi32, #tpu.memory_space<vmem>>, %arg7: memref<32x128xf32, #tpu.memory_space<vmem>>, %arg8: memref<1x128xf32, #tpu.memory_space<vmem>>, %arg9: memref<448x128xf32, #tpu.memory_space<vmem>>, %arg10: memref<448x128xf32, #tpu.memory_space<vmem>>, %arg11: memref<!tpu.dma_semaphore, #tpu.memory_space<semaphore_mem>>, %arg12: memref<!tpu.dma_semaphore, #tpu.memory_space<semaphore_mem>>, %arg13: memref<!tpu.dma_semaphore, #tpu.memory_space<semaphore_mem>>, %arg14: memref<!tpu.dma_semaphore, #tpu.memory_space<semaphore_mem>>, %arg15: memref<!tpu.dma_semaphore, #tpu.memory_space<semaphore_mem>>) attributes {dimension_semantics = [#tpu.dimension_semantics<core_parallel>, #tpu.dimension_semantics<subcore_parallel>], iteration_bounds = array<i64: 2, 16>, scalar_prefetch = 0 : i64, scratch_operands = 10 : i64, tpu.core_type = #tpu.core_type<sc_vector_subcore>, window_params = [{transform_indices = #map}, {transform_indices = #map1}, {transform_indices = #map1}, {transform_indices = #map1}]} {
    %mul3A = arith.constant 2 : i32
    %mul3A_0 = arith.muli %arg1, %mul3A : i32
    %add3A = arith.addi %mul3A_0, %arg0 : i32
    %mul3A_1 = arith.constant 1408 : i32
    %mul3A_2 = arith.muli %add3A, %mul3A_1 : i32
    %mul3A_3 = arith.constant 3968 : i32
    %mul3A_4 = arith.muli %add3A, %mul3A_3 : i32
    %add3A_5 = arith.constant 77824 : i32
    %add3A_6 = arith.addi %add3A_5, %mul3A_4 : i32
    %jit3A = arith.constant 4 : i32
    %div3A = arith.divsi %add3A, %jit3A : i32
    %sign3A = arith.constant 0 : i32
    %sign3A_7 = arith.cmpi sgt, %add3A, %sign3A : i32
    %sign3A_8 = arith.extui %sign3A_7 : i1 to i32
    %sign3A_9 = arith.constant 0 : i32
    %sign3A_10 = arith.cmpi slt, %add3A, %sign3A_9 : i32
    %sign3A_11 = arith.extui %sign3A_10 : i1 to i32
    %sign3A_12 = arith.subi %sign3A_8, %sign3A_11 : i32
    %sign3A_13 = arith.constant 0 : i32
    %sign3A_14 = arith.cmpi sgt, %jit3A, %sign3A_13 : i32
    %sign3A_15 = arith.extui %sign3A_14 : i1 to i32
    %sign3A_16 = arith.constant 0 : i32
    %sign3A_17 = arith.cmpi slt, %jit3A, %sign3A_16 : i32
    %sign3A_18 = arith.extui %sign3A_17 : i1 to i32
    %sign3A_19 = arith.subi %sign3A_15, %sign3A_18 : i32
    %ne3A = arith.cmpi ne, %sign3A_12, %sign3A_19 : i32
    %rem3A = arith.remsi %add3A, %jit3A : i32
    %ne3A_20 = arith.constant 0 : i32
    %ne3A_21 = arith.cmpi ne, %rem3A, %ne3A_20 : i32
    %and3A = arith.andi %ne3A, %ne3A_21 : i1
    %sub3A = arith.constant 1 : i32
    %sub3A_22 = arith.subi %div3A, %sub3A : i32
    %select_n3A = arith.select %and3A, %sub3A_22, %div3A : i32
    %run_scoped3A = arith.constant 0 : i32
    "tpu.region"() ({
      %run_scoped3A_2191 = tpu.sem_alloc : memref<!tpu.dma_semaphore, #tpu.memory_space<semaphore_mem>>
      %dma_start3A_2192 = arith.constant 0 : i32
      %dma_start3A_2193 = tpu.memref_slice %arg8[%run_scoped3A, %dma_start3A_2192] : memref<1x128xf32, #tpu.memory_space<vmem>> -> memref<1x128xf32, #tpu.memory_space<vmem>>
      %dma_start3A_2194 = tpu.memref_squeeze %dma_start3A_2193 : memref<1x128xf32, #tpu.memory_space<vmem>> -> memref<128xf32, #tpu.memory_space<vmem>>
      %dma_start3A_2195 = arith.constant 0 : i32
      %dma_start3A_2196 = tpu.memref_slice %arg4[%select_n3A, %dma_start3A_2195] : memref<8x128xf32, #tpu.memory_space<hbm>> -> memref<1x128xf32, #tpu.memory_space<hbm>>
      %dma_start3A_2197 = tpu.memref_squeeze %dma_start3A_2196 : memref<1x128xf32, #tpu.memory_space<hbm>> -> memref<128xf32, #tpu.memory_space<hbm>>
      %dma_start3A_2198 = arith.constant 0 : i32
      %dma_start3A_2199 = tpu.memref_slice %arg8[%run_scoped3A, %dma_start3A_2198] : memref<1x128xf32, #tpu.memory_space<vmem>> -> memref<1x128xf32, #tpu.memory_space<vmem>>
      %dma_start3A_2200 = tpu.memref_squeeze %dma_start3A_2199 : memref<1x128xf32, #tpu.memory_space<vmem>> -> memref<128xf32, #tpu.memory_space<vmem>>
      %dma_start3A_2201 = arith.constant 0 : i32
      %dma_start3A_2202 = tpu.memref_slice %arg4[%select_n3A, %dma_start3A_2201] : memref<8x128xf32, #tpu.memory_space<hbm>> -> memref<1x128xf32, #tpu.memory_space<hbm>>
      %dma_start3A_2203 = tpu.memref_squeeze %dma_start3A_2202 : memref<1x128xf32, #tpu.memory_space<hbm>> -> memref<128xf32, #tpu.memory_space<hbm>>
      tpu.enqueue_dma source(%dma_start3A_2203 : memref<128xf32, #tpu.memory_space<hbm>>) target(%dma_start3A_2200 : memref<128xf32, #tpu.memory_space<vmem>>) target_semaphore(%run_scoped3A_2191 : memref<!tpu.dma_semaphore, #tpu.memory_space<semaphore_mem>>)
      %dma_wait3A_2204 = arith.constant 0 : i32
      %dma_wait3A_2205 = tpu.memref_slice %arg8[%run_scoped3A, %dma_wait3A_2204] : memref<1x128xf32, #tpu.memory_space<vmem>> -> memref<1x128xf32, #tpu.memory_space<vmem>>
      %dma_wait3A_2206 = tpu.memref_squeeze %dma_wait3A_2205 : memref<1x128xf32, #tpu.memory_space<vmem>> -> memref<128xf32, #tpu.memory_space<vmem>>
      %dma_wait3A_2207 = arith.constant 0 : i32
      %dma_wait3A_2208 = tpu.memref_slice %arg4[%select_n3A, %dma_wait3A_2207] : memref<8x128xf32, #tpu.memory_space<hbm>> -> memref<1x128xf32, #tpu.memory_space<hbm>>
      %dma_wait3A_2209 = tpu.memref_squeeze %dma_wait3A_2208 : memref<1x128xf32, #tpu.memory_space<hbm>> -> memref<128xf32, #tpu.memory_space<hbm>>
      %dma_wait3A_2210 = arith.constant 0 : i32
      %dma_wait3A_2211 = tpu.memref_slice %arg8[%run_scoped3A, %dma_wait3A_2210] : memref<1x128xf32, #tpu.memory_space<vmem>> -> memref<1x128xf32, #tpu.memory_space<vmem>>
      %dma_wait3A_2212 = tpu.memref_squeeze %dma_wait3A_2211 : memref<1x128xf32, #tpu.memory_space<vmem>> -> memref<128xf32, #tpu.memory_space<vmem>>
      %dma_wait3A_2213 = arith.constant 0 : i32
      %dma_wait3A_2214 = tpu.memref_slice %arg4[%select_n3A, %dma_wait3A_2213] : memref<8x128xf32, #tpu.memory_space<hbm>> -> memref<1x128xf32, #tpu.memory_space<hbm>>
      %dma_wait3A_2215 = tpu.memref_squeeze %dma_wait3A_2214 : memref<1x128xf32, #tpu.memory_space<hbm>> -> memref<128xf32, #tpu.memory_space<hbm>>
      tpu.wait_dma2 semaphore(%run_scoped3A_2191 : memref<!tpu.dma_semaphore, #tpu.memory_space<semaphore_mem>>) src(%dma_wait3A_2215 : memref<128xf32, #tpu.memory_space<hbm>>) dst(%dma_wait3A_2212 : memref<128xf32, #tpu.memory_space<vmem>>)
      tpu.yield
    }) : () -> ()
    %get3A = arith.constant 0 : i32
    %get3A_23 = arith.index_cast %get3A : i32 to index
    %get3A_24 = arith.constant 0 : index
    %get3A_25 = tpu.vector_load %arg8[%get3A_23, %get3A_24] {strides = array<i32>} : memref<1x128xf32, #tpu.memory_space<vmem>>, vector<1x16xf32>,
    %get3A_26 = vector.shape_cast %get3A_25 : vector<1x16xf32> to vector<16xf32>
    %swap3A = arith.constant 0 : i32
    %swap3A_27 = arith.index_cast %swap3A : i32 to index
    %swap3A_28 = arith.constant 0 : index
    %swap3A_29 = tpu.vector_load %arg7[%swap3A_27, %swap3A_28] {strides = array<i32>} : memref<32x128xf32, #tpu.memory_space<vmem>>, vector<1x16xf32>,
    %swap3A_30 = vector.shape_cast %swap3A_29 : vector<1x16xf32> to vector<16xf32>
    %swap3A_31 = vector.shape_cast %get3A_26 : vector<16xf32> to vector<1x16xf32>
    tpu.vector_store %arg7[%swap3A_27, %swap3A_28], %swap3A_31 {strides = array<i32>} : memref<32x128xf32, #tpu.memory_space<vmem>>, vector<1x16xf32>,
    %swap3A_32 = arith.constant 1 : i32
    %swap3A_33 = arith.index_cast %swap3A_32 : i32 to index
    %swap3A_34 = arith.constant 0 : index
    %swap3A_35 = tpu.vector_load %arg7[%swap3A_33, %swap3A_34] {strides = array<i32>} : memref<32x128xf32, #tpu.memory_space<vmem>>, vector<1x16xf32>,
    %swap3A_36 = vector.shape_cast %swap3A_35 : vector<1x16xf32> to vector<16xf32>
    %swap3A_37 = vector.shape_cast %get3A_26 : vector<16xf32> to vector<1x16xf32>
    tpu.vector_store %arg7[%swap3A_33, %swap3A_34], %swap3A_37 {strides = array<i32>} : memref<32x128xf32, #tpu.memory_space<vmem>>, vector<1x16xf32>,
    %swap3A_38 = arith.constant 2 : i32
    %swap3A_39 = arith.index_cast %swap3A_38 : i32 to index
    %swap3A_40 = arith.constant 0 : index
    %swap3A_41 = tpu.vector_load %arg7[%swap3A_39, %swap3A_40] {strides = array<i32>} : memref<32x128xf32, #tpu.memory_space<vmem>>, vector<1x16xf32>,
    %swap3A_42 = vector.shape_cast %swap3A_41 : vector<1x16xf32> to vector<16xf32>
    %swap3A_43 = vector.shape_cast %get3A_26 : vector<16xf32> to vector<1x16xf32>
    tpu.vector_store %arg7[%swap3A_39, %swap3A_40], %swap3A_43 {strides = array<i32>} : memref<32x128xf32, #tpu.memory_space<vmem>>, vector<1x16xf32>,
    %swap3A_44 = arith.constant 3 : i32
    %swap3A_45 = arith.index_cast %swap3A_44 : i32 to index
    %swap3A_46 = arith.constant 0 : index
    %swap3A_47 = tpu.vector_load %arg7[%swap3A_45, %swap3A_46] {strides = array<i32>} : memref<32x128xf32, #tpu.memory_space<vmem>>, vector<1x16xf32>,
    %swap3A_48 = vector.shape_cast %swap3A_47 : vector<1x16xf32> to vector<16xf32>
    %swap3A_49 = vector.shape_cast %get3A_26 : vector<16xf32> to vector<1x16xf32>
    tpu.vector_store %arg7[%swap3A_45, %swap3A_46], %swap3A_49 {strides = array<i32>} : memref<32x128xf32, #tpu.memory_space<vmem>>, vector<1x16xf32>,
    %swap3A_50 = arith.constant 4 : i32
    %swap3A_51 = arith.index_cast %swap3A_50 : i32 to index
    %swap3A_52 = arith.constant 0 : index
    %swap3A_53 = tpu.vector_load %arg7[%swap3A_51, %swap3A_52] {strides = array<i32>} : memref<32x128xf32, #tpu.memory_space<vmem>>, vector<1x16xf32>,
    %swap3A_54 = vector.shape_cast %swap3A_53 : vector<1x16xf32> to vector<16xf32>
    %swap3A_55 = vector.shape_cast %get3A_26 : vector<16xf32> to vector<1x16xf32>
    tpu.vector_store %arg7[%swap3A_51, %swap3A_52], %swap3A_55 {strides = array<i32>} : memref<32x128xf32, #tpu.memory_space<vmem>>, vector<1x16xf32>,
    %swap3A_56 = arith.constant 5 : i32
    %swap3A_57 = arith.index_cast %swap3A_56 : i32 to index
    %swap3A_58 = arith.constant 0 : index
    %swap3A_59 = tpu.vector_load %arg7[%swap3A_57, %swap3A_58] {strides = array<i32>} : memref<32x128xf32, #tpu.memory_space<vmem>>, vector<1x16xf32>,
    %swap3A_60 = vector.shape_cast %swap3A_59 : vector<1x16xf32> to vector<16xf32>
    %swap3A_61 = vector.shape_cast %get3A_26 : vector<16xf32> to vector<1x16xf32>
    tpu.vector_store %arg7[%swap3A_57, %swap3A_58], %swap3A_61 {strides = array<i32>} : memref<32x128xf32, #tpu.memory_space<vmem>>, vector<1x16xf32>,
    %swap3A_62 = arith.constant 6 : i32
    %swap3A_63 = arith.index_cast %swap3A_62 : i32 to index
    %swap3A_64 = arith.constant 0 : index
    %swap3A_65 = tpu.vector_load %arg7[%swap3A_63, %swap3A_64] {strides = array<i32>} : memref<32x128xf32, #tpu.memory_space<vmem>>, vector<1x16xf32>,
    %swap3A_66 = vector.shape_cast %swap3A_65 : vector<1x16xf32> to vector<16xf32>
    %swap3A_67 = vector.shape_cast %get3A_26 : vector<16xf32> to vector<1x16xf32>
    tpu.vector_store %arg7[%swap3A_63, %swap3A_64], %swap3A_67 {strides = array<i32>} : memref<32x128xf32, #tpu.memory_space<vmem>>, vector<1x16xf32>,
    %swap3A_68 = arith.constant 7 : i32
    %swap3A_69 = arith.index_cast %swap3A_68 : i32 to index
    %swap3A_70 = arith.constant 0 : index
    %swap3A_71 = tpu.vector_load %arg7[%swap3A_69, %swap3A_70] {strides = array<i32>} : memref<32x128xf32, #tpu.memory_space<vmem>>, vector<1x16xf32>,
    %swap3A_72 = vector.shape_cast %swap3A_71 : vector<1x16xf32> to vector<16xf32>
    %swap3A_73 = vector.shape_cast %get3A_26 : vector<16xf32> to vector<1x16xf32>
    tpu.vector_store %arg7[%swap3A_69, %swap3A_70], %swap3A_73 {strides = array<i32>} : memref<32x128xf32, #tpu.memory_space<vmem>>, vector<1x16xf32>,
    %swap3A_74 = arith.constant 8 : i32
    %swap3A_75 = arith.index_cast %swap3A_74 : i32 to index
    %swap3A_76 = arith.constant 0 : index
    %swap3A_77 = tpu.vector_load %arg7[%swap3A_75, %swap3A_76] {strides = array<i32>} : memref<32x128xf32, #tpu.memory_space<vmem>>, vector<1x16xf32>,
    %swap3A_78 = vector.shape_cast %swap3A_77 : vector<1x16xf32> to vector<16xf32>
    %swap3A_79 = vector.shape_cast %get3A_26 : vector<16xf32> to vector<1x16xf32>
    tpu.vector_store %arg7[%swap3A_75, %swap3A_76], %swap3A_79 {strides = array<i32>} : memref<32x128xf32, #tpu.memory_space<vmem>>, vector<1x16xf32>,
    %swap3A_80 = arith.constant 9 : i32
    %swap3A_81 = arith.index_cast %swap3A_80 : i32 to index
    %swap3A_82 = arith.constant 0 : index
    %swap3A_83 = tpu.vector_load %arg7[%swap3A_81, %swap3A_82] {strides = array<i32>} : memref<32x128xf32, #tpu.memory_space<vmem>>, vector<1x16xf32>,
    %swap3A_84 = vector.shape_cast %swap3A_83 : vector<1x16xf32> to vector<16xf32>
    %swap3A_85 = vector.shape_cast %get3A_26 : vector<16xf32> to vector<1x16xf32>
    tpu.vector_store %arg7[%swap3A_81, %swap3A_82], %swap3A_85 {strides = array<i32>} : memref<32x128xf32, #tpu.memory_space<vmem>>, vector<1x16xf32>,
    %swap3A_86 = arith.constant 10 : i32
    %swap3A_87 = arith.index_cast %swap3A_86 : i32 to index
    %swap3A_88 = arith.constant 0 : index
    %swap3A_89 = tpu.vector_load %arg7[%swap3A_87, %swap3A_88] {strides = array<i32>} : memref<32x128xf32, #tpu.memory_space<vmem>>, vector<1x16xf32>,
    %swap3A_90 = vector.shape_cast %swap3A_89 : vector<1x16xf32> to vector<16xf32>
    %swap3A_91 = vector.shape_cast %get3A_26 : vector<16xf32> to vector<1x16xf32>
    tpu.vector_store %arg7[%swap3A_87, %swap3A_88], %swap3A_91 {strides = array<i32>} : memref<32x128xf32, #tpu.memory_space<vmem>>, vector<1x16xf32>,
    %swap3A_92 = arith.constant 11 : i32
    %swap3A_93 = arith.index_cast %swap3A_92 : i32 to index
    %swap3A_94 = arith.constant 0 : index
    %swap3A_95 = tpu.vector_load %arg7[%swap3A_93, %swap3A_94] {strides = array<i32>} : memref<32x128xf32, #tpu.memory_space<vmem>>, vector<1x16xf32>,
    %swap3A_96 = vector.shape_cast %swap3A_95 : vector<1x16xf32> to vector<16xf32>
    %swap3A_97 = vector.shape_cast %get3A_26 : vector<16xf32> to vector<1x16xf32>
    tpu.vector_store %arg7[%swap3A_93, %swap3A_94], %swap3A_97 {strides = array<i32>} : memref<32x128xf32, #tpu.memory_space<vmem>>, vector<1x16xf32>,
    %swap3A_98 = arith.constant 12 : i32
    %swap3A_99 = arith.index_cast %swap3A_98 : i32 to index
    %swap3A_100 = arith.constant 0 : index
    %swap3A_101 = tpu.vector_load %arg7[%swap3A_99, %swap3A_100] {strides = array<i32>} : memref<32x128xf32, #tpu.memory_space<vmem>>, vector<1x16xf32>,
    %swap3A_102 = vector.shape_cast %swap3A_101 : vector<1x16xf32> to vector<16xf32>
    %swap3A_103 = vector.shape_cast %get3A_26 : vector<16xf32> to vector<1x16xf32>
    tpu.vector_store %arg7[%swap3A_99, %swap3A_100], %swap3A_103 {strides = array<i32>} : memref<32x128xf32, #tpu.memory_space<vmem>>, vector<1x16xf32>,
    %swap3A_104 = arith.constant 13 : i32
    %swap3A_105 = arith.index_cast %swap3A_104 : i32 to index
    %swap3A_106 = arith.constant 0 : index
    %swap3A_107 = tpu.vector_load %arg7[%swap3A_105, %swap3A_106] {strides = array<i32>} : memref<32x128xf32, #tpu.memory_space<vmem>>, vector<1x16xf32>,
    %swap3A_108 = vector.shape_cast %swap3A_107 : vector<1x16xf32> to vector<16xf32>
    %swap3A_109 = vector.shape_cast %get3A_26 : vector<16xf32> to vector<1x16xf32>
    tpu.vector_store %arg7[%swap3A_105, %swap3A_106], %swap3A_109 {strides = array<i32>} : memref<32x128xf32, #tpu.memory_space<vmem>>, vector<1x16xf32>,
    %swap3A_110 = arith.constant 14 : i32
    %swap3A_111 = arith.index_cast %swap3A_110 : i32 to index
    %swap3A_112 = arith.constant 0 : index
    %swap3A_113 = tpu.vector_load %arg7[%swap3A_111, %swap3A_112] {strides = array<i32>} : memref<32x128xf32, #tpu.memory_space<vmem>>, vector<1x16xf32>,
    %swap3A_114 = vector.shape_cast %swap3A_113 : vector<1x16xf32> to vector<16xf32>
    %swap3A_115 = vector.shape_cast %get3A_26 : vector<16xf32> to vector<1x16xf32>
    tpu.vector_store %arg7[%swap3A_111, %swap3A_112], %swap3A_115 {strides = array<i32>} : memref<32x128xf32, #tpu.memory_space<vmem>>, vector<1x16xf32>,
    %swap3A_116 = arith.constant 15 : i32
    %swap3A_117 = arith.index_cast %swap3A_116 : i32 to index
    %swap3A_118 = arith.constant 0 : index
    %swap3A_119 = tpu.vector_load %arg7[%swap3A_117, %swap3A_118] {strides = array<i32>} : memref<32x128xf32, #tpu.memory_space<vmem>>, vector<1x16xf32>,
    %swap3A_120 = vector.shape_cast %swap3A_119 : vector<1x16xf32> to vector<16xf32>
    %swap3A_121 = vector.shape_cast %get3A_26 : vector<16xf32> to vector<1x16xf32>
    tpu.vector_store %arg7[%swap3A_117, %swap3A_118], %swap3A_121 {strides = array<i32>} : memref<32x128xf32, #tpu.memory_space<vmem>>, vector<1x16xf32>,
    %swap3A_122 = arith.constant 16 : i32
    %swap3A_123 = arith.index_cast %swap3A_122 : i32 to index
    %swap3A_124 = arith.constant 0 : index
    %swap3A_125 = tpu.vector_load %arg7[%swap3A_123, %swap3A_124] {strides = array<i32>} : memref<32x128xf32, #tpu.memory_space<vmem>>, vector<1x16xf32>,
    %swap3A_126 = vector.shape_cast %swap3A_125 : vector<1x16xf32> to vector<16xf32>
    %swap3A_127 = vector.shape_cast %get3A_26 : vector<16xf32> to vector<1x16xf32>
    tpu.vector_store %arg7[%swap3A_123, %swap3A_124], %swap3A_127 {strides = array<i32>} : memref<32x128xf32, #tpu.memory_space<vmem>>, vector<1x16xf32>,
    %swap3A_128 = arith.constant 17 : i32
    %swap3A_129 = arith.index_cast %swap3A_128 : i32 to index
    %swap3A_130 = arith.constant 0 : index
    %swap3A_131 = tpu.vector_load %arg7[%swap3A_129, %swap3A_130] {strides = array<i32>} : memref<32x128xf32, #tpu.memory_space<vmem>>, vector<1x16xf32>,
    %swap3A_132 = vector.shape_cast %swap3A_131 : vector<1x16xf32> to vector<16xf32>
    %swap3A_133 = vector.shape_cast %get3A_26 : vector<16xf32> to vector<1x16xf32>
    tpu.vector_store %arg7[%swap3A_129, %swap3A_130], %swap3A_133 {strides = array<i32>} : memref<32x128xf32, #tpu.memory_space<vmem>>, vector<1x16xf32>,
    %swap3A_134 = arith.constant 18 : i32
    %swap3A_135 = arith.index_cast %swap3A_134 : i32 to index
    %swap3A_136 = arith.constant 0 : index
    %swap3A_137 = tpu.vector_load %arg7[%swap3A_135, %swap3A_136] {strides = array<i32>} : memref<32x128xf32, #tpu.memory_space<vmem>>, vector<1x16xf32>,
    %swap3A_138 = vector.shape_cast %swap3A_137 : vector<1x16xf32> to vector<16xf32>
    %swap3A_139 = vector.shape_cast %get3A_26 : vector<16xf32> to vector<1x16xf32>
    tpu.vector_store %arg7[%swap3A_135, %swap3A_136], %swap3A_139 {strides = array<i32>} : memref<32x128xf32, #tpu.memory_space<vmem>>, vector<1x16xf32>,
    %swap3A_140 = arith.constant 19 : i32
    %swap3A_141 = arith.index_cast %swap3A_140 : i32 to index
    %swap3A_142 = arith.constant 0 : index
    %swap3A_143 = tpu.vector_load %arg7[%swap3A_141, %swap3A_142] {strides = array<i32>} : memref<32x128xf32, #tpu.memory_space<vmem>>, vector<1x16xf32>,
    %swap3A_144 = vector.shape_cast %swap3A_143 : vector<1x16xf32> to vector<16xf32>
    %swap3A_145 = vector.shape_cast %get3A_26 : vector<16xf32> to vector<1x16xf32>
    tpu.vector_store %arg7[%swap3A_141, %swap3A_142], %swap3A_145 {strides = array<i32>} : memref<32x128xf32, #tpu.memory_space<vmem>>, vector<1x16xf32>,
    %swap3A_146 = arith.constant 20 : i32
    %swap3A_147 = arith.index_cast %swap3A_146 : i32 to index
    %swap3A_148 = arith.constant 0 : index
    %swap3A_149 = tpu.vector_load %arg7[%swap3A_147, %swap3A_148] {strides = array<i32>} : memref<32x128xf32, #tpu.memory_space<vmem>>, vector<1x16xf32>,
    %swap3A_150 = vector.shape_cast %swap3A_149 : vector<1x16xf32> to vector<16xf32>
    %swap3A_151 = vector.shape_cast %get3A_26 : vector<16xf32> to vector<1x16xf32>
    tpu.vector_store %arg7[%swap3A_147, %swap3A_148], %swap3A_151 {strides = array<i32>} : memref<32x128xf32, #tpu.memory_space<vmem>>, vector<1x16xf32>,
    %swap3A_152 = arith.constant 21 : i32
    %swap3A_153 = arith.index_cast %swap3A_152 : i32 to index
    %swap3A_154 = arith.constant 0 : index
    %swap3A_155 = tpu.vector_load %arg7[%swap3A_153, %swap3A_154] {strides = array<i32>} : memref<32x128xf32, #tpu.memory_space<vmem>>, vector<1x16xf32>,
    %swap3A_156 = vector.shape_cast %swap3A_155 : vector<1x16xf32> to vector<16xf32>
    %swap3A_157 = vector.shape_cast %get3A_26 : vector<16xf32> to vector<1x16xf32>
    tpu.vector_store %arg7[%swap3A_153, %swap3A_154], %swap3A_157 {strides = array<i32>} : memref<32x128xf32, #tpu.memory_space<vmem>>, vector<1x16xf32>,
    %swap3A_158 = arith.constant 22 : i32
    %swap3A_159 = arith.index_cast %swap3A_158 : i32 to index
    %swap3A_160 = arith.constant 0 : index
    %swap3A_161 = tpu.vector_load %arg7[%swap3A_159, %swap3A_160] {strides = array<i32>} : memref<32x128xf32, #tpu.memory_space<vmem>>, vector<1x16xf32>,
    %swap3A_162 = vector.shape_cast %swap3A_161 : vector<1x16xf32> to vector<16xf32>
    %swap3A_163 = vector.shape_cast %get3A_26 : vector<16xf32> to vector<1x16xf32>
    tpu.vector_store %arg7[%swap3A_159, %swap3A_160], %swap3A_163 {strides = array<i32>} : memref<32x128xf32, #tpu.memory_space<vmem>>, vector<1x16xf32>,
    %swap3A_164 = arith.constant 23 : i32
    %swap3A_165 = arith.index_cast %swap3A_164 : i32 to index
    %swap3A_166 = arith.constant 0 : index
    %swap3A_167 = tpu.vector_load %arg7[%swap3A_165, %swap3A_166] {strides = array<i32>} : memref<32x128xf32, #tpu.memory_space<vmem>>, vector<1x16xf32>,
    %swap3A_168 = vector.shape_cast %swap3A_167 : vector<1x16xf32> to vector<16xf32>
    %swap3A_169 = vector.shape_cast %get3A_26 : vector<16xf32> to vector<1x16xf32>
    tpu.vector_store %arg7[%swap3A_165, %swap3A_166], %swap3A_169 {strides = array<i32>} : memref<32x128xf32, #tpu.memory_space<vmem>>, vector<1x16xf32>,
    %swap3A_170 = arith.constant 24 : i32
    %swap3A_171 = arith.index_cast %swap3A_170 : i32 to index
    %swap3A_172 = arith.constant 0 : index
    %swap3A_173 = tpu.vector_load %arg7[%swap3A_171, %swap3A_172] {strides = array<i32>} : memref<32x128xf32, #tpu.memory_space<vmem>>, vector<1x16xf32>,
    %swap3A_174 = vector.shape_cast %swap3A_173 : vector<1x16xf32> to vector<16xf32>
    %swap3A_175 = vector.shape_cast %get3A_26 : vector<16xf32> to vector<1x16xf32>
    tpu.vector_store %arg7[%swap3A_171, %swap3A_172], %swap3A_175 {strides = array<i32>} : memref<32x128xf32, #tpu.memory_space<vmem>>, vector<1x16xf32>,
    %swap3A_176 = arith.constant 25 : i32
    %swap3A_177 = arith.index_cast %swap3A_176 : i32 to index
    %swap3A_178 = arith.constant 0 : index
    %swap3A_179 = tpu.vector_load %arg7[%swap3A_177, %swap3A_178] {strides = array<i32>} : memref<32x128xf32, #tpu.memory_space<vmem>>, vector<1x16xf32>,
    %swap3A_180 = vector.shape_cast %swap3A_179 : vector<1x16xf32> to vector<16xf32>
    %swap3A_181 = vector.shape_cast %get3A_26 : vector<16xf32> to vector<1x16xf32>
    tpu.vector_store %arg7[%swap3A_177, %swap3A_178], %swap3A_181 {strides = array<i32>} : memref<32x128xf32, #tpu.memory_space<vmem>>, vector<1x16xf32>,
    %swap3A_182 = arith.constant 26 : i32
    %swap3A_183 = arith.index_cast %swap3A_182 : i32 to index
    %swap3A_184 = arith.constant 0 : index
    %swap3A_185 = tpu.vector_load %arg7[%swap3A_183, %swap3A_184] {strides = array<i32>} : memref<32x128xf32, #tpu.memory_space<vmem>>, vector<1x16xf32>,
    %swap3A_186 = vector.shape_cast %swap3A_185 : vector<1x16xf32> to vector<16xf32>
    %swap3A_187 = vector.shape_cast %get3A_26 : vector<16xf32> to vector<1x16xf32>
    tpu.vector_store %arg7[%swap3A_183, %swap3A_184], %swap3A_187 {strides = array<i32>} : memref<32x128xf32, #tpu.memory_space<vmem>>, vector<1x16xf32>,
    %swap3A_188 = arith.constant 27 : i32
    %swap3A_189 = arith.index_cast %swap3A_188 : i32 to index
    %swap3A_190 = arith.constant 0 : index
    %swap3A_191 = tpu.vector_load %arg7[%swap3A_189, %swap3A_190] {strides = array<i32>} : memref<32x128xf32, #tpu.memory_space<vmem>>, vector<1x16xf32>,
    %swap3A_192 = vector.shape_cast %swap3A_191 : vector<1x16xf32> to vector<16xf32>
    %swap3A_193 = vector.shape_cast %get3A_26 : vector<16xf32> to vector<1x16xf32>
    tpu.vector_store %arg7[%swap3A_189, %swap3A_190], %swap3A_193 {strides = array<i32>} : memref<32x128xf32, #tpu.memory_space<vmem>>, vector<1x16xf32>,
    %swap3A_194 = arith.constant 28 : i32
    %swap3A_195 = arith.index_cast %swap3A_194 : i32 to index
    %swap3A_196 = arith.constant 0 : index
    %swap3A_197 = tpu.vector_load %arg7[%swap3A_195, %swap3A_196] {strides = array<i32>} : memref<32x128xf32, #tpu.memory_space<vmem>>, vector<1x16xf32>,
    %swap3A_198 = vector.shape_cast %swap3A_197 : vector<1x16xf32> to vector<16xf32>
    %swap3A_199 = vector.shape_cast %get3A_26 : vector<16xf32> to vector<1x16xf32>
    tpu.vector_store %arg7[%swap3A_195, %swap3A_196], %swap3A_199 {strides = array<i32>} : memref<32x128xf32, #tpu.memory_space<vmem>>, vector<1x16xf32>,
    %swap3A_200 = arith.constant 29 : i32
    %swap3A_201 = arith.index_cast %swap3A_200 : i32 to index
    %swap3A_202 = arith.constant 0 : index
    %swap3A_203 = tpu.vector_load %arg7[%swap3A_201, %swap3A_202] {strides = array<i32>} : memref<32x128xf32, #tpu.memory_space<vmem>>, vector<1x16xf32>,
    %swap3A_204 = vector.shape_cast %swap3A_203 : vector<1x16xf32> to vector<16xf32>
    %swap3A_205 = vector.shape_cast %get3A_26 : vector<16xf32> to vector<1x16xf32>
    tpu.vector_store %arg7[%swap3A_201, %swap3A_202], %swap3A_205 {strides = array<i32>} : memref<32x128xf32, #tpu.memory_space<vmem>>, vector<1x16xf32>,
    %swap3A_206 = arith.constant 30 : i32
    %swap3A_207 = arith.index_cast %swap3A_206 : i32 to index
    %swap3A_208 = arith.constant 0 : index
    %swap3A_209 = tpu.vector_load %arg7[%swap3A_207, %swap3A_208] {strides = array<i32>} : memref<32x128xf32, #tpu.memory_space<vmem>>, vector<1x16xf32>,
    %swap3A_210 = vector.shape_cast %swap3A_209 : vector<1x16xf32> to vector<16xf32>
    %swap3A_211 = vector.shape_cast %get3A_26 : vector<16xf32> to vector<1x16xf32>
    tpu.vector_store %arg7[%swap3A_207, %swap3A_208], %swap3A_211 {strides = array<i32>} : memref<32x128xf32, #tpu.memory_space<vmem>>, vector<1x16xf32>,
    %swap3A_212 = arith.constant 31 : i32
    %swap3A_213 = arith.index_cast %swap3A_212 : i32 to index
    %swap3A_214 = arith.constant 0 : index
    %swap3A_215 = tpu.vector_load %arg7[%swap3A_213, %swap3A_214] {strides = array<i32>} : memref<32x128xf32, #tpu.memory_space<vmem>>, vector<1x16xf32>,
    %swap3A_216 = vector.shape_cast %swap3A_215 : vector<1x16xf32> to vector<16xf32>
    %swap3A_217 = vector.shape_cast %get3A_26 : vector<16xf32> to vector<1x16xf32>
    tpu.vector_store %arg7[%swap3A_213, %swap3A_214], %swap3A_217 {strides = array<i32>} : memref<32x128xf32, #tpu.memory_space<vmem>>, vector<1x16xf32>,
    %get3A_218 = arith.constant 0 : i32
    %get3A_219 = arith.index_cast %get3A_218 : i32 to index
    %get3A_220 = arith.constant 16 : index
    %get3A_221 = tpu.vector_load %arg8[%get3A_219, %get3A_220] {strides = array<i32>} : memref<1x128xf32, #tpu.memory_space<vmem>>, vector<1x16xf32>,
    %get3A_222 = vector.shape_cast %get3A_221 : vector<1x16xf32> to vector<16xf32>
    %swap3A_223 = arith.constant 0 : i32
    %swap3A_224 = arith.index_cast %swap3A_223 : i32 to index
    %swap3A_225 = arith.constant 16 : index
    %swap3A_226 = tpu.vector_load %arg7[%swap3A_224, %swap3A_225] {strides = array<i32>} : memref<32x128xf32, #tpu.memory_space<vmem>>, vector<1x16xf32>,
    %swap3A_227 = vector.shape_cast %swap3A_226 : vector<1x16xf32> to vector<16xf32>
    %swap3A_228 = vector.shape_cast %get3A_222 : vector<16xf32> to vector<1x16xf32>
    tpu.vector_store %arg7[%swap3A_224, %swap3A_225], %swap3A_228 {strides = array<i32>} : memref<32x128xf32, #tpu.memory_space<vmem>>, vector<1x16xf32>,
    %swap3A_229 = arith.constant 1 : i32
    %swap3A_230 = arith.index_cast %swap3A_229 : i32 to index
    %swap3A_231 = arith.constant 16 : index
    %swap3A_232 = tpu.vector_load %arg7[%swap3A_230, %swap3A_231] {strides = array<i32>} : memref<32x128xf32, #tpu.memory_space<vmem>>, vector<1x16xf32>,
    %swap3A_233 = vector.shape_cast %swap3A_232 : vector<1x16xf32> to vector<16xf32>
    %swap3A_234 = vector.shape_cast %get3A_222 : vector<16xf32> to vector<1x16xf32>
    tpu.vector_store %arg7[%swap3A_230, %swap3A_231], %swap3A_234 {strides = array<i32>} : memref<32x128xf32, #tpu.memory_space<vmem>>, vector<1x16xf32>,
    %swap3A_235 = arith.constant 2 : i32
    %swap3A_236 = arith.index_cast %swap3A_235 : i32 to index
    %swap3A_237 = arith.constant 16 : index
    %swap3A_238 = tpu.vector_load %arg7[%swap3A_236, %swap3A_237] {strides = array<i32>} : memref<32x128xf32, #tpu.memory_space<vmem>>, vector<1x16xf32>,
    %swap3A_239 = vector.shape_cast %swap3A_238 : vector<1x16xf32> to vector<16xf32>
    %swap3A_240 = vector.shape_cast %get3A_222 : vector<16xf32> to vector<1x16xf32>
    tpu.vector_store %arg7[%swap3A_236, %swap3A_237], %swap3A_240 {strides = array<i32>} : memref<32x128xf32, #tpu.memory_space<vmem>>, vector<1x16xf32>,
    %swap3A_241 = arith.constant 3 : i32
    %swap3A_242 = arith.index_cast %swap3A_241 : i32 to index
    %swap3A_243 = arith.constant 16 : index
    %swap3A_244 = tpu.vector_load %arg7[%swap3A_242, %swap3A_243] {strides = array<i32>} : memref<32x128xf32, #tpu.memory_space<vmem>>, vector<1x16xf32>,
    %swap3A_245 = vector.shape_cast %swap3A_244 : vector<1x16xf32> to vector<16xf32>
    %swap3A_246 = vector.shape_cast %get3A_222 : vector<16xf32> to vector<1x16xf32>
    tpu.vector_store %arg7[%swap3A_242, %swap3A_243], %swap3A_246 {strides = array<i32>} : memref<32x128xf32, #tpu.memory_space<vmem>>, vector<1x16xf32>,
    %swap3A_247 = arith.constant 4 : i32
    %swap3A_248 = arith.index_cast %swap3A_247 : i32 to index
    %swap3A_249 = arith.constant 16 : index
    %swap3A_250 = tpu.vector_load %arg7[%swap3A_248, %swap3A_249] {strides = array<i32>} : memref<32x128xf32, #tpu.memory_space<vmem>>, vector<1x16xf32>,
    %swap3A_251 = vector.shape_cast %swap3A_250 : vector<1x16xf32> to vector<16xf32>
    %swap3A_252 = vector.shape_cast %get3A_222 : vector<16xf32> to vector<1x16xf32>
    tpu.vector_store %arg7[%swap3A_248, %swap3A_249], %swap3A_252 {strides = array<i32>} : memref<32x128xf32, #tpu.memory_space<vmem>>, vector<1x16xf32>,
    %swap3A_253 = arith.constant 5 : i32
    %swap3A_254 = arith.index_cast %swap3A_253 : i32 to index
    %swap3A_255 = arith.constant 16 : index
    %swap3A_256 = tpu.vector_load %arg7[%swap3A_254, %swap3A_255] {strides = array<i32>} : memref<32x128xf32, #tpu.memory_space<vmem>>, vector<1x16xf32>,
    %swap3A_257 = vector.shape_cast %swap3A_256 : vector<1x16xf32> to vector<16xf32>
    %swap3A_258 = vector.shape_cast %get3A_222 : vector<16xf32> to vector<1x16xf32>
    tpu.vector_store %arg7[%swap3A_254, %swap3A_255], %swap3A_258 {strides = array<i32>} : memref<32x128xf32, #tpu.memory_space<vmem>>, vector<1x16xf32>,
    %swap3A_259 = arith.constant 6 : i32
    %swap3A_260 = arith.index_cast %swap3A_259 : i32 to index
    %swap3A_261 = arith.constant 16 : index
    %swap3A_262 = tpu.vector_load %arg7[%swap3A_260, %swap3A_261] {strides = array<i32>} : memref<32x128xf32, #tpu.memory_space<vmem>>, vector<1x16xf32>,
    %swap3A_263 = vector.shape_cast %swap3A_262 : vector<1x16xf32> to vector<16xf32>
    %swap3A_264 = vector.shape_cast %get3A_222 : vector<16xf32> to vector<1x16xf32>
    tpu.vector_store %arg7[%swap3A_260, %swap3A_261], %swap3A_264 {strides = array<i32>} : memref<32x128xf32, #tpu.memory_space<vmem>>, vector<1x16xf32>,
    %swap3A_265 = arith.constant 7 : i32
    %swap3A_266 = arith.index_cast %swap3A_265 : i32 to index
    %swap3A_267 = arith.constant 16 : index
    %swap3A_268 = tpu.vector_load %arg7[%swap3A_266, %swap3A_267] {strides = array<i32>} : memref<32x128xf32, #tpu.memory_space<vmem>>, vector<1x16xf32>,
    %swap3A_269 = vector.shape_cast %swap3A_268 : vector<1x16xf32> to vector<16xf32>
    %swap3A_270 = vector.shape_cast %get3A_222 : vector<16xf32> to vector<1x16xf32>
    tpu.vector_store %arg7[%swap3A_266, %swap3A_267], %swap3A_270 {strides = array<i32>} : memref<32x128xf32, #tpu.memory_space<vmem>>, vector<1x16xf32>,
    %swap3A_271 = arith.constant 8 : i32
    %swap3A_272 = arith.index_cast %swap3A_271 : i32 to index
    %swap3A_273 = arith.constant 16 : index
    %swap3A_274 = tpu.vector_load %arg7[%swap3A_272, %swap3A_273] {strides = array<i32>} : memref<32x128xf32, #tpu.memory_space<vmem>>, vector<1x16xf32>,
    %swap3A_275 = vector.shape_cast %swap3A_274 : vector<1x16xf32> to vector<16xf32>
    %swap3A_276 = vector.shape_cast %get3A_222 : vector<16xf32> to vector<1x16xf32>
    tpu.vector_store %arg7[%swap3A_272, %swap3A_273], %swap3A_276 {strides = array<i32>} : memref<32x128xf32, #tpu.memory_space<vmem>>, vector<1x16xf32>,
    %swap3A_277 = arith.constant 9 : i32
    %swap3A_278 = arith.index_cast %swap3A_277 : i32 to index
    %swap3A_279 = arith.constant 16 : index
    %swap3A_280 = tpu.vector_load %arg7[%swap3A_278, %swap3A_279] {strides = array<i32>} : memref<32x128xf32, #tpu.memory_space<vmem>>, vector<1x16xf32>,
    %swap3A_281 = vector.shape_cast %swap3A_280 : vector<1x16xf32> to vector<16xf32>
    %swap3A_282 = vector.shape_cast %get3A_222 : vector<16xf32> to vector<1x16xf32>
    tpu.vector_store %arg7[%swap3A_278, %swap3A_279], %swap3A_282 {strides = array<i32>} : memref<32x128xf32, #tpu.memory_space<vmem>>, vector<1x16xf32>,
    %swap3A_283 = arith.constant 10 : i32
    %swap3A_284 = arith.index_cast %swap3A_283 : i32 to index
    %swap3A_285 = arith.constant 16 : index
    %swap3A_286 = tpu.vector_load %arg7[%swap3A_284, %swap3A_285] {strides = array<i32>} : memref<32x128xf32, #tpu.memory_space<vmem>>, vector<1x16xf32>,
    %swap3A_287 = vector.shape_cast %swap3A_286 : vector<1x16xf32> to vector<16xf32>
    %swap3A_288 = vector.shape_cast %get3A_222 : vector<16xf32> to vector<1x16xf32>
    tpu.vector_store %arg7[%swap3A_284, %swap3A_285], %swap3A_288 {strides = array<i32>} : memref<32x128xf32, #tpu.memory_space<vmem>>, vector<1x16xf32>,
    %swap3A_289 = arith.constant 11 : i32
    %swap3A_290 = arith.index_cast %swap3A_289 : i32 to index
    %swap3A_291 = arith.constant 16 : index
    %swap3A_292 = tpu.vector_load %arg7[%swap3A_290, %swap3A_291] {strides = array<i32>} : memref<32x128xf32, #tpu.memory_space<vmem>>, vector<1x16xf32>,
    %swap3A_293 = vector.shape_cast %swap3A_292 : vector<1x16xf32> to vector<16xf32>
    %swap3A_294 = vector.shape_cast %get3A_222 : vector<16xf32> to vector<1x16xf32>
    tpu.vector_store %arg7[%swap3A_290, %swap3A_291], %swap3A_294 {strides = array<i32>} : memref<32x128xf32, #tpu.memory_space<vmem>>, vector<1x16xf32>,
    %swap3A_295 = arith.constant 12 : i32
    %swap3A_296 = arith.index_cast %swap3A_295 : i32 to index
    %swap3A_297 = arith.constant 16 : index
    %swap3A_298 = tpu.vector_load %arg7[%swap3A_296, %swap3A_297] {strides = array<i32>} : memref<32x128xf32, #tpu.memory_space<vmem>>, vector<1x16xf32>,
    %swap3A_299 = vector.shape_cast %swap3A_298 : vector<1x16xf32> to vector<16xf32>
    %swap3A_300 = vector.shape_cast %get3A_222 : vector<16xf32> to vector<1x16xf32>
    tpu.vector_store %arg7[%swap3A_296, %swap3A_297], %swap3A_300 {strides = array<i32>} : memref<32x128xf32, #tpu.memory_space<vmem>>, vector<1x16xf32>,
    %swap3A_301 = arith.constant 13 : i32
    %swap3A_302 = arith.index_cast %swap3A_301 : i32 to index
    %swap3A_303 = arith.constant 16 : index
    %swap3A_304 = tpu.vector_load %arg7[%swap3A_302, %swap3A_303] {strides = array<i32>} : memref<32x128xf32, #tpu.memory_space<vmem>>, vector<1x16xf32>,
    %swap3A_305 = vector.shape_cast %swap3A_304 : vector<1x16xf32> to vector<16xf32>
    %swap3A_306 = vector.shape_cast %get3A_222 : vector<16xf32> to vector<1x16xf32>
    tpu.vector_store %arg7[%swap3A_302, %swap3A_303], %swap3A_306 {strides = array<i32>} : memref<32x128xf32, #tpu.memory_space<vmem>>, vector<1x16xf32>,
    %swap3A_307 = arith.constant 14 : i32
    %swap3A_308 = arith.index_cast %swap3A_307 : i32 to index
    %swap3A_309 = arith.constant 16 : index
    %swap3A_310 = tpu.vector_load %arg7[%swap3A_308, %swap3A_309] {strides = array<i32>} : memref<32x128xf32, #tpu.memory_space<vmem>>, vector<1x16xf32>,
    %swap3A_311 = vector.shape_cast %swap3A_310 : vector<1x16xf32> to vector<16xf32>
    %swap3A_312 = vector.shape_cast %get3A_222 : vector<16xf32> to vector<1x16xf32>
    tpu.vector_store %arg7[%swap3A_308, %swap3A_309], %swap3A_312 {strides = array<i32>} : memref<32x128xf32, #tpu.memory_space<vmem>>, vector<1x16xf32>,
    %swap3A_313 = arith.constant 15 : i32
    %swap3A_314 = arith.index_cast %swap3A_313 : i32 to index
    %swap3A_315 = arith.constant 16 : index
    %swap3A_316 = tpu.vector_load %arg7[%swap3A_314, %swap3A_315] {strides = array<i32>} : memref<32x128xf32, #tpu.memory_space<vmem>>, vector<1x16xf32>,
    %swap3A_317 = vector.shape_cast %swap3A_316 : vector<1x16xf32> to vector<16xf32>
    %swap3A_318 = vector.shape_cast %get3A_222 : vector<16xf32> to vector<1x16xf32>
    tpu.vector_store %arg7[%swap3A_314, %swap3A_315], %swap3A_318 {strides = array<i32>} : memref<32x128xf32, #tpu.memory_space<vmem>>, vector<1x16xf32>,
    %swap3A_319 = arith.constant 16 : i32
    %swap3A_320 = arith.index_cast %swap3A_319 : i32 to index
    %swap3A_321 = arith.constant 16 : index
    %swap3A_322 = tpu.vector_load %arg7[%swap3A_320, %swap3A_321] {strides = array<i32>} : memref<32x128xf32, #tpu.memory_space<vmem>>, vector<1x16xf32>,
    %swap3A_323 = vector.shape_cast %swap3A_322 : vector<1x16xf32> to vector<16xf32>
    %swap3A_324 = vector.shape_cast %get3A_222 : vector<16xf32> to vector<1x16xf32>
    tpu.vector_store %arg7[%swap3A_320, %swap3A_321], %swap3A_324 {strides = array<i32>} : memref<32x128xf32, #tpu.memory_space<vmem>>, vector<1x16xf32>,
    %swap3A_325 = arith.constant 17 : i32
    %swap3A_326 = arith.index_cast %swap3A_325 : i32 to index
    %swap3A_327 = arith.constant 16 : index
    %swap3A_328 = tpu.vector_load %arg7[%swap3A_326, %swap3A_327] {strides = array<i32>} : memref<32x128xf32, #tpu.memory_space<vmem>>, vector<1x16xf32>,
    %swap3A_329 = vector.shape_cast %swap3A_328 : vector<1x16xf32> to vector<16xf32>
    %swap3A_330 = vector.shape_cast %get3A_222 : vector<16xf32> to vector<1x16xf32>
    tpu.vector_store %arg7[%swap3A_326, %swap3A_327], %swap3A_330 {strides = array<i32>} : memref<32x128xf32, #tpu.memory_space<vmem>>, vector<1x16xf32>,
    %swap3A_331 = arith.constant 18 : i32
    %swap3A_332 = arith.index_cast %swap3A_331 : i32 to index
    %swap3A_333 = arith.constant 16 : index
    %swap3A_334 = tpu.vector_load %arg7[%swap3A_332, %swap3A_333] {strides = array<i32>} : memref<32x128xf32, #tpu.memory_space<vmem>>, vector<1x16xf32>,
    %swap3A_335 = vector.shape_cast %swap3A_334 : vector<1x16xf32> to vector<16xf32>
    %swap3A_336 = vector.shape_cast %get3A_222 : vector<16xf32> to vector<1x16xf32>
    tpu.vector_store %arg7[%swap3A_332, %swap3A_333], %swap3A_336 {strides = array<i32>} : memref<32x128xf32, #tpu.memory_space<vmem>>, vector<1x16xf32>,
    %swap3A_337 = arith.constant 19 : i32
    %swap3A_338 = arith.index_cast %swap3A_337 : i32 to index
    %swap3A_339 = arith.constant 16 : index
    %swap3A_340 = tpu.vector_load %arg7[%swap3A_338, %swap3A_339] {strides = array<i32>} : memref<32x128xf32, #tpu.memory_space<vmem>>, vector<1x16xf32>,
    %swap3A_341 = vector.shape_cast %swap3A_340 : vector<1x16xf32> to vector<16xf32>
    %swap3A_342 = vector.shape_cast %get3A_222 : vector<16xf32> to vector<1x16xf32>
    tpu.vector_store %arg7[%swap3A_338, %swap3A_339], %swap3A_342 {strides = array<i32>} : memref<32x128xf32, #tpu.memory_space<vmem>>, vector<1x16xf32>,
    %swap3A_343 = arith.constant 20 : i32
    %swap3A_344 = arith.index_cast %swap3A_343 : i32 to index
    %swap3A_345 = arith.constant 16 : index
    %swap3A_346 = tpu.vector_load %arg7[%swap3A_344, %swap3A_345] {strides = array<i32>} : memref<32x128xf32, #tpu.memory_space<vmem>>, vector<1x16xf32>,
    %swap3A_347 = vector.shape_cast %swap3A_346 : vector<1x16xf32> to vector<16xf32>
    %swap3A_348 = vector.shape_cast %get3A_222 : vector<16xf32> to vector<1x16xf32>
    tpu.vector_store %arg7[%swap3A_344, %swap3A_345], %swap3A_348 {strides = array<i32>} : memref<32x128xf32, #tpu.memory_space<vmem>>, vector<1x16xf32>,
    %swap3A_349 = arith.constant 21 : i32
    %swap3A_350 = arith.index_cast %swap3A_349 : i32 to index
    %swap3A_351 = arith.constant 16 : index
    %swap3A_352 = tpu.vector_load %arg7[%swap3A_350, %swap3A_351] {strides = array<i32>} : memref<32x128xf32, #tpu.memory_space<vmem>>, vector<1x16xf32>,
    %swap3A_353 = vector.shape_cast %swap3A_352 : vector<1x16xf32> to vector<16xf32>
    %swap3A_354 = vector.shape_cast %get3A_222 : vector<16xf32> to vector<1x16xf32>
    tpu.vector_store %arg7[%swap3A_350, %swap3A_351], %swap3A_354 {strides = array<i32>} : memref<32x128xf32, #tpu.memory_space<vmem>>, vector<1x16xf32>,
    %swap3A_355 = arith.constant 22 : i32
    %swap3A_356 = arith.index_cast %swap3A_355 : i32 to index
    %swap3A_357 = arith.constant 16 : index
    %swap3A_358 = tpu.vector_load %arg7[%swap3A_356, %swap3A_357] {strides = array<i32>} : memref<32x128xf32, #tpu.memory_space<vmem>>, vector<1x16xf32>,
    %swap3A_359 = vector.shape_cast %swap3A_358 : vector<1x16xf32> to vector<16xf32>
    %swap3A_360 = vector.shape_cast %get3A_222 : vector<16xf32> to vector<1x16xf32>
    tpu.vector_store %arg7[%swap3A_356, %swap3A_357], %swap3A_360 {strides = array<i32>} : memref<32x128xf32, #tpu.memory_space<vmem>>, vector<1x16xf32>,
    %swap3A_361 = arith.constant 23 : i32
    %swap3A_362 = arith.index_cast %swap3A_361 : i32 to index
    %swap3A_363 = arith.constant 16 : index
    %swap3A_364 = tpu.vector_load %arg7[%swap3A_362, %swap3A_363] {strides = array<i32>} : memref<32x128xf32, #tpu.memory_space<vmem>>, vector<1x16xf32>,
    %swap3A_365 = vector.shape_cast %swap3A_364 : vector<1x16xf32> to vector<16xf32>
    %swap3A_366 = vector.shape_cast %get3A_222 : vector<16xf32> to vector<1x16xf32>
    tpu.vector_store %arg7[%swap3A_362, %swap3A_363], %swap3A_366 {strides = array<i32>} : memref<32x128xf32, #tpu.memory_space<vmem>>, vector<1x16xf32>,
    %swap3A_367 = arith.constant 24 : i32
    %swap3A_368 = arith.index_cast %swap3A_367 : i32 to index
    %swap3A_369 = arith.constant 16 : index
    %swap3A_370 = tpu.vector_load %arg7[%swap3A_368, %swap3A_369] {strides = array<i32>} : memref<32x128xf32, #tpu.memory_space<vmem>>, vector<1x16xf32>,
    %swap3A_371 = vector.shape_cast %swap3A_370 : vector<1x16xf32> to vector<16xf32>
    %swap3A_372 = vector.shape_cast %get3A_222 : vector<16xf32> to vector<1x16xf32>
    tpu.vector_store %arg7[%swap3A_368, %swap3A_369], %swap3A_372 {strides = array<i32>} : memref<32x128xf32, #tpu.memory_space<vmem>>, vector<1x16xf32>,
    %swap3A_373 = arith.constant 25 : i32
    %swap3A_374 = arith.index_cast %swap3A_373 : i32 to index
    %swap3A_375 = arith.constant 16 : index
    %swap3A_376 = tpu.vector_load %arg7[%swap3A_374, %swap3A_375] {strides = array<i32>} : memref<32x128xf32, #tpu.memory_space<vmem>>, vector<1x16xf32>,
    %swap3A_377 = vector.shape_cast %swap3A_376 : vector<1x16xf32> to vector<16xf32>
    %swap3A_378 = vector.shape_cast %get3A_222 : vector<16xf32> to vector<1x16xf32>
    tpu.vector_store %arg7[%swap3A_374, %swap3A_375], %swap3A_378 {strides = array<i32>} : memref<32x128xf32, #tpu.memory_space<vmem>>, vector<1x16xf32>,
    %swap3A_379 = arith.constant 26 : i32
    %swap3A_380 = arith.index_cast %swap3A_379 : i32 to index
    %swap3A_381 = arith.constant 16 : index
    %swap3A_382 = tpu.vector_load %arg7[%swap3A_380, %swap3A_381] {strides = array<i32>} : memref<32x128xf32, #tpu.memory_space<vmem>>, vector<1x16xf32>,
    %swap3A_383 = vector.shape_cast %swap3A_382 : vector<1x16xf32> to vector<16xf32>
    %swap3A_384 = vector.shape_cast %get3A_222 : vector<16xf32> to vector<1x16xf32>
    tpu.vector_store %arg7[%swap3A_380, %swap3A_381], %swap3A_384 {strides = array<i32>} : memref<32x128xf32, #tpu.memory_space<vmem>>, vector<1x16xf32>,
    %swap3A_385 = arith.constant 27 : i32
    %swap3A_386 = arith.index_cast %swap3A_385 : i32 to index
    %swap3A_387 = arith.constant 16 : index
    %swap3A_388 = tpu.vector_load %arg7[%swap3A_386, %swap3A_387] {strides = array<i32>} : memref<32x128xf32, #tpu.memory_space<vmem>>, vector<1x16xf32>,
    %swap3A_389 = vector.shape_cast %swap3A_388 : vector<1x16xf32> to vector<16xf32>
    %swap3A_390 = vector.shape_cast %get3A_222 : vector<16xf32> to vector<1x16xf32>
    tpu.vector_store %arg7[%swap3A_386, %swap3A_387], %swap3A_390 {strides = array<i32>} : memref<32x128xf32, #tpu.memory_space<vmem>>, vector<1x16xf32>,
    %swap3A_391 = arith.constant 28 : i32
    %swap3A_392 = arith.index_cast %swap3A_391 : i32 to index
    %swap3A_393 = arith.constant 16 : index
    %swap3A_394 = tpu.vector_load %arg7[%swap3A_392, %swap3A_393] {strides = array<i32>} : memref<32x128xf32, #tpu.memory_space<vmem>>, vector<1x16xf32>,
    %swap3A_395 = vector.shape_cast %swap3A_394 : vector<1x16xf32> to vector<16xf32>
    %swap3A_396 = vector.shape_cast %get3A_222 : vector<16xf32> to vector<1x16xf32>
    tpu.vector_store %arg7[%swap3A_392, %swap3A_393], %swap3A_396 {strides = array<i32>} : memref<32x128xf32, #tpu.memory_space<vmem>>, vector<1x16xf32>,
    %swap3A_397 = arith.constant 29 : i32
    %swap3A_398 = arith.index_cast %swap3A_397 : i32 to index
    %swap3A_399 = arith.constant 16 : index
    %swap3A_400 = tpu.vector_load %arg7[%swap3A_398, %swap3A_399] {strides = array<i32>} : memref<32x128xf32, #tpu.memory_space<vmem>>, vector<1x16xf32>,
    %swap3A_401 = vector.shape_cast %swap3A_400 : vector<1x16xf32> to vector<16xf32>
    %swap3A_402 = vector.shape_cast %get3A_222 : vector<16xf32> to vector<1x16xf32>
    tpu.vector_store %arg7[%swap3A_398, %swap3A_399], %swap3A_402 {strides = array<i32>} : memref<32x128xf32, #tpu.memory_space<vmem>>, vector<1x16xf32>,
    %swap3A_403 = arith.constant 30 : i32
    %swap3A_404 = arith.index_cast %swap3A_403 : i32 to index
    %swap3A_405 = arith.constant 16 : index
    %swap3A_406 = tpu.vector_load %arg7[%swap3A_404, %swap3A_405] {strides = array<i32>} : memref<32x128xf32, #tpu.memory_space<vmem>>, vector<1x16xf32>,
    %swap3A_407 = vector.shape_cast %swap3A_406 : vector<1x16xf32> to vector<16xf32>
    %swap3A_408 = vector.shape_cast %get3A_222 : vector<16xf32> to vector<1x16xf32>
    tpu.vector_store %arg7[%swap3A_404, %swap3A_405], %swap3A_408 {strides = array<i32>} : memref<32x128xf32, #tpu.memory_space<vmem>>, vector<1x16xf32>,
    %swap3A_409 = arith.constant 31 : i32
    %swap3A_410 = arith.index_cast %swap3A_409 : i32 to index
    %swap3A_411 = arith.constant 16 : index
    %swap3A_412 = tpu.vector_load %arg7[%swap3A_410, %swap3A_411] {strides = array<i32>} : memref<32x128xf32, #tpu.memory_space<vmem>>, vector<1x16xf32>,
    %swap3A_413 = vector.shape_cast %swap3A_412 : vector<1x16xf32> to vector<16xf32>
    %swap3A_414 = vector.shape_cast %get3A_222 : vector<16xf32> to vector<1x16xf32>
    tpu.vector_store %arg7[%swap3A_410, %swap3A_411], %swap3A_414 {strides = array<i32>} : memref<32x128xf32, #tpu.memory_space<vmem>>, vector<1x16xf32>,
    %get3A_415 = arith.constant 0 : i32
    %get3A_416 = arith.index_cast %get3A_415 : i32 to index
    %get3A_417 = arith.constant 32 : index
    %get3A_418 = tpu.vector_load %arg8[%get3A_416, %get3A_417] {strides = array<i32>} : memref<1x128xf32, #tpu.memory_space<vmem>>, vector<1x16xf32>,
    %get3A_419 = vector.shape_cast %get3A_418 : vector<1x16xf32> to vector<16xf32>
    %swap3A_420 = arith.constant 0 : i32
    %swap3A_421 = arith.index_cast %swap3A_420 : i32 to index
    %swap3A_422 = arith.constant 32 : index
    %swap3A_423 = tpu.vector_load %arg7[%swap3A_421, %swap3A_422] {strides = array<i32>} : memref<32x128xf32, #tpu.memory_space<vmem>>, vector<1x16xf32>,
    %swap3A_424 = vector.shape_cast %swap3A_423 : vector<1x16xf32> to vector<16xf32>
    %swap3A_425 = vector.shape_cast %get3A_419 : vector<16xf32> to vector<1x16xf32>
    tpu.vector_store %arg7[%swap3A_421, %swap3A_422], %swap3A_425 {strides = array<i32>} : memref<32x128xf32, #tpu.memory_space<vmem>>, vector<1x16xf32>,
    %swap3A_426 = arith.constant 1 : i32
    %swap3A_427 = arith.index_cast %swap3A_426 : i32 to index
    %swap3A_428 = arith.constant 32 : index
    %swap3A_429 = tpu.vector_load %arg7[%swap3A_427, %swap3A_428] {strides = array<i32>} : memref<32x128xf32, #tpu.memory_space<vmem>>, vector<1x16xf32>,
    %swap3A_430 = vector.shape_cast %swap3A_429 : vector<1x16xf32> to vector<16xf32>
    %swap3A_431 = vector.shape_cast %get3A_419 : vector<16xf32> to vector<1x16xf32>
    tpu.vector_store %arg7[%swap3A_427, %swap3A_428], %swap3A_431 {strides = array<i32>} : memref<32x128xf32, #tpu.memory_space<vmem>>, vector<1x16xf32>,
    %swap3A_432 = arith.constant 2 : i32
    %swap3A_433 = arith.index_cast %swap3A_432 : i32 to index
    %swap3A_434 = arith.constant 32 : index
    %swap3A_435 = tpu.vector_load %arg7[%swap3A_433, %swap3A_434] {strides = array<i32>} : memref<32x128xf32, #tpu.memory_space<vmem>>, vector<1x16xf32>,
    %swap3A_436 = vector.shape_cast %swap3A_435 : vector<1x16xf32> to vector<16xf32>
    %swap3A_437 = vector.shape_cast %get3A_419 : vector<16xf32> to vector<1x16xf32>
    tpu.vector_store %arg7[%swap3A_433, %swap3A_434], %swap3A_437 {strides = array<i32>} : memref<32x128xf32, #tpu.memory_space<vmem>>, vector<1x16xf32>,
    %swap3A_438 = arith.constant 3 : i32
    %swap3A_439 = arith.index_cast %swap3A_438 : i32 to index
    %swap3A_440 = arith.constant 32 : index
    %swap3A_441 = tpu.vector_load %arg7[%swap3A_439, %swap3A_440] {strides = array<i32>} : memref<32x128xf32, #tpu.memory_space<vmem>>, vector<1x16xf32>,
    %swap3A_442 = vector.shape_cast %swap3A_441 : vector<1x16xf32> to vector<16xf32>
    %swap3A_443 = vector.shape_cast %get3A_419 : vector<16xf32> to vector<1x16xf32>
    tpu.vector_store %arg7[%swap3A_439, %swap3A_440], %swap3A_443 {strides = array<i32>} : memref<32x128xf32, #tpu.memory_space<vmem>>, vector<1x16xf32>,
    %swap3A_444 = arith.constant 4 : i32
    %swap3A_445 = arith.index_cast %swap3A_444 : i32 to index
    %swap3A_446 = arith.constant 32 : index
    %swap3A_447 = tpu.vector_load %arg7[%swap3A_445, %swap3A_446] {strides = array<i32>} : memref<32x128xf32, #tpu.memory_space<vmem>>, vector<1x16xf32>,
    %swap3A_448 = vector.shape_cast %swap3A_447 : vector<1x16xf32> to vector<16xf32>
    %swap3A_449 = vector.shape_cast %get3A_419 : vector<16xf32> to vector<1x16xf32>
    tpu.vector_store %arg7[%swap3A_445, %swap3A_446], %swap3A_449 {strides = array<i32>} : memref<32x128xf32, #tpu.memory_space<vmem>>, vector<1x16xf32>,
    %swap3A_450 = arith.constant 5 : i32
    %swap3A_451 = arith.index_cast %swap3A_450 : i32 to index
    %swap3A_452 = arith.constant 32 : index
    %swap3A_453 = tpu.vector_load %arg7[%swap3A_451, %swap3A_452] {strides = array<i32>} : memref<32x128xf32, #tpu.memory_space<vmem>>, vector<1x16xf32>,
    %swap3A_454 = vector.shape_cast %swap3A_453 : vector<1x16xf32> to vector<16xf32>
    %swap3A_455 = vector.shape_cast %get3A_419 : vector<16xf32> to vector<1x16xf32>
    tpu.vector_store %arg7[%swap3A_451, %swap3A_452], %swap3A_455 {strides = array<i32>} : memref<32x128xf32, #tpu.memory_space<vmem>>, vector<1x16xf32>,
    %swap3A_456 = arith.constant 6 : i32
    %swap3A_457 = arith.index_cast %swap3A_456 : i32 to index
    %swap3A_458 = arith.constant 32 : index
    %swap3A_459 = tpu.vector_load %arg7[%swap3A_457, %swap3A_458] {strides = array<i32>} : memref<32x128xf32, #tpu.memory_space<vmem>>, vector<1x16xf32>,
    %swap3A_460 = vector.shape_cast %swap3A_459 : vector<1x16xf32> to vector<16xf32>
    %swap3A_461 = vector.shape_cast %get3A_419 : vector<16xf32> to vector<1x16xf32>
    tpu.vector_store %arg7[%swap3A_457, %swap3A_458], %swap3A_461 {strides = array<i32>} : memref<32x128xf32, #tpu.memory_space<vmem>>, vector<1x16xf32>,
    %swap3A_462 = arith.constant 7 : i32
    %swap3A_463 = arith.index_cast %swap3A_462 : i32 to index
    %swap3A_464 = arith.constant 32 : index
    %swap3A_465 = tpu.vector_load %arg7[%swap3A_463, %swap3A_464] {strides = array<i32>} : memref<32x128xf32, #tpu.memory_space<vmem>>, vector<1x16xf32>,
    %swap3A_466 = vector.shape_cast %swap3A_465 : vector<1x16xf32> to vector<16xf32>
    %swap3A_467 = vector.shape_cast %get3A_419 : vector<16xf32> to vector<1x16xf32>
    tpu.vector_store %arg7[%swap3A_463, %swap3A_464], %swap3A_467 {strides = array<i32>} : memref<32x128xf32, #tpu.memory_space<vmem>>, vector<1x16xf32>,
    %swap3A_468 = arith.constant 8 : i32
    %swap3A_469 = arith.index_cast %swap3A_468 : i32 to index
    %swap3A_470 = arith.constant 32 : index
    %swap3A_471 = tpu.vector_load %arg7[%swap3A_469, %swap3A_470] {strides = array<i32>} : memref<32x128xf32, #tpu.memory_space<vmem>>, vector<1x16xf32>,
    %swap3A_472 = vector.shape_cast %swap3A_471 : vector<1x16xf32> to vector<16xf32>
    %swap3A_473 = vector.shape_cast %get3A_419 : vector<16xf32> to vector<1x16xf32>
    tpu.vector_store %arg7[%swap3A_469, %swap3A_470], %swap3A_473 {strides = array<i32>} : memref<32x128xf32, #tpu.memory_space<vmem>>, vector<1x16xf32>,
    %swap3A_474 = arith.constant 9 : i32
    %swap3A_475 = arith.index_cast %swap3A_474 : i32 to index
    %swap3A_476 = arith.constant 32 : index
    %swap3A_477 = tpu.vector_load %arg7[%swap3A_475, %swap3A_476] {strides = array<i32>} : memref<32x128xf32, #tpu.memory_space<vmem>>, vector<1x16xf32>,
    %swap3A_478 = vector.shape_cast %swap3A_477 : vector<1x16xf32> to vector<16xf32>
    %swap3A_479 = vector.shape_cast %get3A_419 : vector<16xf32> to vector<1x16xf32>
    tpu.vector_store %arg7[%swap3A_475, %swap3A_476], %swap3A_479 {strides = array<i32>} : memref<32x128xf32, #tpu.memory_space<vmem>>, vector<1x16xf32>,
    %swap3A_480 = arith.constant 10 : i32
    %swap3A_481 = arith.index_cast %swap3A_480 : i32 to index
    %swap3A_482 = arith.constant 32 : index
    %swap3A_483 = tpu.vector_load %arg7[%swap3A_481, %swap3A_482] {strides = array<i32>} : memref<32x128xf32, #tpu.memory_space<vmem>>, vector<1x16xf32>,
    %swap3A_484 = vector.shape_cast %swap3A_483 : vector<1x16xf32> to vector<16xf32>
    %swap3A_485 = vector.shape_cast %get3A_419 : vector<16xf32> to vector<1x16xf32>
    tpu.vector_store %arg7[%swap3A_481, %swap3A_482], %swap3A_485 {strides = array<i32>} : memref<32x128xf32, #tpu.memory_space<vmem>>, vector<1x16xf32>,
    %swap3A_486 = arith.constant 11 : i32
    %swap3A_487 = arith.index_cast %swap3A_486 : i32 to index
    %swap3A_488 = arith.constant 32 : index
    %swap3A_489 = tpu.vector_load %arg7[%swap3A_487, %swap3A_488] {strides = array<i32>} : memref<32x128xf32, #tpu.memory_space<vmem>>, vector<1x16xf32>,
    %swap3A_490 = vector.shape_cast %swap3A_489 : vector<1x16xf32> to vector<16xf32>
    %swap3A_491 = vector.shape_cast %get3A_419 : vector<16xf32> to vector<1x16xf32>
    tpu.vector_store %arg7[%swap3A_487, %swap3A_488], %swap3A_491 {strides = array<i32>} : memref<32x128xf32, #tpu.memory_space<vmem>>, vector<1x16xf32>,
    %swap3A_492 = arith.constant 12 : i32
    %swap3A_493 = arith.index_cast %swap3A_492 : i32 to index
    %swap3A_494 = arith.constant 32 : index
    %swap3A_495 = tpu.vector_load %arg7[%swap3A_493, %swap3A_494] {strides = array<i32>} : memref<32x128xf32, #tpu.memory_space<vmem>>, vector<1x16xf32>,
    %swap3A_496 = vector.shape_cast %swap3A_495 : vector<1x16xf32> to vector<16xf32>
    %swap3A_497 = vector.shape_cast %get3A_419 : vector<16xf32> to vector<1x16xf32>
    tpu.vector_store %arg7[%swap3A_493, %swap3A_494], %swap3A_497 {strides = array<i32>} : memref<32x128xf32, #tpu.memory_space<vmem>>, vector<1x16xf32>,
    %swap3A_498 = arith.constant 13 : i32
    %swap3A_499 = arith.index_cast %swap3A_498 : i32 to index
    %swap3A_500 = arith.constant 32 : index
    %swap3A_501 = tpu.vector_load %arg7[%swap3A_499, %swap3A_500] {strides = array<i32>} : memref<32x128xf32, #tpu.memory_space<vmem>>, vector<1x16xf32>,
    %swap3A_502 = vector.shape_cast %swap3A_501 : vector<1x16xf32> to vector<16xf32>
    %swap3A_503 = vector.shape_cast %get3A_419 : vector<16xf32> to vector<1x16xf32>
    tpu.vector_store %arg7[%swap3A_499, %swap3A_500], %swap3A_503 {strides = array<i32>} : memref<32x128xf32, #tpu.memory_space<vmem>>, vector<1x16xf32>,
    %swap3A_504 = arith.constant 14 : i32
    %swap3A_505 = arith.index_cast %swap3A_504 : i32 to index
    %swap3A_506 = arith.constant 32 : index
    %swap3A_507 = tpu.vector_load %arg7[%swap3A_505, %swap3A_506] {strides = array<i32>} : memref<32x128xf32, #tpu.memory_space<vmem>>, vector<1x16xf32>,
    %swap3A_508 = vector.shape_cast %swap3A_507 : vector<1x16xf32> to vector<16xf32>
    %swap3A_509 = vector.shape_cast %get3A_419 : vector<16xf32> to vector<1x16xf32>
    tpu.vector_store %arg7[%swap3A_505, %swap3A_506], %swap3A_509 {strides = array<i32>} : memref<32x128xf32, #tpu.memory_space<vmem>>, vector<1x16xf32>,
    %swap3A_510 = arith.constant 15 : i32
    %swap3A_511 = arith.index_cast %swap3A_510 : i32 to index
    %swap3A_512 = arith.constant 32 : index
    %swap3A_513 = tpu.vector_load %arg7[%swap3A_511, %swap3A_512] {strides = array<i32>} : memref<32x128xf32, #tpu.memory_space<vmem>>, vector<1x16xf32>,
    %swap3A_514 = vector.shape_cast %swap3A_513 : vector<1x16xf32> to vector<16xf32>
    %swap3A_515 = vector.shape_cast %get3A_419 : vector<16xf32> to vector<1x16xf32>
    tpu.vector_store %arg7[%swap3A_511, %swap3A_512], %swap3A_515 {strides = array<i32>} : memref<32x128xf32, #tpu.memory_space<vmem>>, vector<1x16xf32>,
    %swap3A_516 = arith.constant 16 : i32
    %swap3A_517 = arith.index_cast %swap3A_516 : i32 to index
    %swap3A_518 = arith.constant 32 : index
    %swap3A_519 = tpu.vector_load %arg7[%swap3A_517, %swap3A_518] {strides = array<i32>} : memref<32x128xf32, #tpu.memory_space<vmem>>, vector<1x16xf32>,
    %swap3A_520 = vector.shape_cast %swap3A_519 : vector<1x16xf32> to vector<16xf32>
    %swap3A_521 = vector.shape_cast %get3A_419 : vector<16xf32> to vector<1x16xf32>
    tpu.vector_store %arg7[%swap3A_517, %swap3A_518], %swap3A_521 {strides = array<i32>} : memref<32x128xf32, #tpu.memory_space<vmem>>, vector<1x16xf32>,
    %swap3A_522 = arith.constant 17 : i32
    %swap3A_523 = arith.index_cast %swap3A_522 : i32 to index
    %swap3A_524 = arith.constant 32 : index
    %swap3A_525 = tpu.vector_load %arg7[%swap3A_523, %swap3A_524] {strides = array<i32>} : memref<32x128xf32, #tpu.memory_space<vmem>>, vector<1x16xf32>,
    %swap3A_526 = vector.shape_cast %swap3A_525 : vector<1x16xf32> to vector<16xf32>
    %swap3A_527 = vector.shape_cast %get3A_419 : vector<16xf32> to vector<1x16xf32>
    tpu.vector_store %arg7[%swap3A_523, %swap3A_524], %swap3A_527 {strides = array<i32>} : memref<32x128xf32, #tpu.memory_space<vmem>>, vector<1x16xf32>,
    %swap3A_528 = arith.constant 18 : i32
    %swap3A_529 = arith.index_cast %swap3A_528 : i32 to index
    %swap3A_530 = arith.constant 32 : index
    %swap3A_531 = tpu.vector_load %arg7[%swap3A_529, %swap3A_530] {strides = array<i32>} : memref<32x128xf32, #tpu.memory_space<vmem>>, vector<1x16xf32>,
    %swap3A_532 = vector.shape_cast %swap3A_531 : vector<1x16xf32> to vector<16xf32>
    %swap3A_533 = vector.shape_cast %get3A_419 : vector<16xf32> to vector<1x16xf32>
    tpu.vector_store %arg7[%swap3A_529, %swap3A_530], %swap3A_533 {strides = array<i32>} : memref<32x128xf32, #tpu.memory_space<vmem>>, vector<1x16xf32>,
    %swap3A_534 = arith.constant 19 : i32
    %swap3A_535 = arith.index_cast %swap3A_534 : i32 to index
    %swap3A_536 = arith.constant 32 : index
    %swap3A_537 = tpu.vector_load %arg7[%swap3A_535, %swap3A_536] {strides = array<i32>} : memref<32x128xf32, #tpu.memory_space<vmem>>, vector<1x16xf32>,
    %swap3A_538 = vector.shape_cast %swap3A_537 : vector<1x16xf32> to vector<16xf32>
    %swap3A_539 = vector.shape_cast %get3A_419 : vector<16xf32> to vector<1x16xf32>
    tpu.vector_store %arg7[%swap3A_535, %swap3A_536], %swap3A_539 {strides = array<i32>} : memref<32x128xf32, #tpu.memory_space<vmem>>, vector<1x16xf32>,
    %swap3A_540 = arith.constant 20 : i32
    %swap3A_541 = arith.index_cast %swap3A_540 : i32 to index
    %swap3A_542 = arith.constant 32 : index
    %swap3A_543 = tpu.vector_load %arg7[%swap3A_541, %swap3A_542] {strides = array<i32>} : memref<32x128xf32, #tpu.memory_space<vmem>>, vector<1x16xf32>,
    %swap3A_544 = vector.shape_cast %swap3A_543 : vector<1x16xf32> to vector<16xf32>
    %swap3A_545 = vector.shape_cast %get3A_419 : vector<16xf32> to vector<1x16xf32>
    tpu.vector_store %arg7[%swap3A_541, %swap3A_542], %swap3A_545 {strides = array<i32>} : memref<32x128xf32, #tpu.memory_space<vmem>>, vector<1x16xf32>,
    %swap3A_546 = arith.constant 21 : i32
    %swap3A_547 = arith.index_cast %swap3A_546 : i32 to index
    %swap3A_548 = arith.constant 32 : index
    %swap3A_549 = tpu.vector_load %arg7[%swap3A_547, %swap3A_548] {strides = array<i32>} : memref<32x128xf32, #tpu.memory_space<vmem>>, vector<1x16xf32>,
    %swap3A_550 = vector.shape_cast %swap3A_549 : vector<1x16xf32> to vector<16xf32>
    %swap3A_551 = vector.shape_cast %get3A_419 : vector<16xf32> to vector<1x16xf32>
    tpu.vector_store %arg7[%swap3A_547, %swap3A_548], %swap3A_551 {strides = array<i32>} : memref<32x128xf32, #tpu.memory_space<vmem>>, vector<1x16xf32>,
    %swap3A_552 = arith.constant 22 : i32
    %swap3A_553 = arith.index_cast %swap3A_552 : i32 to index
    %swap3A_554 = arith.constant 32 : index
    %swap3A_555 = tpu.vector_load %arg7[%swap3A_553, %swap3A_554] {strides = array<i32>} : memref<32x128xf32, #tpu.memory_space<vmem>>, vector<1x16xf32>,
    %swap3A_556 = vector.shape_cast %swap3A_555 : vector<1x16xf32> to vector<16xf32>
    %swap3A_557 = vector.shape_cast %get3A_419 : vector<16xf32> to vector<1x16xf32>
    tpu.vector_store %arg7[%swap3A_553, %swap3A_554], %swap3A_557 {strides = array<i32>} : memref<32x128xf32, #tpu.memory_space<vmem>>, vector<1x16xf32>,
    %swap3A_558 = arith.constant 23 : i32
    %swap3A_559 = arith.index_cast %swap3A_558 : i32 to index
    %swap3A_560 = arith.constant 32 : index
    %swap3A_561 = tpu.vector_load %arg7[%swap3A_559, %swap3A_560] {strides = array<i32>} : memref<32x128xf32, #tpu.memory_space<vmem>>, vector<1x16xf32>,
    %swap3A_562 = vector.shape_cast %swap3A_561 : vector<1x16xf32> to vector<16xf32>
    %swap3A_563 = vector.shape_cast %get3A_419 : vector<16xf32> to vector<1x16xf32>
    tpu.vector_store %arg7[%swap3A_559, %swap3A_560], %swap3A_563 {strides = array<i32>} : memref<32x128xf32, #tpu.memory_space<vmem>>, vector<1x16xf32>,
    %swap3A_564 = arith.constant 24 : i32
    %swap3A_565 = arith.index_cast %swap3A_564 : i32 to index
    %swap3A_566 = arith.constant 32 : index
    %swap3A_567 = tpu.vector_load %arg7[%swap3A_565, %swap3A_566] {strides = array<i32>} : memref<32x128xf32, #tpu.memory_space<vmem>>, vector<1x16xf32>,
    %swap3A_568 = vector.shape_cast %swap3A_567 : vector<1x16xf32> to vector<16xf32>
    %swap3A_569 = vector.shape_cast %get3A_419 : vector<16xf32> to vector<1x16xf32>
    tpu.vector_store %arg7[%swap3A_565, %swap3A_566], %swap3A_569 {strides = array<i32>} : memref<32x128xf32, #tpu.memory_space<vmem>>, vector<1x16xf32>,
    %swap3A_570 = arith.constant 25 : i32
    %swap3A_571 = arith.index_cast %swap3A_570 : i32 to index
    %swap3A_572 = arith.constant 32 : index
    %swap3A_573 = tpu.vector_load %arg7[%swap3A_571, %swap3A_572] {strides = array<i32>} : memref<32x128xf32, #tpu.memory_space<vmem>>, vector<1x16xf32>,
    %swap3A_574 = vector.shape_cast %swap3A_573 : vector<1x16xf32> to vector<16xf32>
    %swap3A_575 = vector.shape_cast %get3A_419 : vector<16xf32> to vector<1x16xf32>
    tpu.vector_store %arg7[%swap3A_571, %swap3A_572], %swap3A_575 {strides = array<i32>} : memref<32x128xf32, #tpu.memory_space<vmem>>, vector<1x16xf32>,
    %swap3A_576 = arith.constant 26 : i32
    %swap3A_577 = arith.index_cast %swap3A_576 : i32 to index
    %swap3A_578 = arith.constant 32 : index
    %swap3A_579 = tpu.vector_load %arg7[%swap3A_577, %swap3A_578] {strides = array<i32>} : memref<32x128xf32, #tpu.memory_space<vmem>>, vector<1x16xf32>,
    %swap3A_580 = vector.shape_cast %swap3A_579 : vector<1x16xf32> to vector<16xf32>
    %swap3A_581 = vector.shape_cast %get3A_419 : vector<16xf32> to vector<1x16xf32>
    tpu.vector_store %arg7[%swap3A_577, %swap3A_578], %swap3A_581 {strides = array<i32>} : memref<32x128xf32, #tpu.memory_space<vmem>>, vector<1x16xf32>,
    %swap3A_582 = arith.constant 27 : i32
    %swap3A_583 = arith.index_cast %swap3A_582 : i32 to index
    %swap3A_584 = arith.constant 32 : index
    %swap3A_585 = tpu.vector_load %arg7[%swap3A_583, %swap3A_584] {strides = array<i32>} : memref<32x128xf32, #tpu.memory_space<vmem>>, vector<1x16xf32>,
    %swap3A_586 = vector.shape_cast %swap3A_585 : vector<1x16xf32> to vector<16xf32>
    %swap3A_587 = vector.shape_cast %get3A_419 : vector<16xf32> to vector<1x16xf32>
    tpu.vector_store %arg7[%swap3A_583, %swap3A_584], %swap3A_587 {strides = array<i32>} : memref<32x128xf32, #tpu.memory_space<vmem>>, vector<1x16xf32>,
    %swap3A_588 = arith.constant 28 : i32
    %swap3A_589 = arith.index_cast %swap3A_588 : i32 to index
    %swap3A_590 = arith.constant 32 : index
    %swap3A_591 = tpu.vector_load %arg7[%swap3A_589, %swap3A_590] {strides = array<i32>} : memref<32x128xf32, #tpu.memory_space<vmem>>, vector<1x16xf32>,
    %swap3A_592 = vector.shape_cast %swap3A_591 : vector<1x16xf32> to vector<16xf32>
    %swap3A_593 = vector.shape_cast %get3A_419 : vector<16xf32> to vector<1x16xf32>
    tpu.vector_store %arg7[%swap3A_589, %swap3A_590], %swap3A_593 {strides = array<i32>} : memref<32x128xf32, #tpu.memory_space<vmem>>, vector<1x16xf32>,
    %swap3A_594 = arith.constant 29 : i32
    %swap3A_595 = arith.index_cast %swap3A_594 : i32 to index
    %swap3A_596 = arith.constant 32 : index
    %swap3A_597 = tpu.vector_load %arg7[%swap3A_595, %swap3A_596] {strides = array<i32>} : memref<32x128xf32, #tpu.memory_space<vmem>>, vector<1x16xf32>,
    %swap3A_598 = vector.shape_cast %swap3A_597 : vector<1x16xf32> to vector<16xf32>
    %swap3A_599 = vector.shape_cast %get3A_419 : vector<16xf32> to vector<1x16xf32>
    tpu.vector_store %arg7[%swap3A_595, %swap3A_596], %swap3A_599 {strides = array<i32>} : memref<32x128xf32, #tpu.memory_space<vmem>>, vector<1x16xf32>,
    %swap3A_600 = arith.constant 30 : i32
    %swap3A_601 = arith.index_cast %swap3A_600 : i32 to index
    %swap3A_602 = arith.constant 32 : index
    %swap3A_603 = tpu.vector_load %arg7[%swap3A_601, %swap3A_602] {strides = array<i32>} : memref<32x128xf32, #tpu.memory_space<vmem>>, vector<1x16xf32>,
    %swap3A_604 = vector.shape_cast %swap3A_603 : vector<1x16xf32> to vector<16xf32>
    %swap3A_605 = vector.shape_cast %get3A_419 : vector<16xf32> to vector<1x16xf32>
    tpu.vector_store %arg7[%swap3A_601, %swap3A_602], %swap3A_605 {strides = array<i32>} : memref<32x128xf32, #tpu.memory_space<vmem>>, vector<1x16xf32>,
    %swap3A_606 = arith.constant 31 : i32
    %swap3A_607 = arith.index_cast %swap3A_606 : i32 to index
    %swap3A_608 = arith.constant 32 : index
    %swap3A_609 = tpu.vector_load %arg7[%swap3A_607, %swap3A_608] {strides = array<i32>} : memref<32x128xf32, #tpu.memory_space<vmem>>, vector<1x16xf32>,
    %swap3A_610 = vector.shape_cast %swap3A_609 : vector<1x16xf32> to vector<16xf32>
    %swap3A_611 = vector.shape_cast %get3A_419 : vector<16xf32> to vector<1x16xf32>
    tpu.vector_store %arg7[%swap3A_607, %swap3A_608], %swap3A_611 {strides = array<i32>} : memref<32x128xf32, #tpu.memory_space<vmem>>, vector<1x16xf32>,
    %get3A_612 = arith.constant 0 : i32
    %get3A_613 = arith.index_cast %get3A_612 : i32 to index
    %get3A_614 = arith.constant 48 : index
    %get3A_615 = tpu.vector_load %arg8[%get3A_613, %get3A_614] {strides = array<i32>} : memref<1x128xf32, #tpu.memory_space<vmem>>, vector<1x16xf32>,
    %get3A_616 = vector.shape_cast %get3A_615 : vector<1x16xf32> to vector<16xf32>
    %swap3A_617 = arith.constant 0 : i32
    %swap3A_618 = arith.index_cast %swap3A_617 : i32 to index
    %swap3A_619 = arith.constant 48 : index
    %swap3A_620 = tpu.vector_load %arg7[%swap3A_618, %swap3A_619] {strides = array<i32>} : memref<32x128xf32, #tpu.memory_space<vmem>>, vector<1x16xf32>,
    %swap3A_621 = vector.shape_cast %swap3A_620 : vector<1x16xf32> to vector<16xf32>
    %swap3A_622 = vector.shape_cast %get3A_616 : vector<16xf32> to vector<1x16xf32>
    tpu.vector_store %arg7[%swap3A_618, %swap3A_619], %swap3A_622 {strides = array<i32>} : memref<32x128xf32, #tpu.memory_space<vmem>>, vector<1x16xf32>,
    %swap3A_623 = arith.constant 1 : i32
    %swap3A_624 = arith.index_cast %swap3A_623 : i32 to index
    %swap3A_625 = arith.constant 48 : index
    %swap3A_626 = tpu.vector_load %arg7[%swap3A_624, %swap3A_625] {strides = array<i32>} : memref<32x128xf32, #tpu.memory_space<vmem>>, vector<1x16xf32>,
    %swap3A_627 = vector.shape_cast %swap3A_626 : vector<1x16xf32> to vector<16xf32>
    %swap3A_628 = vector.shape_cast %get3A_616 : vector<16xf32> to vector<1x16xf32>
    tpu.vector_store %arg7[%swap3A_624, %swap3A_625], %swap3A_628 {strides = array<i32>} : memref<32x128xf32, #tpu.memory_space<vmem>>, vector<1x16xf32>,
    %swap3A_629 = arith.constant 2 : i32
    %swap3A_630 = arith.index_cast %swap3A_629 : i32 to index
    %swap3A_631 = arith.constant 48 : index
    %swap3A_632 = tpu.vector_load %arg7[%swap3A_630, %swap3A_631] {strides = array<i32>} : memref<32x128xf32, #tpu.memory_space<vmem>>, vector<1x16xf32>,
    %swap3A_633 = vector.shape_cast %swap3A_632 : vector<1x16xf32> to vector<16xf32>
    %swap3A_634 = vector.shape_cast %get3A_616 : vector<16xf32> to vector<1x16xf32>
    tpu.vector_store %arg7[%swap3A_630, %swap3A_631], %swap3A_634 {strides = array<i32>} : memref<32x128xf32, #tpu.memory_space<vmem>>, vector<1x16xf32>,
    %swap3A_635 = arith.constant 3 : i32
    %swap3A_636 = arith.index_cast %swap3A_635 : i32 to index
    %swap3A_637 = arith.constant 48 : index
    %swap3A_638 = tpu.vector_load %arg7[%swap3A_636, %swap3A_637] {strides = array<i32>} : memref<32x128xf32, #tpu.memory_space<vmem>>, vector<1x16xf32>,
    %swap3A_639 = vector.shape_cast %swap3A_638 : vector<1x16xf32> to vector<16xf32>
    %swap3A_640 = vector.shape_cast %get3A_616 : vector<16xf32> to vector<1x16xf32>
    tpu.vector_store %arg7[%swap3A_636, %swap3A_637], %swap3A_640 {strides = array<i32>} : memref<32x128xf32, #tpu.memory_space<vmem>>, vector<1x16xf32>,
    %swap3A_641 = arith.constant 4 : i32
    %swap3A_642 = arith.index_cast %swap3A_641 : i32 to index
    %swap3A_643 = arith.constant 48 : index
    %swap3A_644 = tpu.vector_load %arg7[%swap3A_642, %swap3A_643] {strides = array<i32>} : memref<32x128xf32, #tpu.memory_space<vmem>>, vector<1x16xf32>,
    %swap3A_645 = vector.shape_cast %swap3A_644 : vector<1x16xf32> to vector<16xf32>
    %swap3A_646 = vector.shape_cast %get3A_616 : vector<16xf32> to vector<1x16xf32>
    tpu.vector_store %arg7[%swap3A_642, %swap3A_643], %swap3A_646 {strides = array<i32>} : memref<32x128xf32, #tpu.memory_space<vmem>>, vector<1x16xf32>,
    %swap3A_647 = arith.constant 5 : i32
    %swap3A_648 = arith.index_cast %swap3A_647 : i32 to index
    %swap3A_649 = arith.constant 48 : index
    %swap3A_650 = tpu.vector_load %arg7[%swap3A_648, %swap3A_649] {strides = array<i32>} : memref<32x128xf32, #tpu.memory_space<vmem>>, vector<1x16xf32>,
    %swap3A_651 = vector.shape_cast %swap3A_650 : vector<1x16xf32> to vector<16xf32>
    %swap3A_652 = vector.shape_cast %get3A_616 : vector<16xf32> to vector<1x16xf32>
    tpu.vector_store %arg7[%swap3A_648, %swap3A_649], %swap3A_652 {strides = array<i32>} : memref<32x128xf32, #tpu.memory_space<vmem>>, vector<1x16xf32>,
    %swap3A_653 = arith.constant 6 : i32
    %swap3A_654 = arith.index_cast %swap3A_653 : i32 to index
    %swap3A_655 = arith.constant 48 : index
    %swap3A_656 = tpu.vector_load %arg7[%swap3A_654, %swap3A_655] {strides = array<i32>} : memref<32x128xf32, #tpu.memory_space<vmem>>, vector<1x16xf32>,
    %swap3A_657 = vector.shape_cast %swap3A_656 : vector<1x16xf32> to vector<16xf32>
    %swap3A_658 = vector.shape_cast %get3A_616 : vector<16xf32> to vector<1x16xf32>
    tpu.vector_store %arg7[%swap3A_654, %swap3A_655], %swap3A_658 {strides = array<i32>} : memref<32x128xf32, #tpu.memory_space<vmem>>, vector<1x16xf32>,
    %swap3A_659 = arith.constant 7 : i32
    %swap3A_660 = arith.index_cast %swap3A_659 : i32 to index
    %swap3A_661 = arith.constant 48 : index
    %swap3A_662 = tpu.vector_load %arg7[%swap3A_660, %swap3A_661] {strides = array<i32>} : memref<32x128xf32, #tpu.memory_space<vmem>>, vector<1x16xf32>,
    %swap3A_663 = vector.shape_cast %swap3A_662 : vector<1x16xf32> to vector<16xf32>
    %swap3A_664 = vector.shape_cast %get3A_616 : vector<16xf32> to vector<1x16xf32>
    tpu.vector_store %arg7[%swap3A_660, %swap3A_661], %swap3A_664 {strides = array<i32>} : memref<32x128xf32, #tpu.memory_space<vmem>>, vector<1x16xf32>,
    %swap3A_665 = arith.constant 8 : i32
    %swap3A_666 = arith.index_cast %swap3A_665 : i32 to index
    %swap3A_667 = arith.constant 48 : index
    %swap3A_668 = tpu.vector_load %arg7[%swap3A_666, %swap3A_667] {strides = array<i32>} : memref<32x128xf32, #tpu.memory_space<vmem>>, vector<1x16xf32>,
    %swap3A_669 = vector.shape_cast %swap3A_668 : vector<1x16xf32> to vector<16xf32>
    %swap3A_670 = vector.shape_cast %get3A_616 : vector<16xf32> to vector<1x16xf32>
    tpu.vector_store %arg7[%swap3A_666, %swap3A_667], %swap3A_670 {strides = array<i32>} : memref<32x128xf32, #tpu.memory_space<vmem>>, vector<1x16xf32>,
    %swap3A_671 = arith.constant 9 : i32
    %swap3A_672 = arith.index_cast %swap3A_671 : i32 to index
    %swap3A_673 = arith.constant 48 : index
    %swap3A_674 = tpu.vector_load %arg7[%swap3A_672, %swap3A_673] {strides = array<i32>} : memref<32x128xf32, #tpu.memory_space<vmem>>, vector<1x16xf32>,
    %swap3A_675 = vector.shape_cast %swap3A_674 : vector<1x16xf32> to vector<16xf32>
    %swap3A_676 = vector.shape_cast %get3A_616 : vector<16xf32> to vector<1x16xf32>
    tpu.vector_store %arg7[%swap3A_672, %swap3A_673], %swap3A_676 {strides = array<i32>} : memref<32x128xf32, #tpu.memory_space<vmem>>, vector<1x16xf32>,
    %swap3A_677 = arith.constant 10 : i32
    %swap3A_678 = arith.index_cast %swap3A_677 : i32 to index
    %swap3A_679 = arith.constant 48 : index
    %swap3A_680 = tpu.vector_load %arg7[%swap3A_678, %swap3A_679] {strides = array<i32>} : memref<32x128xf32, #tpu.memory_space<vmem>>, vector<1x16xf32>,
    %swap3A_681 = vector.shape_cast %swap3A_680 : vector<1x16xf32> to vector<16xf32>
    %swap3A_682 = vector.shape_cast %get3A_616 : vector<16xf32> to vector<1x16xf32>
    tpu.vector_store %arg7[%swap3A_678, %swap3A_679], %swap3A_682 {strides = array<i32>} : memref<32x128xf32, #tpu.memory_space<vmem>>, vector<1x16xf32>,
    %swap3A_683 = arith.constant 11 : i32
    %swap3A_684 = arith.index_cast %swap3A_683 : i32 to index
    %swap3A_685 = arith.constant 48 : index
    %swap3A_686 = tpu.vector_load %arg7[%swap3A_684, %swap3A_685] {strides = array<i32>} : memref<32x128xf32, #tpu.memory_space<vmem>>, vector<1x16xf32>,
    %swap3A_687 = vector.shape_cast %swap3A_686 : vector<1x16xf32> to vector<16xf32>
    %swap3A_688 = vector.shape_cast %get3A_616 : vector<16xf32> to vector<1x16xf32>
    tpu.vector_store %arg7[%swap3A_684, %swap3A_685], %swap3A_688 {strides = array<i32>} : memref<32x128xf32, #tpu.memory_space<vmem>>, vector<1x16xf32>,
    %swap3A_689 = arith.constant 12 : i32
    %swap3A_690 = arith.index_cast %swap3A_689 : i32 to index
    %swap3A_691 = arith.constant 48 : index
    %swap3A_692 = tpu.vector_load %arg7[%swap3A_690, %swap3A_691] {strides = array<i32>} : memref<32x128xf32, #tpu.memory_space<vmem>>, vector<1x16xf32>,
    %swap3A_693 = vector.shape_cast %swap3A_692 : vector<1x16xf32> to vector<16xf32>
    %swap3A_694 = vector.shape_cast %get3A_616 : vector<16xf32> to vector<1x16xf32>
    tpu.vector_store %arg7[%swap3A_690, %swap3A_691], %swap3A_694 {strides = array<i32>} : memref<32x128xf32, #tpu.memory_space<vmem>>, vector<1x16xf32>,
    %swap3A_695 = arith.constant 13 : i32
    %swap3A_696 = arith.index_cast %swap3A_695 : i32 to index
    %swap3A_697 = arith.constant 48 : index
    %swap3A_698 = tpu.vector_load %arg7[%swap3A_696, %swap3A_697] {strides = array<i32>} : memref<32x128xf32, #tpu.memory_space<vmem>>, vector<1x16xf32>,
    %swap3A_699 = vector.shape_cast %swap3A_698 : vector<1x16xf32> to vector<16xf32>
    %swap3A_700 = vector.shape_cast %get3A_616 : vector<16xf32> to vector<1x16xf32>
    tpu.vector_store %arg7[%swap3A_696, %swap3A_697], %swap3A_700 {strides = array<i32>} : memref<32x128xf32, #tpu.memory_space<vmem>>, vector<1x16xf32>,
    %swap3A_701 = arith.constant 14 : i32
    %swap3A_702 = arith.index_cast %swap3A_701 : i32 to index
    %swap3A_703 = arith.constant 48 : index
    %swap3A_704 = tpu.vector_load %arg7[%swap3A_702, %swap3A_703] {strides = array<i32>} : memref<32x128xf32, #tpu.memory_space<vmem>>, vector<1x16xf32>,
    %swap3A_705 = vector.shape_cast %swap3A_704 : vector<1x16xf32> to vector<16xf32>
    %swap3A_706 = vector.shape_cast %get3A_616 : vector<16xf32> to vector<1x16xf32>
    tpu.vector_store %arg7[%swap3A_702, %swap3A_703], %swap3A_706 {strides = array<i32>} : memref<32x128xf32, #tpu.memory_space<vmem>>, vector<1x16xf32>,
    %swap3A_707 = arith.constant 15 : i32
    %swap3A_708 = arith.index_cast %swap3A_707 : i32 to index
    %swap3A_709 = arith.constant 48 : index
    %swap3A_710 = tpu.vector_load %arg7[%swap3A_708, %swap3A_709] {strides = array<i32>} : memref<32x128xf32, #tpu.memory_space<vmem>>, vector<1x16xf32>,
    %swap3A_711 = vector.shape_cast %swap3A_710 : vector<1x16xf32> to vector<16xf32>
    %swap3A_712 = vector.shape_cast %get3A_616 : vector<16xf32> to vector<1x16xf32>
    tpu.vector_store %arg7[%swap3A_708, %swap3A_709], %swap3A_712 {strides = array<i32>} : memref<32x128xf32, #tpu.memory_space<vmem>>, vector<1x16xf32>,
    %swap3A_713 = arith.constant 16 : i32
    %swap3A_714 = arith.index_cast %swap3A_713 : i32 to index
    %swap3A_715 = arith.constant 48 : index
    %swap3A_716 = tpu.vector_load %arg7[%swap3A_714, %swap3A_715] {strides = array<i32>} : memref<32x128xf32, #tpu.memory_space<vmem>>, vector<1x16xf32>,
    %swap3A_717 = vector.shape_cast %swap3A_716 : vector<1x16xf32> to vector<16xf32>
    %swap3A_718 = vector.shape_cast %get3A_616 : vector<16xf32> to vector<1x16xf32>
    tpu.vector_store %arg7[%swap3A_714, %swap3A_715], %swap3A_718 {strides = array<i32>} : memref<32x128xf32, #tpu.memory_space<vmem>>, vector<1x16xf32>,
    %swap3A_719 = arith.constant 17 : i32
    %swap3A_720 = arith.index_cast %swap3A_719 : i32 to index
    %swap3A_721 = arith.constant 48 : index
    %swap3A_722 = tpu.vector_load %arg7[%swap3A_720, %swap3A_721] {strides = array<i32>} : memref<32x128xf32, #tpu.memory_space<vmem>>, vector<1x16xf32>,
    %swap3A_723 = vector.shape_cast %swap3A_722 : vector<1x16xf32> to vector<16xf32>
    %swap3A_724 = vector.shape_cast %get3A_616 : vector<16xf32> to vector<1x16xf32>
    tpu.vector_store %arg7[%swap3A_720, %swap3A_721], %swap3A_724 {strides = array<i32>} : memref<32x128xf32, #tpu.memory_space<vmem>>, vector<1x16xf32>,
    %swap3A_725 = arith.constant 18 : i32
    %swap3A_726 = arith.index_cast %swap3A_725 : i32 to index
    %swap3A_727 = arith.constant 48 : index
    %swap3A_728 = tpu.vector_load %arg7[%swap3A_726, %swap3A_727] {strides = array<i32>} : memref<32x128xf32, #tpu.memory_space<vmem>>, vector<1x16xf32>,
    %swap3A_729 = vector.shape_cast %swap3A_728 : vector<1x16xf32> to vector<16xf32>
    %swap3A_730 = vector.shape_cast %get3A_616 : vector<16xf32> to vector<1x16xf32>
    tpu.vector_store %arg7[%swap3A_726, %swap3A_727], %swap3A_730 {strides = array<i32>} : memref<32x128xf32, #tpu.memory_space<vmem>>, vector<1x16xf32>,
    %swap3A_731 = arith.constant 19 : i32
    %swap3A_732 = arith.index_cast %swap3A_731 : i32 to index
    %swap3A_733 = arith.constant 48 : index
    %swap3A_734 = tpu.vector_load %arg7[%swap3A_732, %swap3A_733] {strides = array<i32>} : memref<32x128xf32, #tpu.memory_space<vmem>>, vector<1x16xf32>,
    %swap3A_735 = vector.shape_cast %swap3A_734 : vector<1x16xf32> to vector<16xf32>
    %swap3A_736 = vector.shape_cast %get3A_616 : vector<16xf32> to vector<1x16xf32>
    tpu.vector_store %arg7[%swap3A_732, %swap3A_733], %swap3A_736 {strides = array<i32>} : memref<32x128xf32, #tpu.memory_space<vmem>>, vector<1x16xf32>,
    %swap3A_737 = arith.constant 20 : i32
    %swap3A_738 = arith.index_cast %swap3A_737 : i32 to index
    %swap3A_739 = arith.constant 48 : index
    %swap3A_740 = tpu.vector_load %arg7[%swap3A_738, %swap3A_739] {strides = array<i32>} : memref<32x128xf32, #tpu.memory_space<vmem>>, vector<1x16xf32>,
    %swap3A_741 = vector.shape_cast %swap3A_740 : vector<1x16xf32> to vector<16xf32>
    %swap3A_742 = vector.shape_cast %get3A_616 : vector<16xf32> to vector<1x16xf32>
    tpu.vector_store %arg7[%swap3A_738, %swap3A_739], %swap3A_742 {strides = array<i32>} : memref<32x128xf32, #tpu.memory_space<vmem>>, vector<1x16xf32>,
    %swap3A_743 = arith.constant 21 : i32
    %swap3A_744 = arith.index_cast %swap3A_743 : i32 to index
    %swap3A_745 = arith.constant 48 : index
    %swap3A_746 = tpu.vector_load %arg7[%swap3A_744, %swap3A_745] {strides = array<i32>} : memref<32x128xf32, #tpu.memory_space<vmem>>, vector<1x16xf32>,
    %swap3A_747 = vector.shape_cast %swap3A_746 : vector<1x16xf32> to vector<16xf32>
    %swap3A_748 = vector.shape_cast %get3A_616 : vector<16xf32> to vector<1x16xf32>
    tpu.vector_store %arg7[%swap3A_744, %swap3A_745], %swap3A_748 {strides = array<i32>} : memref<32x128xf32, #tpu.memory_space<vmem>>, vector<1x16xf32>,
    %swap3A_749 = arith.constant 22 : i32
    %swap3A_750 = arith.index_cast %swap3A_749 : i32 to index
    %swap3A_751 = arith.constant 48 : index
    %swap3A_752 = tpu.vector_load %arg7[%swap3A_750, %swap3A_751] {strides = array<i32>} : memref<32x128xf32, #tpu.memory_space<vmem>>, vector<1x16xf32>,
    %swap3A_753 = vector.shape_cast %swap3A_752 : vector<1x16xf32> to vector<16xf32>
    %swap3A_754 = vector.shape_cast %get3A_616 : vector<16xf32> to vector<1x16xf32>
    tpu.vector_store %arg7[%swap3A_750, %swap3A_751], %swap3A_754 {strides = array<i32>} : memref<32x128xf32, #tpu.memory_space<vmem>>, vector<1x16xf32>,
    %swap3A_755 = arith.constant 23 : i32
    %swap3A_756 = arith.index_cast %swap3A_755 : i32 to index
    %swap3A_757 = arith.constant 48 : index
    %swap3A_758 = tpu.vector_load %arg7[%swap3A_756, %swap3A_757] {strides = array<i32>} : memref<32x128xf32, #tpu.memory_space<vmem>>, vector<1x16xf32>,
    %swap3A_759 = vector.shape_cast %swap3A_758 : vector<1x16xf32> to vector<16xf32>
    %swap3A_760 = vector.shape_cast %get3A_616 : vector<16xf32> to vector<1x16xf32>
    tpu.vector_store %arg7[%swap3A_756, %swap3A_757], %swap3A_760 {strides = array<i32>} : memref<32x128xf32, #tpu.memory_space<vmem>>, vector<1x16xf32>,
    %swap3A_761 = arith.constant 24 : i32
    %swap3A_762 = arith.index_cast %swap3A_761 : i32 to index
    %swap3A_763 = arith.constant 48 : index
    %swap3A_764 = tpu.vector_load %arg7[%swap3A_762, %swap3A_763] {strides = array<i32>} : memref<32x128xf32, #tpu.memory_space<vmem>>, vector<1x16xf32>,
    %swap3A_765 = vector.shape_cast %swap3A_764 : vector<1x16xf32> to vector<16xf32>
    %swap3A_766 = vector.shape_cast %get3A_616 : vector<16xf32> to vector<1x16xf32>
    tpu.vector_store %arg7[%swap3A_762, %swap3A_763], %swap3A_766 {strides = array<i32>} : memref<32x128xf32, #tpu.memory_space<vmem>>, vector<1x16xf32>,
    %swap3A_767 = arith.constant 25 : i32
    %swap3A_768 = arith.index_cast %swap3A_767 : i32 to index
    %swap3A_769 = arith.constant 48 : index
    %swap3A_770 = tpu.vector_load %arg7[%swap3A_768, %swap3A_769] {strides = array<i32>} : memref<32x128xf32, #tpu.memory_space<vmem>>, vector<1x16xf32>,
    %swap3A_771 = vector.shape_cast %swap3A_770 : vector<1x16xf32> to vector<16xf32>
    %swap3A_772 = vector.shape_cast %get3A_616 : vector<16xf32> to vector<1x16xf32>
    tpu.vector_store %arg7[%swap3A_768, %swap3A_769], %swap3A_772 {strides = array<i32>} : memref<32x128xf32, #tpu.memory_space<vmem>>, vector<1x16xf32>,
    %swap3A_773 = arith.constant 26 : i32
    %swap3A_774 = arith.index_cast %swap3A_773 : i32 to index
    %swap3A_775 = arith.constant 48 : index
    %swap3A_776 = tpu.vector_load %arg7[%swap3A_774, %swap3A_775] {strides = array<i32>} : memref<32x128xf32, #tpu.memory_space<vmem>>, vector<1x16xf32>,
    %swap3A_777 = vector.shape_cast %swap3A_776 : vector<1x16xf32> to vector<16xf32>
    %swap3A_778 = vector.shape_cast %get3A_616 : vector<16xf32> to vector<1x16xf32>
    tpu.vector_store %arg7[%swap3A_774, %swap3A_775], %swap3A_778 {strides = array<i32>} : memref<32x128xf32, #tpu.memory_space<vmem>>, vector<1x16xf32>,
    %swap3A_779 = arith.constant 27 : i32
    %swap3A_780 = arith.index_cast %swap3A_779 : i32 to index
    %swap3A_781 = arith.constant 48 : index
    %swap3A_782 = tpu.vector_load %arg7[%swap3A_780, %swap3A_781] {strides = array<i32>} : memref<32x128xf32, #tpu.memory_space<vmem>>, vector<1x16xf32>,
    %swap3A_783 = vector.shape_cast %swap3A_782 : vector<1x16xf32> to vector<16xf32>
    %swap3A_784 = vector.shape_cast %get3A_616 : vector<16xf32> to vector<1x16xf32>
    tpu.vector_store %arg7[%swap3A_780, %swap3A_781], %swap3A_784 {strides = array<i32>} : memref<32x128xf32, #tpu.memory_space<vmem>>, vector<1x16xf32>,
    %swap3A_785 = arith.constant 28 : i32
    %swap3A_786 = arith.index_cast %swap3A_785 : i32 to index
    %swap3A_787 = arith.constant 48 : index
    %swap3A_788 = tpu.vector_load %arg7[%swap3A_786, %swap3A_787] {strides = array<i32>} : memref<32x128xf32, #tpu.memory_space<vmem>>, vector<1x16xf32>,
    %swap3A_789 = vector.shape_cast %swap3A_788 : vector<1x16xf32> to vector<16xf32>
    %swap3A_790 = vector.shape_cast %get3A_616 : vector<16xf32> to vector<1x16xf32>
    tpu.vector_store %arg7[%swap3A_786, %swap3A_787], %swap3A_790 {strides = array<i32>} : memref<32x128xf32, #tpu.memory_space<vmem>>, vector<1x16xf32>,
    %swap3A_791 = arith.constant 29 : i32
    %swap3A_792 = arith.index_cast %swap3A_791 : i32 to index
    %swap3A_793 = arith.constant 48 : index
    %swap3A_794 = tpu.vector_load %arg7[%swap3A_792, %swap3A_793] {strides = array<i32>} : memref<32x128xf32, #tpu.memory_space<vmem>>, vector<1x16xf32>,
    %swap3A_795 = vector.shape_cast %swap3A_794 : vector<1x16xf32> to vector<16xf32>
    %swap3A_796 = vector.shape_cast %get3A_616 : vector<16xf32> to vector<1x16xf32>
    tpu.vector_store %arg7[%swap3A_792, %swap3A_793], %swap3A_796 {strides = array<i32>} : memref<32x128xf32, #tpu.memory_space<vmem>>, vector<1x16xf32>,
    %swap3A_797 = arith.constant 30 : i32
    %swap3A_798 = arith.index_cast %swap3A_797 : i32 to index
    %swap3A_799 = arith.constant 48 : index
    %swap3A_800 = tpu.vector_load %arg7[%swap3A_798, %swap3A_799] {strides = array<i32>} : memref<32x128xf32, #tpu.memory_space<vmem>>, vector<1x16xf32>,
    %swap3A_801 = vector.shape_cast %swap3A_800 : vector<1x16xf32> to vector<16xf32>
    %swap3A_802 = vector.shape_cast %get3A_616 : vector<16xf32> to vector<1x16xf32>
    tpu.vector_store %arg7[%swap3A_798, %swap3A_799], %swap3A_802 {strides = array<i32>} : memref<32x128xf32, #tpu.memory_space<vmem>>, vector<1x16xf32>,
    %swap3A_803 = arith.constant 31 : i32
    %swap3A_804 = arith.index_cast %swap3A_803 : i32 to index
    %swap3A_805 = arith.constant 48 : index
    %swap3A_806 = tpu.vector_load %arg7[%swap3A_804, %swap3A_805] {strides = array<i32>} : memref<32x128xf32, #tpu.memory_space<vmem>>, vector<1x16xf32>,
    %swap3A_807 = vector.shape_cast %swap3A_806 : vector<1x16xf32> to vector<16xf32>
    %swap3A_808 = vector.shape_cast %get3A_616 : vector<16xf32> to vector<1x16xf32>
    tpu.vector_store %arg7[%swap3A_804, %swap3A_805], %swap3A_808 {strides = array<i32>} : memref<32x128xf32, #tpu.memory_space<vmem>>, vector<1x16xf32>,
    %get3A_809 = arith.constant 0 : i32
    %get3A_810 = arith.index_cast %get3A_809 : i32 to index
    %get3A_811 = arith.constant 64 : index
    %get3A_812 = tpu.vector_load %arg8[%get3A_810, %get3A_811] {strides = array<i32>} : memref<1x128xf32, #tpu.memory_space<vmem>>, vector<1x16xf32>,
    %get3A_813 = vector.shape_cast %get3A_812 : vector<1x16xf32> to vector<16xf32>
    %swap3A_814 = arith.constant 0 : i32
    %swap3A_815 = arith.index_cast %swap3A_814 : i32 to index
    %swap3A_816 = arith.constant 64 : index
    %swap3A_817 = tpu.vector_load %arg7[%swap3A_815, %swap3A_816] {strides = array<i32>} : memref<32x128xf32, #tpu.memory_space<vmem>>, vector<1x16xf32>,
    %swap3A_818 = vector.shape_cast %swap3A_817 : vector<1x16xf32> to vector<16xf32>
    %swap3A_819 = vector.shape_cast %get3A_813 : vector<16xf32> to vector<1x16xf32>
    tpu.vector_store %arg7[%swap3A_815, %swap3A_816], %swap3A_819 {strides = array<i32>} : memref<32x128xf32, #tpu.memory_space<vmem>>, vector<1x16xf32>,
    %swap3A_820 = arith.constant 1 : i32
    %swap3A_821 = arith.index_cast %swap3A_820 : i32 to index
    %swap3A_822 = arith.constant 64 : index
    %swap3A_823 = tpu.vector_load %arg7[%swap3A_821, %swap3A_822] {strides = array<i32>} : memref<32x128xf32, #tpu.memory_space<vmem>>, vector<1x16xf32>,
    %swap3A_824 = vector.shape_cast %swap3A_823 : vector<1x16xf32> to vector<16xf32>
    %swap3A_825 = vector.shape_cast %get3A_813 : vector<16xf32> to vector<1x16xf32>
    tpu.vector_store %arg7[%swap3A_821, %swap3A_822], %swap3A_825 {strides = array<i32>} : memref<32x128xf32, #tpu.memory_space<vmem>>, vector<1x16xf32>,
    %swap3A_826 = arith.constant 2 : i32
    %swap3A_827 = arith.index_cast %swap3A_826 : i32 to index
    %swap3A_828 = arith.constant 64 : index
    %swap3A_829 = tpu.vector_load %arg7[%swap3A_827, %swap3A_828] {strides = array<i32>} : memref<32x128xf32, #tpu.memory_space<vmem>>, vector<1x16xf32>,
    %swap3A_830 = vector.shape_cast %swap3A_829 : vector<1x16xf32> to vector<16xf32>
    %swap3A_831 = vector.shape_cast %get3A_813 : vector<16xf32> to vector<1x16xf32>
    tpu.vector_store %arg7[%swap3A_827, %swap3A_828], %swap3A_831 {strides = array<i32>} : memref<32x128xf32, #tpu.memory_space<vmem>>, vector<1x16xf32>,
    %swap3A_832 = arith.constant 3 : i32
    %swap3A_833 = arith.index_cast %swap3A_832 : i32 to index
    %swap3A_834 = arith.constant 64 : index
    %swap3A_835 = tpu.vector_load %arg7[%swap3A_833, %swap3A_834] {strides = array<i32>} : memref<32x128xf32, #tpu.memory_space<vmem>>, vector<1x16xf32>,
    %swap3A_836 = vector.shape_cast %swap3A_835 : vector<1x16xf32> to vector<16xf32>
    %swap3A_837 = vector.shape_cast %get3A_813 : vector<16xf32> to vector<1x16xf32>
    tpu.vector_store %arg7[%swap3A_833, %swap3A_834], %swap3A_837 {strides = array<i32>} : memref<32x128xf32, #tpu.memory_space<vmem>>, vector<1x16xf32>,
    %swap3A_838 = arith.constant 4 : i32
    %swap3A_839 = arith.index_cast %swap3A_838 : i32 to index
    %swap3A_840 = arith.constant 64 : index
    %swap3A_841 = tpu.vector_load %arg7[%swap3A_839, %swap3A_840] {strides = array<i32>} : memref<32x128xf32, #tpu.memory_space<vmem>>, vector<1x16xf32>,
    %swap3A_842 = vector.shape_cast %swap3A_841 : vector<1x16xf32> to vector<16xf32>
    %swap3A_843 = vector.shape_cast %get3A_813 : vector<16xf32> to vector<1x16xf32>
    tpu.vector_store %arg7[%swap3A_839, %swap3A_840], %swap3A_843 {strides = array<i32>} : memref<32x128xf32, #tpu.memory_space<vmem>>, vector<1x16xf32>,
    %swap3A_844 = arith.constant 5 : i32
    %swap3A_845 = arith.index_cast %swap3A_844 : i32 to index
    %swap3A_846 = arith.constant 64 : index
    %swap3A_847 = tpu.vector_load %arg7[%swap3A_845, %swap3A_846] {strides = array<i32>} : memref<32x128xf32, #tpu.memory_space<vmem>>, vector<1x16xf32>,
    %swap3A_848 = vector.shape_cast %swap3A_847 : vector<1x16xf32> to vector<16xf32>
    %swap3A_849 = vector.shape_cast %get3A_813 : vector<16xf32> to vector<1x16xf32>
    tpu.vector_store %arg7[%swap3A_845, %swap3A_846], %swap3A_849 {strides = array<i32>} : memref<32x128xf32, #tpu.memory_space<vmem>>, vector<1x16xf32>,
    %swap3A_850 = arith.constant 6 : i32
    %swap3A_851 = arith.index_cast %swap3A_850 : i32 to index
    %swap3A_852 = arith.constant 64 : index
    %swap3A_853 = tpu.vector_load %arg7[%swap3A_851, %swap3A_852] {strides = array<i32>} : memref<32x128xf32, #tpu.memory_space<vmem>>, vector<1x16xf32>,
    %swap3A_854 = vector.shape_cast %swap3A_853 : vector<1x16xf32> to vector<16xf32>
    %swap3A_855 = vector.shape_cast %get3A_813 : vector<16xf32> to vector<1x16xf32>
    tpu.vector_store %arg7[%swap3A_851, %swap3A_852], %swap3A_855 {strides = array<i32>} : memref<32x128xf32, #tpu.memory_space<vmem>>, vector<1x16xf32>,
    %swap3A_856 = arith.constant 7 : i32
    %swap3A_857 = arith.index_cast %swap3A_856 : i32 to index
    %swap3A_858 = arith.constant 64 : index
    %swap3A_859 = tpu.vector_load %arg7[%swap3A_857, %swap3A_858] {strides = array<i32>} : memref<32x128xf32, #tpu.memory_space<vmem>>, vector<1x16xf32>,
    %swap3A_860 = vector.shape_cast %swap3A_859 : vector<1x16xf32> to vector<16xf32>
    %swap3A_861 = vector.shape_cast %get3A_813 : vector<16xf32> to vector<1x16xf32>
    tpu.vector_store %arg7[%swap3A_857, %swap3A_858], %swap3A_861 {strides = array<i32>} : memref<32x128xf32, #tpu.memory_space<vmem>>, vector<1x16xf32>,
    %swap3A_862 = arith.constant 8 : i32
    %swap3A_863 = arith.index_cast %swap3A_862 : i32 to index
    %swap3A_864 = arith.constant 64 : index
    %swap3A_865 = tpu.vector_load %arg7[%swap3A_863, %swap3A_864] {strides = array<i32>} : memref<32x128xf32, #tpu.memory_space<vmem>>, vector<1x16xf32>,
    %swap3A_866 = vector.shape_cast %swap3A_865 : vector<1x16xf32> to vector<16xf32>
    %swap3A_867 = vector.shape_cast %get3A_813 : vector<16xf32> to vector<1x16xf32>
    tpu.vector_store %arg7[%swap3A_863, %swap3A_864], %swap3A_867 {strides = array<i32>} : memref<32x128xf32, #tpu.memory_space<vmem>>, vector<1x16xf32>,
    %swap3A_868 = arith.constant 9 : i32
    %swap3A_869 = arith.index_cast %swap3A_868 : i32 to index
    %swap3A_870 = arith.constant 64 : index
    %swap3A_871 = tpu.vector_load %arg7[%swap3A_869, %swap3A_870] {strides = array<i32>} : memref<32x128xf32, #tpu.memory_space<vmem>>, vector<1x16xf32>,
    %swap3A_872 = vector.shape_cast %swap3A_871 : vector<1x16xf32> to vector<16xf32>
    %swap3A_873 = vector.shape_cast %get3A_813 : vector<16xf32> to vector<1x16xf32>
    tpu.vector_store %arg7[%swap3A_869, %swap3A_870], %swap3A_873 {strides = array<i32>} : memref<32x128xf32, #tpu.memory_space<vmem>>, vector<1x16xf32>,
    %swap3A_874 = arith.constant 10 : i32
    %swap3A_875 = arith.index_cast %swap3A_874 : i32 to index
    %swap3A_876 = arith.constant 64 : index
    %swap3A_877 = tpu.vector_load %arg7[%swap3A_875, %swap3A_876] {strides = array<i32>} : memref<32x128xf32, #tpu.memory_space<vmem>>, vector<1x16xf32>,
    %swap3A_878 = vector.shape_cast %swap3A_877 : vector<1x16xf32> to vector<16xf32>
    %swap3A_879 = vector.shape_cast %get3A_813 : vector<16xf32> to vector<1x16xf32>
    tpu.vector_store %arg7[%swap3A_875, %swap3A_876], %swap3A_879 {strides = array<i32>} : memref<32x128xf32, #tpu.memory_space<vmem>>, vector<1x16xf32>,
    %swap3A_880 = arith.constant 11 : i32
    %swap3A_881 = arith.index_cast %swap3A_880 : i32 to index
    %swap3A_882 = arith.constant 64 : index
    %swap3A_883 = tpu.vector_load %arg7[%swap3A_881, %swap3A_882] {strides = array<i32>} : memref<32x128xf32, #tpu.memory_space<vmem>>, vector<1x16xf32>,
    %swap3A_884 = vector.shape_cast %swap3A_883 : vector<1x16xf32> to vector<16xf32>
    %swap3A_885 = vector.shape_cast %get3A_813 : vector<16xf32> to vector<1x16xf32>
    tpu.vector_store %arg7[%swap3A_881, %swap3A_882], %swap3A_885 {strides = array<i32>} : memref<32x128xf32, #tpu.memory_space<vmem>>, vector<1x16xf32>,
    %swap3A_886 = arith.constant 12 : i32
    %swap3A_887 = arith.index_cast %swap3A_886 : i32 to index
    %swap3A_888 = arith.constant 64 : index
    %swap3A_889 = tpu.vector_load %arg7[%swap3A_887, %swap3A_888] {strides = array<i32>} : memref<32x128xf32, #tpu.memory_space<vmem>>, vector<1x16xf32>,
    %swap3A_890 = vector.shape_cast %swap3A_889 : vector<1x16xf32> to vector<16xf32>
    %swap3A_891 = vector.shape_cast %get3A_813 : vector<16xf32> to vector<1x16xf32>
    tpu.vector_store %arg7[%swap3A_887, %swap3A_888], %swap3A_891 {strides = array<i32>} : memref<32x128xf32, #tpu.memory_space<vmem>>, vector<1x16xf32>,
    %swap3A_892 = arith.constant 13 : i32
    %swap3A_893 = arith.index_cast %swap3A_892 : i32 to index
    %swap3A_894 = arith.constant 64 : index
    %swap3A_895 = tpu.vector_load %arg7[%swap3A_893, %swap3A_894] {strides = array<i32>} : memref<32x128xf32, #tpu.memory_space<vmem>>, vector<1x16xf32>,
    %swap3A_896 = vector.shape_cast %swap3A_895 : vector<1x16xf32> to vector<16xf32>
    %swap3A_897 = vector.shape_cast %get3A_813 : vector<16xf32> to vector<1x16xf32>
    tpu.vector_store %arg7[%swap3A_893, %swap3A_894], %swap3A_897 {strides = array<i32>} : memref<32x128xf32, #tpu.memory_space<vmem>>, vector<1x16xf32>,
    %swap3A_898 = arith.constant 14 : i32
    %swap3A_899 = arith.index_cast %swap3A_898 : i32 to index
    %swap3A_900 = arith.constant 64 : index
    %swap3A_901 = tpu.vector_load %arg7[%swap3A_899, %swap3A_900] {strides = array<i32>} : memref<32x128xf32, #tpu.memory_space<vmem>>, vector<1x16xf32>,
    %swap3A_902 = vector.shape_cast %swap3A_901 : vector<1x16xf32> to vector<16xf32>
    %swap3A_903 = vector.shape_cast %get3A_813 : vector<16xf32> to vector<1x16xf32>
    tpu.vector_store %arg7[%swap3A_899, %swap3A_900], %swap3A_903 {strides = array<i32>} : memref<32x128xf32, #tpu.memory_space<vmem>>, vector<1x16xf32>,
    %swap3A_904 = arith.constant 15 : i32
    %swap3A_905 = arith.index_cast %swap3A_904 : i32 to index
    %swap3A_906 = arith.constant 64 : index
    %swap3A_907 = tpu.vector_load %arg7[%swap3A_905, %swap3A_906] {strides = array<i32>} : memref<32x128xf32, #tpu.memory_space<vmem>>, vector<1x16xf32>,
    %swap3A_908 = vector.shape_cast %swap3A_907 : vector<1x16xf32> to vector<16xf32>
    %swap3A_909 = vector.shape_cast %get3A_813 : vector<16xf32> to vector<1x16xf32>
    tpu.vector_store %arg7[%swap3A_905, %swap3A_906], %swap3A_909 {strides = array<i32>} : memref<32x128xf32, #tpu.memory_space<vmem>>, vector<1x16xf32>,
    %swap3A_910 = arith.constant 16 : i32
    %swap3A_911 = arith.index_cast %swap3A_910 : i32 to index
    %swap3A_912 = arith.constant 64 : index
    %swap3A_913 = tpu.vector_load %arg7[%swap3A_911, %swap3A_912] {strides = array<i32>} : memref<32x128xf32, #tpu.memory_space<vmem>>, vector<1x16xf32>,
    %swap3A_914 = vector.shape_cast %swap3A_913 : vector<1x16xf32> to vector<16xf32>
    %swap3A_915 = vector.shape_cast %get3A_813 : vector<16xf32> to vector<1x16xf32>
    tpu.vector_store %arg7[%swap3A_911, %swap3A_912], %swap3A_915 {strides = array<i32>} : memref<32x128xf32, #tpu.memory_space<vmem>>, vector<1x16xf32>,
    %swap3A_916 = arith.constant 17 : i32
    %swap3A_917 = arith.index_cast %swap3A_916 : i32 to index
    %swap3A_918 = arith.constant 64 : index
    %swap3A_919 = tpu.vector_load %arg7[%swap3A_917, %swap3A_918] {strides = array<i32>} : memref<32x128xf32, #tpu.memory_space<vmem>>, vector<1x16xf32>,
    %swap3A_920 = vector.shape_cast %swap3A_919 : vector<1x16xf32> to vector<16xf32>
    %swap3A_921 = vector.shape_cast %get3A_813 : vector<16xf32> to vector<1x16xf32>
    tpu.vector_store %arg7[%swap3A_917, %swap3A_918], %swap3A_921 {strides = array<i32>} : memref<32x128xf32, #tpu.memory_space<vmem>>, vector<1x16xf32>,
    %swap3A_922 = arith.constant 18 : i32
    %swap3A_923 = arith.index_cast %swap3A_922 : i32 to index
    %swap3A_924 = arith.constant 64 : index
    %swap3A_925 = tpu.vector_load %arg7[%swap3A_923, %swap3A_924] {strides = array<i32>} : memref<32x128xf32, #tpu.memory_space<vmem>>, vector<1x16xf32>,
    %swap3A_926 = vector.shape_cast %swap3A_925 : vector<1x16xf32> to vector<16xf32>
    %swap3A_927 = vector.shape_cast %get3A_813 : vector<16xf32> to vector<1x16xf32>
    tpu.vector_store %arg7[%swap3A_923, %swap3A_924], %swap3A_927 {strides = array<i32>} : memref<32x128xf32, #tpu.memory_space<vmem>>, vector<1x16xf32>,
    %swap3A_928 = arith.constant 19 : i32
    %swap3A_929 = arith.index_cast %swap3A_928 : i32 to index
    %swap3A_930 = arith.constant 64 : index
    %swap3A_931 = tpu.vector_load %arg7[%swap3A_929, %swap3A_930] {strides = array<i32>} : memref<32x128xf32, #tpu.memory_space<vmem>>, vector<1x16xf32>,
    %swap3A_932 = vector.shape_cast %swap3A_931 : vector<1x16xf32> to vector<16xf32>
    %swap3A_933 = vector.shape_cast %get3A_813 : vector<16xf32> to vector<1x16xf32>
    tpu.vector_store %arg7[%swap3A_929, %swap3A_930], %swap3A_933 {strides = array<i32>} : memref<32x128xf32, #tpu.memory_space<vmem>>, vector<1x16xf32>,
    %swap3A_934 = arith.constant 20 : i32
    %swap3A_935 = arith.index_cast %swap3A_934 : i32 to index
    %swap3A_936 = arith.constant 64 : index
    %swap3A_937 = tpu.vector_load %arg7[%swap3A_935, %swap3A_936] {strides = array<i32>} : memref<32x128xf32, #tpu.memory_space<vmem>>, vector<1x16xf32>,
    %swap3A_938 = vector.shape_cast %swap3A_937 : vector<1x16xf32> to vector<16xf32>
    %swap3A_939 = vector.shape_cast %get3A_813 : vector<16xf32> to vector<1x16xf32>
    tpu.vector_store %arg7[%swap3A_935, %swap3A_936], %swap3A_939 {strides = array<i32>} : memref<32x128xf32, #tpu.memory_space<vmem>>, vector<1x16xf32>,
    %swap3A_940 = arith.constant 21 : i32
    %swap3A_941 = arith.index_cast %swap3A_940 : i32 to index
    %swap3A_942 = arith.constant 64 : index
    %swap3A_943 = tpu.vector_load %arg7[%swap3A_941, %swap3A_942] {strides = array<i32>} : memref<32x128xf32, #tpu.memory_space<vmem>>, vector<1x16xf32>,
    %swap3A_944 = vector.shape_cast %swap3A_943 : vector<1x16xf32> to vector<16xf32>
    %swap3A_945 = vector.shape_cast %get3A_813 : vector<16xf32> to vector<1x16xf32>
    tpu.vector_store %arg7[%swap3A_941, %swap3A_942], %swap3A_945 {strides = array<i32>} : memref<32x128xf32, #tpu.memory_space<vmem>>, vector<1x16xf32>,
    %swap3A_946 = arith.constant 22 : i32
    %swap3A_947 = arith.index_cast %swap3A_946 : i32 to index
    %swap3A_948 = arith.constant 64 : index
    %swap3A_949 = tpu.vector_load %arg7[%swap3A_947, %swap3A_948] {strides = array<i32>} : memref<32x128xf32, #tpu.memory_space<vmem>>, vector<1x16xf32>,
    %swap3A_950 = vector.shape_cast %swap3A_949 : vector<1x16xf32> to vector<16xf32>
    %swap3A_951 = vector.shape_cast %get3A_813 : vector<16xf32> to vector<1x16xf32>
    tpu.vector_store %arg7[%swap3A_947, %swap3A_948], %swap3A_951 {strides = array<i32>} : memref<32x128xf32, #tpu.memory_space<vmem>>, vector<1x16xf32>,
    %swap3A_952 = arith.constant 23 : i32
    %swap3A_953 = arith.index_cast %swap3A_952 : i32 to index
    %swap3A_954 = arith.constant 64 : index
    %swap3A_955 = tpu.vector_load %arg7[%swap3A_953, %swap3A_954] {strides = array<i32>} : memref<32x128xf32, #tpu.memory_space<vmem>>, vector<1x16xf32>,
    %swap3A_956 = vector.shape_cast %swap3A_955 : vector<1x16xf32> to vector<16xf32>
    %swap3A_957 = vector.shape_cast %get3A_813 : vector<16xf32> to vector<1x16xf32>
    tpu.vector_store %arg7[%swap3A_953, %swap3A_954], %swap3A_957 {strides = array<i32>} : memref<32x128xf32, #tpu.memory_space<vmem>>, vector<1x16xf32>,
    %swap3A_958 = arith.constant 24 : i32
    %swap3A_959 = arith.index_cast %swap3A_958 : i32 to index
    %swap3A_960 = arith.constant 64 : index
    %swap3A_961 = tpu.vector_load %arg7[%swap3A_959, %swap3A_960] {strides = array<i32>} : memref<32x128xf32, #tpu.memory_space<vmem>>, vector<1x16xf32>,
    %swap3A_962 = vector.shape_cast %swap3A_961 : vector<1x16xf32> to vector<16xf32>
    %swap3A_963 = vector.shape_cast %get3A_813 : vector<16xf32> to vector<1x16xf32>
    tpu.vector_store %arg7[%swap3A_959, %swap3A_960], %swap3A_963 {strides = array<i32>} : memref<32x128xf32, #tpu.memory_space<vmem>>, vector<1x16xf32>,
    %swap3A_964 = arith.constant 25 : i32
    %swap3A_965 = arith.index_cast %swap3A_964 : i32 to index
    %swap3A_966 = arith.constant 64 : index
    %swap3A_967 = tpu.vector_load %arg7[%swap3A_965, %swap3A_966] {strides = array<i32>} : memref<32x128xf32, #tpu.memory_space<vmem>>, vector<1x16xf32>,
    %swap3A_968 = vector.shape_cast %swap3A_967 : vector<1x16xf32> to vector<16xf32>
    %swap3A_969 = vector.shape_cast %get3A_813 : vector<16xf32> to vector<1x16xf32>
    tpu.vector_store %arg7[%swap3A_965, %swap3A_966], %swap3A_969 {strides = array<i32>} : memref<32x128xf32, #tpu.memory_space<vmem>>, vector<1x16xf32>,
    %swap3A_970 = arith.constant 26 : i32
    %swap3A_971 = arith.index_cast %swap3A_970 : i32 to index
    %swap3A_972 = arith.constant 64 : index
    %swap3A_973 = tpu.vector_load %arg7[%swap3A_971, %swap3A_972] {strides = array<i32>} : memref<32x128xf32, #tpu.memory_space<vmem>>, vector<1x16xf32>,
    %swap3A_974 = vector.shape_cast %swap3A_973 : vector<1x16xf32> to vector<16xf32>
    %swap3A_975 = vector.shape_cast %get3A_813 : vector<16xf32> to vector<1x16xf32>
    tpu.vector_store %arg7[%swap3A_971, %swap3A_972], %swap3A_975 {strides = array<i32>} : memref<32x128xf32, #tpu.memory_space<vmem>>, vector<1x16xf32>,
    %swap3A_976 = arith.constant 27 : i32
    %swap3A_977 = arith.index_cast %swap3A_976 : i32 to index
    %swap3A_978 = arith.constant 64 : index
    %swap3A_979 = tpu.vector_load %arg7[%swap3A_977, %swap3A_978] {strides = array<i32>} : memref<32x128xf32, #tpu.memory_space<vmem>>, vector<1x16xf32>,
    %swap3A_980 = vector.shape_cast %swap3A_979 : vector<1x16xf32> to vector<16xf32>
    %swap3A_981 = vector.shape_cast %get3A_813 : vector<16xf32> to vector<1x16xf32>
    tpu.vector_store %arg7[%swap3A_977, %swap3A_978], %swap3A_981 {strides = array<i32>} : memref<32x128xf32, #tpu.memory_space<vmem>>, vector<1x16xf32>,
    %swap3A_982 = arith.constant 28 : i32
    %swap3A_983 = arith.index_cast %swap3A_982 : i32 to index
    %swap3A_984 = arith.constant 64 : index
    %swap3A_985 = tpu.vector_load %arg7[%swap3A_983, %swap3A_984] {strides = array<i32>} : memref<32x128xf32, #tpu.memory_space<vmem>>, vector<1x16xf32>,
    %swap3A_986 = vector.shape_cast %swap3A_985 : vector<1x16xf32> to vector<16xf32>
    %swap3A_987 = vector.shape_cast %get3A_813 : vector<16xf32> to vector<1x16xf32>
    tpu.vector_store %arg7[%swap3A_983, %swap3A_984], %swap3A_987 {strides = array<i32>} : memref<32x128xf32, #tpu.memory_space<vmem>>, vector<1x16xf32>,
    %swap3A_988 = arith.constant 29 : i32
    %swap3A_989 = arith.index_cast %swap3A_988 : i32 to index
    %swap3A_990 = arith.constant 64 : index
    %swap3A_991 = tpu.vector_load %arg7[%swap3A_989, %swap3A_990] {strides = array<i32>} : memref<32x128xf32, #tpu.memory_space<vmem>>, vector<1x16xf32>,
    %swap3A_992 = vector.shape_cast %swap3A_991 : vector<1x16xf32> to vector<16xf32>
    %swap3A_993 = vector.shape_cast %get3A_813 : vector<16xf32> to vector<1x16xf32>
    tpu.vector_store %arg7[%swap3A_989, %swap3A_990], %swap3A_993 {strides = array<i32>} : memref<32x128xf32, #tpu.memory_space<vmem>>, vector<1x16xf32>,
    %swap3A_994 = arith.constant 30 : i32
    %swap3A_995 = arith.index_cast %swap3A_994 : i32 to index
    %swap3A_996 = arith.constant 64 : index
    %swap3A_997 = tpu.vector_load %arg7[%swap3A_995, %swap3A_996] {strides = array<i32>} : memref<32x128xf32, #tpu.memory_space<vmem>>, vector<1x16xf32>,
    %swap3A_998 = vector.shape_cast %swap3A_997 : vector<1x16xf32> to vector<16xf32>
    %swap3A_999 = vector.shape_cast %get3A_813 : vector<16xf32> to vector<1x16xf32>
    tpu.vector_store %arg7[%swap3A_995, %swap3A_996], %swap3A_999 {strides = array<i32>} : memref<32x128xf32, #tpu.memory_space<vmem>>, vector<1x16xf32>,
    %swap3A_1000 = arith.constant 31 : i32
    %swap3A_1001 = arith.index_cast %swap3A_1000 : i32 to index
    %swap3A_1002 = arith.constant 64 : index
    %swap3A_1003 = tpu.vector_load %arg7[%swap3A_1001, %swap3A_1002] {strides = array<i32>} : memref<32x128xf32, #tpu.memory_space<vmem>>, vector<1x16xf32>,
    %swap3A_1004 = vector.shape_cast %swap3A_1003 : vector<1x16xf32> to vector<16xf32>
    %swap3A_1005 = vector.shape_cast %get3A_813 : vector<16xf32> to vector<1x16xf32>
    tpu.vector_store %arg7[%swap3A_1001, %swap3A_1002], %swap3A_1005 {strides = array<i32>} : memref<32x128xf32, #tpu.memory_space<vmem>>, vector<1x16xf32>,
    %get3A_1006 = arith.constant 0 : i32
    %get3A_1007 = arith.index_cast %get3A_1006 : i32 to index
    %get3A_1008 = arith.constant 80 : index
    %get3A_1009 = tpu.vector_load %arg8[%get3A_1007, %get3A_1008] {strides = array<i32>} : memref<1x128xf32, #tpu.memory_space<vmem>>, vector<1x16xf32>,
    %get3A_1010 = vector.shape_cast %get3A_1009 : vector<1x16xf32> to vector<16xf32>
    %swap3A_1011 = arith.constant 0 : i32
    %swap3A_1012 = arith.index_cast %swap3A_1011 : i32 to index
    %swap3A_1013 = arith.constant 80 : index
    %swap3A_1014 = tpu.vector_load %arg7[%swap3A_1012, %swap3A_1013] {strides = array<i32>} : memref<32x128xf32, #tpu.memory_space<vmem>>, vector<1x16xf32>,
    %swap3A_1015 = vector.shape_cast %swap3A_1014 : vector<1x16xf32> to vector<16xf32>
    %swap3A_1016 = vector.shape_cast %get3A_1010 : vector<16xf32> to vector<1x16xf32>
    tpu.vector_store %arg7[%swap3A_1012, %swap3A_1013], %swap3A_1016 {strides = array<i32>} : memref<32x128xf32, #tpu.memory_space<vmem>>, vector<1x16xf32>,
    %swap3A_1017 = arith.constant 1 : i32
    %swap3A_1018 = arith.index_cast %swap3A_1017 : i32 to index
    %swap3A_1019 = arith.constant 80 : index
    %swap3A_1020 = tpu.vector_load %arg7[%swap3A_1018, %swap3A_1019] {strides = array<i32>} : memref<32x128xf32, #tpu.memory_space<vmem>>, vector<1x16xf32>,
    %swap3A_1021 = vector.shape_cast %swap3A_1020 : vector<1x16xf32> to vector<16xf32>
    %swap3A_1022 = vector.shape_cast %get3A_1010 : vector<16xf32> to vector<1x16xf32>
    tpu.vector_store %arg7[%swap3A_1018, %swap3A_1019], %swap3A_1022 {strides = array<i32>} : memref<32x128xf32, #tpu.memory_space<vmem>>, vector<1x16xf32>,
    %swap3A_1023 = arith.constant 2 : i32
    %swap3A_1024 = arith.index_cast %swap3A_1023 : i32 to index
    %swap3A_1025 = arith.constant 80 : index
    %swap3A_1026 = tpu.vector_load %arg7[%swap3A_1024, %swap3A_1025] {strides = array<i32>} : memref<32x128xf32, #tpu.memory_space<vmem>>, vector<1x16xf32>,
    %swap3A_1027 = vector.shape_cast %swap3A_1026 : vector<1x16xf32> to vector<16xf32>
    %swap3A_1028 = vector.shape_cast %get3A_1010 : vector<16xf32> to vector<1x16xf32>
    tpu.vector_store %arg7[%swap3A_1024, %swap3A_1025], %swap3A_1028 {strides = array<i32>} : memref<32x128xf32, #tpu.memory_space<vmem>>, vector<1x16xf32>,
    %swap3A_1029 = arith.constant 3 : i32
    %swap3A_1030 = arith.index_cast %swap3A_1029 : i32 to index
    %swap3A_1031 = arith.constant 80 : index
    %swap3A_1032 = tpu.vector_load %arg7[%swap3A_1030, %swap3A_1031] {strides = array<i32>} : memref<32x128xf32, #tpu.memory_space<vmem>>, vector<1x16xf32>,
    %swap3A_1033 = vector.shape_cast %swap3A_1032 : vector<1x16xf32> to vector<16xf32>
    %swap3A_1034 = vector.shape_cast %get3A_1010 : vector<16xf32> to vector<1x16xf32>
    tpu.vector_store %arg7[%swap3A_1030, %swap3A_1031], %swap3A_1034 {strides = array<i32>} : memref<32x128xf32, #tpu.memory_space<vmem>>, vector<1x16xf32>,
    %swap3A_1035 = arith.constant 4 : i32
    %swap3A_1036 = arith.index_cast %swap3A_1035 : i32 to index
    %swap3A_1037 = arith.constant 80 : index
    %swap3A_1038 = tpu.vector_load %arg7[%swap3A_1036, %swap3A_1037] {strides = array<i32>} : memref<32x128xf32, #tpu.memory_space<vmem>>, vector<1x16xf32>,
    %swap3A_1039 = vector.shape_cast %swap3A_1038 : vector<1x16xf32> to vector<16xf32>
    %swap3A_1040 = vector.shape_cast %get3A_1010 : vector<16xf32> to vector<1x16xf32>
    tpu.vector_store %arg7[%swap3A_1036, %swap3A_1037], %swap3A_1040 {strides = array<i32>} : memref<32x128xf32, #tpu.memory_space<vmem>>, vector<1x16xf32>,
    %swap3A_1041 = arith.constant 5 : i32
    %swap3A_1042 = arith.index_cast %swap3A_1041 : i32 to index
    %swap3A_1043 = arith.constant 80 : index
    %swap3A_1044 = tpu.vector_load %arg7[%swap3A_1042, %swap3A_1043] {strides = array<i32>} : memref<32x128xf32, #tpu.memory_space<vmem>>, vector<1x16xf32>,
    %swap3A_1045 = vector.shape_cast %swap3A_1044 : vector<1x16xf32> to vector<16xf32>
    %swap3A_1046 = vector.shape_cast %get3A_1010 : vector<16xf32> to vector<1x16xf32>
    tpu.vector_store %arg7[%swap3A_1042, %swap3A_1043], %swap3A_1046 {strides = array<i32>} : memref<32x128xf32, #tpu.memory_space<vmem>>, vector<1x16xf32>,
    %swap3A_1047 = arith.constant 6 : i32
    %swap3A_1048 = arith.index_cast %swap3A_1047 : i32 to index
    %swap3A_1049 = arith.constant 80 : index
    %swap3A_1050 = tpu.vector_load %arg7[%swap3A_1048, %swap3A_1049] {strides = array<i32>} : memref<32x128xf32, #tpu.memory_space<vmem>>, vector<1x16xf32>,
    %swap3A_1051 = vector.shape_cast %swap3A_1050 : vector<1x16xf32> to vector<16xf32>
    %swap3A_1052 = vector.shape_cast %get3A_1010 : vector<16xf32> to vector<1x16xf32>
    tpu.vector_store %arg7[%swap3A_1048, %swap3A_1049], %swap3A_1052 {strides = array<i32>} : memref<32x128xf32, #tpu.memory_space<vmem>>, vector<1x16xf32>,
    %swap3A_1053 = arith.constant 7 : i32
    %swap3A_1054 = arith.index_cast %swap3A_1053 : i32 to index
    %swap3A_1055 = arith.constant 80 : index
    %swap3A_1056 = tpu.vector_load %arg7[%swap3A_1054, %swap3A_1055] {strides = array<i32>} : memref<32x128xf32, #tpu.memory_space<vmem>>, vector<1x16xf32>,
    %swap3A_1057 = vector.shape_cast %swap3A_1056 : vector<1x16xf32> to vector<16xf32>
    %swap3A_1058 = vector.shape_cast %get3A_1010 : vector<16xf32> to vector<1x16xf32>
    tpu.vector_store %arg7[%swap3A_1054, %swap3A_1055], %swap3A_1058 {strides = array<i32>} : memref<32x128xf32, #tpu.memory_space<vmem>>, vector<1x16xf32>,
    %swap3A_1059 = arith.constant 8 : i32
    %swap3A_1060 = arith.index_cast %swap3A_1059 : i32 to index
    %swap3A_1061 = arith.constant 80 : index
    %swap3A_1062 = tpu.vector_load %arg7[%swap3A_1060, %swap3A_1061] {strides = array<i32>} : memref<32x128xf32, #tpu.memory_space<vmem>>, vector<1x16xf32>,
    %swap3A_1063 = vector.shape_cast %swap3A_1062 : vector<1x16xf32> to vector<16xf32>
    %swap3A_1064 = vector.shape_cast %get3A_1010 : vector<16xf32> to vector<1x16xf32>
    tpu.vector_store %arg7[%swap3A_1060, %swap3A_1061], %swap3A_1064 {strides = array<i32>} : memref<32x128xf32, #tpu.memory_space<vmem>>, vector<1x16xf32>,
    %swap3A_1065 = arith.constant 9 : i32
    %swap3A_1066 = arith.index_cast %swap3A_1065 : i32 to index
    %swap3A_1067 = arith.constant 80 : index
    %swap3A_1068 = tpu.vector_load %arg7[%swap3A_1066, %swap3A_1067] {strides = array<i32>} : memref<32x128xf32, #tpu.memory_space<vmem>>, vector<1x16xf32>,
    %swap3A_1069 = vector.shape_cast %swap3A_1068 : vector<1x16xf32> to vector<16xf32>
    %swap3A_1070 = vector.shape_cast %get3A_1010 : vector<16xf32> to vector<1x16xf32>
    tpu.vector_store %arg7[%swap3A_1066, %swap3A_1067], %swap3A_1070 {strides = array<i32>} : memref<32x128xf32, #tpu.memory_space<vmem>>, vector<1x16xf32>,
    %swap3A_1071 = arith.constant 10 : i32
    %swap3A_1072 = arith.index_cast %swap3A_1071 : i32 to index
    %swap3A_1073 = arith.constant 80 : index
    %swap3A_1074 = tpu.vector_load %arg7[%swap3A_1072, %swap3A_1073] {strides = array<i32>} : memref<32x128xf32, #tpu.memory_space<vmem>>, vector<1x16xf32>,
    %swap3A_1075 = vector.shape_cast %swap3A_1074 : vector<1x16xf32> to vector<16xf32>
    %swap3A_1076 = vector.shape_cast %get3A_1010 : vector<16xf32> to vector<1x16xf32>
    tpu.vector_store %arg7[%swap3A_1072, %swap3A_1073], %swap3A_1076 {strides = array<i32>} : memref<32x128xf32, #tpu.memory_space<vmem>>, vector<1x16xf32>,
    %swap3A_1077 = arith.constant 11 : i32
    %swap3A_1078 = arith.index_cast %swap3A_1077 : i32 to index
    %swap3A_1079 = arith.constant 80 : index
    %swap3A_1080 = tpu.vector_load %arg7[%swap3A_1078, %swap3A_1079] {strides = array<i32>} : memref<32x128xf32, #tpu.memory_space<vmem>>, vector<1x16xf32>,
    %swap3A_1081 = vector.shape_cast %swap3A_1080 : vector<1x16xf32> to vector<16xf32>
    %swap3A_1082 = vector.shape_cast %get3A_1010 : vector<16xf32> to vector<1x16xf32>
    tpu.vector_store %arg7[%swap3A_1078, %swap3A_1079], %swap3A_1082 {strides = array<i32>} : memref<32x128xf32, #tpu.memory_space<vmem>>, vector<1x16xf32>,
    %swap3A_1083 = arith.constant 12 : i32
    %swap3A_1084 = arith.index_cast %swap3A_1083 : i32 to index
    %swap3A_1085 = arith.constant 80 : index
    %swap3A_1086 = tpu.vector_load %arg7[%swap3A_1084, %swap3A_1085] {strides = array<i32>} : memref<32x128xf32, #tpu.memory_space<vmem>>, vector<1x16xf32>,
    %swap3A_1087 = vector.shape_cast %swap3A_1086 : vector<1x16xf32> to vector<16xf32>
    %swap3A_1088 = vector.shape_cast %get3A_1010 : vector<16xf32> to vector<1x16xf32>
    tpu.vector_store %arg7[%swap3A_1084, %swap3A_1085], %swap3A_1088 {strides = array<i32>} : memref<32x128xf32, #tpu.memory_space<vmem>>, vector<1x16xf32>,
    %swap3A_1089 = arith.constant 13 : i32
    %swap3A_1090 = arith.index_cast %swap3A_1089 : i32 to index
    %swap3A_1091 = arith.constant 80 : index
    %swap3A_1092 = tpu.vector_load %arg7[%swap3A_1090, %swap3A_1091] {strides = array<i32>} : memref<32x128xf32, #tpu.memory_space<vmem>>, vector<1x16xf32>,
    %swap3A_1093 = vector.shape_cast %swap3A_1092 : vector<1x16xf32> to vector<16xf32>
    %swap3A_1094 = vector.shape_cast %get3A_1010 : vector<16xf32> to vector<1x16xf32>
    tpu.vector_store %arg7[%swap3A_1090, %swap3A_1091], %swap3A_1094 {strides = array<i32>} : memref<32x128xf32, #tpu.memory_space<vmem>>, vector<1x16xf32>,
    %swap3A_1095 = arith.constant 14 : i32
    %swap3A_1096 = arith.index_cast %swap3A_1095 : i32 to index
    %swap3A_1097 = arith.constant 80 : index
    %swap3A_1098 = tpu.vector_load %arg7[%swap3A_1096, %swap3A_1097] {strides = array<i32>} : memref<32x128xf32, #tpu.memory_space<vmem>>, vector<1x16xf32>,
    %swap3A_1099 = vector.shape_cast %swap3A_1098 : vector<1x16xf32> to vector<16xf32>
    %swap3A_1100 = vector.shape_cast %get3A_1010 : vector<16xf32> to vector<1x16xf32>
    tpu.vector_store %arg7[%swap3A_1096, %swap3A_1097], %swap3A_1100 {strides = array<i32>} : memref<32x128xf32, #tpu.memory_space<vmem>>, vector<1x16xf32>,
    %swap3A_1101 = arith.constant 15 : i32
    %swap3A_1102 = arith.index_cast %swap3A_1101 : i32 to index
    %swap3A_1103 = arith.constant 80 : index
    %swap3A_1104 = tpu.vector_load %arg7[%swap3A_1102, %swap3A_1103] {strides = array<i32>} : memref<32x128xf32, #tpu.memory_space<vmem>>, vector<1x16xf32>,
    %swap3A_1105 = vector.shape_cast %swap3A_1104 : vector<1x16xf32> to vector<16xf32>
    %swap3A_1106 = vector.shape_cast %get3A_1010 : vector<16xf32> to vector<1x16xf32>
    tpu.vector_store %arg7[%swap3A_1102, %swap3A_1103], %swap3A_1106 {strides = array<i32>} : memref<32x128xf32, #tpu.memory_space<vmem>>, vector<1x16xf32>,
    %swap3A_1107 = arith.constant 16 : i32
    %swap3A_1108 = arith.index_cast %swap3A_1107 : i32 to index
    %swap3A_1109 = arith.constant 80 : index
    %swap3A_1110 = tpu.vector_load %arg7[%swap3A_1108, %swap3A_1109] {strides = array<i32>} : memref<32x128xf32, #tpu.memory_space<vmem>>, vector<1x16xf32>,
    %swap3A_1111 = vector.shape_cast %swap3A_1110 : vector<1x16xf32> to vector<16xf32>
    %swap3A_1112 = vector.shape_cast %get3A_1010 : vector<16xf32> to vector<1x16xf32>
    tpu.vector_store %arg7[%swap3A_1108, %swap3A_1109], %swap3A_1112 {strides = array<i32>} : memref<32x128xf32, #tpu.memory_space<vmem>>, vector<1x16xf32>,
    %swap3A_1113 = arith.constant 17 : i32
    %swap3A_1114 = arith.index_cast %swap3A_1113 : i32 to index
    %swap3A_1115 = arith.constant 80 : index
    %swap3A_1116 = tpu.vector_load %arg7[%swap3A_1114, %swap3A_1115] {strides = array<i32>} : memref<32x128xf32, #tpu.memory_space<vmem>>, vector<1x16xf32>,
    %swap3A_1117 = vector.shape_cast %swap3A_1116 : vector<1x16xf32> to vector<16xf32>
    %swap3A_1118 = vector.shape_cast %get3A_1010 : vector<16xf32> to vector<1x16xf32>
    tpu.vector_store %arg7[%swap3A_1114, %swap3A_1115], %swap3A_1118 {strides = array<i32>} : memref<32x128xf32, #tpu.memory_space<vmem>>, vector<1x16xf32>,
    %swap3A_1119 = arith.constant 18 : i32
    %swap3A_1120 = arith.index_cast %swap3A_1119 : i32 to index
    %swap3A_1121 = arith.constant 80 : index
    %swap3A_1122 = tpu.vector_load %arg7[%swap3A_1120, %swap3A_1121] {strides = array<i32>} : memref<32x128xf32, #tpu.memory_space<vmem>>, vector<1x16xf32>,
    %swap3A_1123 = vector.shape_cast %swap3A_1122 : vector<1x16xf32> to vector<16xf32>
    %swap3A_1124 = vector.shape_cast %get3A_1010 : vector<16xf32> to vector<1x16xf32>
    tpu.vector_store %arg7[%swap3A_1120, %swap3A_1121], %swap3A_1124 {strides = array<i32>} : memref<32x128xf32, #tpu.memory_space<vmem>>, vector<1x16xf32>,
    %swap3A_1125 = arith.constant 19 : i32
    %swap3A_1126 = arith.index_cast %swap3A_1125 : i32 to index
    %swap3A_1127 = arith.constant 80 : index
    %swap3A_1128 = tpu.vector_load %arg7[%swap3A_1126, %swap3A_1127] {strides = array<i32>} : memref<32x128xf32, #tpu.memory_space<vmem>>, vector<1x16xf32>,
    %swap3A_1129 = vector.shape_cast %swap3A_1128 : vector<1x16xf32> to vector<16xf32>
    %swap3A_1130 = vector.shape_cast %get3A_1010 : vector<16xf32> to vector<1x16xf32>
    tpu.vector_store %arg7[%swap3A_1126, %swap3A_1127], %swap3A_1130 {strides = array<i32>} : memref<32x128xf32, #tpu.memory_space<vmem>>, vector<1x16xf32>,
    %swap3A_1131 = arith.constant 20 : i32
    %swap3A_1132 = arith.index_cast %swap3A_1131 : i32 to index
    %swap3A_1133 = arith.constant 80 : index
    %swap3A_1134 = tpu.vector_load %arg7[%swap3A_1132, %swap3A_1133] {strides = array<i32>} : memref<32x128xf32, #tpu.memory_space<vmem>>, vector<1x16xf32>,
    %swap3A_1135 = vector.shape_cast %swap3A_1134 : vector<1x16xf32> to vector<16xf32>
    %swap3A_1136 = vector.shape_cast %get3A_1010 : vector<16xf32> to vector<1x16xf32>
    tpu.vector_store %arg7[%swap3A_1132, %swap3A_1133], %swap3A_1136 {strides = array<i32>} : memref<32x128xf32, #tpu.memory_space<vmem>>, vector<1x16xf32>,
    %swap3A_1137 = arith.constant 21 : i32
    %swap3A_1138 = arith.index_cast %swap3A_1137 : i32 to index
    %swap3A_1139 = arith.constant 80 : index
    %swap3A_1140 = tpu.vector_load %arg7[%swap3A_1138, %swap3A_1139] {strides = array<i32>} : memref<32x128xf32, #tpu.memory_space<vmem>>, vector<1x16xf32>,
    %swap3A_1141 = vector.shape_cast %swap3A_1140 : vector<1x16xf32> to vector<16xf32>
    %swap3A_1142 = vector.shape_cast %get3A_1010 : vector<16xf32> to vector<1x16xf32>
    tpu.vector_store %arg7[%swap3A_1138, %swap3A_1139], %swap3A_1142 {strides = array<i32>} : memref<32x128xf32, #tpu.memory_space<vmem>>, vector<1x16xf32>,
    %swap3A_1143 = arith.constant 22 : i32
    %swap3A_1144 = arith.index_cast %swap3A_1143 : i32 to index
    %swap3A_1145 = arith.constant 80 : index
    %swap3A_1146 = tpu.vector_load %arg7[%swap3A_1144, %swap3A_1145] {strides = array<i32>} : memref<32x128xf32, #tpu.memory_space<vmem>>, vector<1x16xf32>,
    %swap3A_1147 = vector.shape_cast %swap3A_1146 : vector<1x16xf32> to vector<16xf32>
    %swap3A_1148 = vector.shape_cast %get3A_1010 : vector<16xf32> to vector<1x16xf32>
    tpu.vector_store %arg7[%swap3A_1144, %swap3A_1145], %swap3A_1148 {strides = array<i32>} : memref<32x128xf32, #tpu.memory_space<vmem>>, vector<1x16xf32>,
    %swap3A_1149 = arith.constant 23 : i32
    %swap3A_1150 = arith.index_cast %swap3A_1149 : i32 to index
    %swap3A_1151 = arith.constant 80 : index
    %swap3A_1152 = tpu.vector_load %arg7[%swap3A_1150, %swap3A_1151] {strides = array<i32>} : memref<32x128xf32, #tpu.memory_space<vmem>>, vector<1x16xf32>,
    %swap3A_1153 = vector.shape_cast %swap3A_1152 : vector<1x16xf32> to vector<16xf32>
    %swap3A_1154 = vector.shape_cast %get3A_1010 : vector<16xf32> to vector<1x16xf32>
    tpu.vector_store %arg7[%swap3A_1150, %swap3A_1151], %swap3A_1154 {strides = array<i32>} : memref<32x128xf32, #tpu.memory_space<vmem>>, vector<1x16xf32>,
    %swap3A_1155 = arith.constant 24 : i32
    %swap3A_1156 = arith.index_cast %swap3A_1155 : i32 to index
    %swap3A_1157 = arith.constant 80 : index
    %swap3A_1158 = tpu.vector_load %arg7[%swap3A_1156, %swap3A_1157] {strides = array<i32>} : memref<32x128xf32, #tpu.memory_space<vmem>>, vector<1x16xf32>,
    %swap3A_1159 = vector.shape_cast %swap3A_1158 : vector<1x16xf32> to vector<16xf32>
    %swap3A_1160 = vector.shape_cast %get3A_1010 : vector<16xf32> to vector<1x16xf32>
    tpu.vector_store %arg7[%swap3A_1156, %swap3A_1157], %swap3A_1160 {strides = array<i32>} : memref<32x128xf32, #tpu.memory_space<vmem>>, vector<1x16xf32>,
    %swap3A_1161 = arith.constant 25 : i32
    %swap3A_1162 = arith.index_cast %swap3A_1161 : i32 to index
    %swap3A_1163 = arith.constant 80 : index
    %swap3A_1164 = tpu.vector_load %arg7[%swap3A_1162, %swap3A_1163] {strides = array<i32>} : memref<32x128xf32, #tpu.memory_space<vmem>>, vector<1x16xf32>,
    %swap3A_1165 = vector.shape_cast %swap3A_1164 : vector<1x16xf32> to vector<16xf32>
    %swap3A_1166 = vector.shape_cast %get3A_1010 : vector<16xf32> to vector<1x16xf32>
    tpu.vector_store %arg7[%swap3A_1162, %swap3A_1163], %swap3A_1166 {strides = array<i32>} : memref<32x128xf32, #tpu.memory_space<vmem>>, vector<1x16xf32>,
    %swap3A_1167 = arith.constant 26 : i32
    %swap3A_1168 = arith.index_cast %swap3A_1167 : i32 to index
    %swap3A_1169 = arith.constant 80 : index
    %swap3A_1170 = tpu.vector_load %arg7[%swap3A_1168, %swap3A_1169] {strides = array<i32>} : memref<32x128xf32, #tpu.memory_space<vmem>>, vector<1x16xf32>,
    %swap3A_1171 = vector.shape_cast %swap3A_1170 : vector<1x16xf32> to vector<16xf32>
    %swap3A_1172 = vector.shape_cast %get3A_1010 : vector<16xf32> to vector<1x16xf32>
    tpu.vector_store %arg7[%swap3A_1168, %swap3A_1169], %swap3A_1172 {strides = array<i32>} : memref<32x128xf32, #tpu.memory_space<vmem>>, vector<1x16xf32>,
    %swap3A_1173 = arith.constant 27 : i32
    %swap3A_1174 = arith.index_cast %swap3A_1173 : i32 to index
    %swap3A_1175 = arith.constant 80 : index
    %swap3A_1176 = tpu.vector_load %arg7[%swap3A_1174, %swap3A_1175] {strides = array<i32>} : memref<32x128xf32, #tpu.memory_space<vmem>>, vector<1x16xf32>,
    %swap3A_1177 = vector.shape_cast %swap3A_1176 : vector<1x16xf32> to vector<16xf32>
    %swap3A_1178 = vector.shape_cast %get3A_1010 : vector<16xf32> to vector<1x16xf32>
    tpu.vector_store %arg7[%swap3A_1174, %swap3A_1175], %swap3A_1178 {strides = array<i32>} : memref<32x128xf32, #tpu.memory_space<vmem>>, vector<1x16xf32>,
    %swap3A_1179 = arith.constant 28 : i32
    %swap3A_1180 = arith.index_cast %swap3A_1179 : i32 to index
    %swap3A_1181 = arith.constant 80 : index
    %swap3A_1182 = tpu.vector_load %arg7[%swap3A_1180, %swap3A_1181] {strides = array<i32>} : memref<32x128xf32, #tpu.memory_space<vmem>>, vector<1x16xf32>,
    %swap3A_1183 = vector.shape_cast %swap3A_1182 : vector<1x16xf32> to vector<16xf32>
    %swap3A_1184 = vector.shape_cast %get3A_1010 : vector<16xf32> to vector<1x16xf32>
    tpu.vector_store %arg7[%swap3A_1180, %swap3A_1181], %swap3A_1184 {strides = array<i32>} : memref<32x128xf32, #tpu.memory_space<vmem>>, vector<1x16xf32>,
    %swap3A_1185 = arith.constant 29 : i32
    %swap3A_1186 = arith.index_cast %swap3A_1185 : i32 to index
    %swap3A_1187 = arith.constant 80 : index
    %swap3A_1188 = tpu.vector_load %arg7[%swap3A_1186, %swap3A_1187] {strides = array<i32>} : memref<32x128xf32, #tpu.memory_space<vmem>>, vector<1x16xf32>,
    %swap3A_1189 = vector.shape_cast %swap3A_1188 : vector<1x16xf32> to vector<16xf32>
    %swap3A_1190 = vector.shape_cast %get3A_1010 : vector<16xf32> to vector<1x16xf32>
    tpu.vector_store %arg7[%swap3A_1186, %swap3A_1187], %swap3A_1190 {strides = array<i32>} : memref<32x128xf32, #tpu.memory_space<vmem>>, vector<1x16xf32>,
    %swap3A_1191 = arith.constant 30 : i32
    %swap3A_1192 = arith.index_cast %swap3A_1191 : i32 to index
    %swap3A_1193 = arith.constant 80 : index
    %swap3A_1194 = tpu.vector_load %arg7[%swap3A_1192, %swap3A_1193] {strides = array<i32>} : memref<32x128xf32, #tpu.memory_space<vmem>>, vector<1x16xf32>,
    %swap3A_1195 = vector.shape_cast %swap3A_1194 : vector<1x16xf32> to vector<16xf32>
    %swap3A_1196 = vector.shape_cast %get3A_1010 : vector<16xf32> to vector<1x16xf32>
    tpu.vector_store %arg7[%swap3A_1192, %swap3A_1193], %swap3A_1196 {strides = array<i32>} : memref<32x128xf32, #tpu.memory_space<vmem>>, vector<1x16xf32>,
    %swap3A_1197 = arith.constant 31 : i32
    %swap3A_1198 = arith.index_cast %swap3A_1197 : i32 to index
    %swap3A_1199 = arith.constant 80 : index
    %swap3A_1200 = tpu.vector_load %arg7[%swap3A_1198, %swap3A_1199] {strides = array<i32>} : memref<32x128xf32, #tpu.memory_space<vmem>>, vector<1x16xf32>,
    %swap3A_1201 = vector.shape_cast %swap3A_1200 : vector<1x16xf32> to vector<16xf32>
    %swap3A_1202 = vector.shape_cast %get3A_1010 : vector<16xf32> to vector<1x16xf32>
    tpu.vector_store %arg7[%swap3A_1198, %swap3A_1199], %swap3A_1202 {strides = array<i32>} : memref<32x128xf32, #tpu.memory_space<vmem>>, vector<1x16xf32>,
    %get3A_1203 = arith.constant 0 : i32
    %get3A_1204 = arith.index_cast %get3A_1203 : i32 to index
    %get3A_1205 = arith.constant 96 : index
    %get3A_1206 = tpu.vector_load %arg8[%get3A_1204, %get3A_1205] {strides = array<i32>} : memref<1x128xf32, #tpu.memory_space<vmem>>, vector<1x16xf32>,
    %get3A_1207 = vector.shape_cast %get3A_1206 : vector<1x16xf32> to vector<16xf32>
    %swap3A_1208 = arith.constant 0 : i32
    %swap3A_1209 = arith.index_cast %swap3A_1208 : i32 to index
    %swap3A_1210 = arith.constant 96 : index
    %swap3A_1211 = tpu.vector_load %arg7[%swap3A_1209, %swap3A_1210] {strides = array<i32>} : memref<32x128xf32, #tpu.memory_space<vmem>>, vector<1x16xf32>,
    %swap3A_1212 = vector.shape_cast %swap3A_1211 : vector<1x16xf32> to vector<16xf32>
    %swap3A_1213 = vector.shape_cast %get3A_1207 : vector<16xf32> to vector<1x16xf32>
    tpu.vector_store %arg7[%swap3A_1209, %swap3A_1210], %swap3A_1213 {strides = array<i32>} : memref<32x128xf32, #tpu.memory_space<vmem>>, vector<1x16xf32>,
    %swap3A_1214 = arith.constant 1 : i32
    %swap3A_1215 = arith.index_cast %swap3A_1214 : i32 to index
    %swap3A_1216 = arith.constant 96 : index
    %swap3A_1217 = tpu.vector_load %arg7[%swap3A_1215, %swap3A_1216] {strides = array<i32>} : memref<32x128xf32, #tpu.memory_space<vmem>>, vector<1x16xf32>,
    %swap3A_1218 = vector.shape_cast %swap3A_1217 : vector<1x16xf32> to vector<16xf32>
    %swap3A_1219 = vector.shape_cast %get3A_1207 : vector<16xf32> to vector<1x16xf32>
    tpu.vector_store %arg7[%swap3A_1215, %swap3A_1216], %swap3A_1219 {strides = array<i32>} : memref<32x128xf32, #tpu.memory_space<vmem>>, vector<1x16xf32>,
    %swap3A_1220 = arith.constant 2 : i32
    %swap3A_1221 = arith.index_cast %swap3A_1220 : i32 to index
    %swap3A_1222 = arith.constant 96 : index
    %swap3A_1223 = tpu.vector_load %arg7[%swap3A_1221, %swap3A_1222] {strides = array<i32>} : memref<32x128xf32, #tpu.memory_space<vmem>>, vector<1x16xf32>,
    %swap3A_1224 = vector.shape_cast %swap3A_1223 : vector<1x16xf32> to vector<16xf32>
    %swap3A_1225 = vector.shape_cast %get3A_1207 : vector<16xf32> to vector<1x16xf32>
    tpu.vector_store %arg7[%swap3A_1221, %swap3A_1222], %swap3A_1225 {strides = array<i32>} : memref<32x128xf32, #tpu.memory_space<vmem>>, vector<1x16xf32>,
    %swap3A_1226 = arith.constant 3 : i32
    %swap3A_1227 = arith.index_cast %swap3A_1226 : i32 to index
    %swap3A_1228 = arith.constant 96 : index
    %swap3A_1229 = tpu.vector_load %arg7[%swap3A_1227, %swap3A_1228] {strides = array<i32>} : memref<32x128xf32, #tpu.memory_space<vmem>>, vector<1x16xf32>,
    %swap3A_1230 = vector.shape_cast %swap3A_1229 : vector<1x16xf32> to vector<16xf32>
    %swap3A_1231 = vector.shape_cast %get3A_1207 : vector<16xf32> to vector<1x16xf32>
    tpu.vector_store %arg7[%swap3A_1227, %swap3A_1228], %swap3A_1231 {strides = array<i32>} : memref<32x128xf32, #tpu.memory_space<vmem>>, vector<1x16xf32>,
    %swap3A_1232 = arith.constant 4 : i32
    %swap3A_1233 = arith.index_cast %swap3A_1232 : i32 to index
    %swap3A_1234 = arith.constant 96 : index
    %swap3A_1235 = tpu.vector_load %arg7[%swap3A_1233, %swap3A_1234] {strides = array<i32>} : memref<32x128xf32, #tpu.memory_space<vmem>>, vector<1x16xf32>,
    %swap3A_1236 = vector.shape_cast %swap3A_1235 : vector<1x16xf32> to vector<16xf32>
    %swap3A_1237 = vector.shape_cast %get3A_1207 : vector<16xf32> to vector<1x16xf32>
    tpu.vector_store %arg7[%swap3A_1233, %swap3A_1234], %swap3A_1237 {strides = array<i32>} : memref<32x128xf32, #tpu.memory_space<vmem>>, vector<1x16xf32>,
    %swap3A_1238 = arith.constant 5 : i32
    %swap3A_1239 = arith.index_cast %swap3A_1238 : i32 to index
    %swap3A_1240 = arith.constant 96 : index
    %swap3A_1241 = tpu.vector_load %arg7[%swap3A_1239, %swap3A_1240] {strides = array<i32>} : memref<32x128xf32, #tpu.memory_space<vmem>>, vector<1x16xf32>,
    %swap3A_1242 = vector.shape_cast %swap3A_1241 : vector<1x16xf32> to vector<16xf32>
    %swap3A_1243 = vector.shape_cast %get3A_1207 : vector<16xf32> to vector<1x16xf32>
    tpu.vector_store %arg7[%swap3A_1239, %swap3A_1240], %swap3A_1243 {strides = array<i32>} : memref<32x128xf32, #tpu.memory_space<vmem>>, vector<1x16xf32>,
    %swap3A_1244 = arith.constant 6 : i32
    %swap3A_1245 = arith.index_cast %swap3A_1244 : i32 to index
    %swap3A_1246 = arith.constant 96 : index
    %swap3A_1247 = tpu.vector_load %arg7[%swap3A_1245, %swap3A_1246] {strides = array<i32>} : memref<32x128xf32, #tpu.memory_space<vmem>>, vector<1x16xf32>,
    %swap3A_1248 = vector.shape_cast %swap3A_1247 : vector<1x16xf32> to vector<16xf32>
    %swap3A_1249 = vector.shape_cast %get3A_1207 : vector<16xf32> to vector<1x16xf32>
    tpu.vector_store %arg7[%swap3A_1245, %swap3A_1246], %swap3A_1249 {strides = array<i32>} : memref<32x128xf32, #tpu.memory_space<vmem>>, vector<1x16xf32>,
    %swap3A_1250 = arith.constant 7 : i32
    %swap3A_1251 = arith.index_cast %swap3A_1250 : i32 to index
    %swap3A_1252 = arith.constant 96 : index
    %swap3A_1253 = tpu.vector_load %arg7[%swap3A_1251, %swap3A_1252] {strides = array<i32>} : memref<32x128xf32, #tpu.memory_space<vmem>>, vector<1x16xf32>,
    %swap3A_1254 = vector.shape_cast %swap3A_1253 : vector<1x16xf32> to vector<16xf32>
    %swap3A_1255 = vector.shape_cast %get3A_1207 : vector<16xf32> to vector<1x16xf32>
    tpu.vector_store %arg7[%swap3A_1251, %swap3A_1252], %swap3A_1255 {strides = array<i32>} : memref<32x128xf32, #tpu.memory_space<vmem>>, vector<1x16xf32>,
    %swap3A_1256 = arith.constant 8 : i32
    %swap3A_1257 = arith.index_cast %swap3A_1256 : i32 to index
    %swap3A_1258 = arith.constant 96 : index
    %swap3A_1259 = tpu.vector_load %arg7[%swap3A_1257, %swap3A_1258] {strides = array<i32>} : memref<32x128xf32, #tpu.memory_space<vmem>>, vector<1x16xf32>,
    %swap3A_1260 = vector.shape_cast %swap3A_1259 : vector<1x16xf32> to vector<16xf32>
    %swap3A_1261 = vector.shape_cast %get3A_1207 : vector<16xf32> to vector<1x16xf32>
    tpu.vector_store %arg7[%swap3A_1257, %swap3A_1258], %swap3A_1261 {strides = array<i32>} : memref<32x128xf32, #tpu.memory_space<vmem>>, vector<1x16xf32>,
    %swap3A_1262 = arith.constant 9 : i32
    %swap3A_1263 = arith.index_cast %swap3A_1262 : i32 to index
    %swap3A_1264 = arith.constant 96 : index
    %swap3A_1265 = tpu.vector_load %arg7[%swap3A_1263, %swap3A_1264] {strides = array<i32>} : memref<32x128xf32, #tpu.memory_space<vmem>>, vector<1x16xf32>,
    %swap3A_1266 = vector.shape_cast %swap3A_1265 : vector<1x16xf32> to vector<16xf32>
    %swap3A_1267 = vector.shape_cast %get3A_1207 : vector<16xf32> to vector<1x16xf32>
    tpu.vector_store %arg7[%swap3A_1263, %swap3A_1264], %swap3A_1267 {strides = array<i32>} : memref<32x128xf32, #tpu.memory_space<vmem>>, vector<1x16xf32>,
    %swap3A_1268 = arith.constant 10 : i32
    %swap3A_1269 = arith.index_cast %swap3A_1268 : i32 to index
    %swap3A_1270 = arith.constant 96 : index
    %swap3A_1271 = tpu.vector_load %arg7[%swap3A_1269, %swap3A_1270] {strides = array<i32>} : memref<32x128xf32, #tpu.memory_space<vmem>>, vector<1x16xf32>,
    %swap3A_1272 = vector.shape_cast %swap3A_1271 : vector<1x16xf32> to vector<16xf32>
    %swap3A_1273 = vector.shape_cast %get3A_1207 : vector<16xf32> to vector<1x16xf32>
    tpu.vector_store %arg7[%swap3A_1269, %swap3A_1270], %swap3A_1273 {strides = array<i32>} : memref<32x128xf32, #tpu.memory_space<vmem>>, vector<1x16xf32>,
    %swap3A_1274 = arith.constant 11 : i32
    %swap3A_1275 = arith.index_cast %swap3A_1274 : i32 to index
    %swap3A_1276 = arith.constant 96 : index
    %swap3A_1277 = tpu.vector_load %arg7[%swap3A_1275, %swap3A_1276] {strides = array<i32>} : memref<32x128xf32, #tpu.memory_space<vmem>>, vector<1x16xf32>,
    %swap3A_1278 = vector.shape_cast %swap3A_1277 : vector<1x16xf32> to vector<16xf32>
    %swap3A_1279 = vector.shape_cast %get3A_1207 : vector<16xf32> to vector<1x16xf32>
    tpu.vector_store %arg7[%swap3A_1275, %swap3A_1276], %swap3A_1279 {strides = array<i32>} : memref<32x128xf32, #tpu.memory_space<vmem>>, vector<1x16xf32>,
    %swap3A_1280 = arith.constant 12 : i32
    %swap3A_1281 = arith.index_cast %swap3A_1280 : i32 to index
    %swap3A_1282 = arith.constant 96 : index
    %swap3A_1283 = tpu.vector_load %arg7[%swap3A_1281, %swap3A_1282] {strides = array<i32>} : memref<32x128xf32, #tpu.memory_space<vmem>>, vector<1x16xf32>,
    %swap3A_1284 = vector.shape_cast %swap3A_1283 : vector<1x16xf32> to vector<16xf32>
    %swap3A_1285 = vector.shape_cast %get3A_1207 : vector<16xf32> to vector<1x16xf32>
    tpu.vector_store %arg7[%swap3A_1281, %swap3A_1282], %swap3A_1285 {strides = array<i32>} : memref<32x128xf32, #tpu.memory_space<vmem>>, vector<1x16xf32>,
    %swap3A_1286 = arith.constant 13 : i32
    %swap3A_1287 = arith.index_cast %swap3A_1286 : i32 to index
    %swap3A_1288 = arith.constant 96 : index
    %swap3A_1289 = tpu.vector_load %arg7[%swap3A_1287, %swap3A_1288] {strides = array<i32>} : memref<32x128xf32, #tpu.memory_space<vmem>>, vector<1x16xf32>,
    %swap3A_1290 = vector.shape_cast %swap3A_1289 : vector<1x16xf32> to vector<16xf32>
    %swap3A_1291 = vector.shape_cast %get3A_1207 : vector<16xf32> to vector<1x16xf32>
    tpu.vector_store %arg7[%swap3A_1287, %swap3A_1288], %swap3A_1291 {strides = array<i32>} : memref<32x128xf32, #tpu.memory_space<vmem>>, vector<1x16xf32>,
    %swap3A_1292 = arith.constant 14 : i32
    %swap3A_1293 = arith.index_cast %swap3A_1292 : i32 to index
    %swap3A_1294 = arith.constant 96 : index
    %swap3A_1295 = tpu.vector_load %arg7[%swap3A_1293, %swap3A_1294] {strides = array<i32>} : memref<32x128xf32, #tpu.memory_space<vmem>>, vector<1x16xf32>,
    %swap3A_1296 = vector.shape_cast %swap3A_1295 : vector<1x16xf32> to vector<16xf32>
    %swap3A_1297 = vector.shape_cast %get3A_1207 : vector<16xf32> to vector<1x16xf32>
    tpu.vector_store %arg7[%swap3A_1293, %swap3A_1294], %swap3A_1297 {strides = array<i32>} : memref<32x128xf32, #tpu.memory_space<vmem>>, vector<1x16xf32>,
    %swap3A_1298 = arith.constant 15 : i32
    %swap3A_1299 = arith.index_cast %swap3A_1298 : i32 to index
    %swap3A_1300 = arith.constant 96 : index
    %swap3A_1301 = tpu.vector_load %arg7[%swap3A_1299, %swap3A_1300] {strides = array<i32>} : memref<32x128xf32, #tpu.memory_space<vmem>>, vector<1x16xf32>,
    %swap3A_1302 = vector.shape_cast %swap3A_1301 : vector<1x16xf32> to vector<16xf32>
    %swap3A_1303 = vector.shape_cast %get3A_1207 : vector<16xf32> to vector<1x16xf32>
    tpu.vector_store %arg7[%swap3A_1299, %swap3A_1300], %swap3A_1303 {strides = array<i32>} : memref<32x128xf32, #tpu.memory_space<vmem>>, vector<1x16xf32>,
    %swap3A_1304 = arith.constant 16 : i32
    %swap3A_1305 = arith.index_cast %swap3A_1304 : i32 to index
    %swap3A_1306 = arith.constant 96 : index
    %swap3A_1307 = tpu.vector_load %arg7[%swap3A_1305, %swap3A_1306] {strides = array<i32>} : memref<32x128xf32, #tpu.memory_space<vmem>>, vector<1x16xf32>,
    %swap3A_1308 = vector.shape_cast %swap3A_1307 : vector<1x16xf32> to vector<16xf32>
    %swap3A_1309 = vector.shape_cast %get3A_1207 : vector<16xf32> to vector<1x16xf32>
    tpu.vector_store %arg7[%swap3A_1305, %swap3A_1306], %swap3A_1309 {strides = array<i32>} : memref<32x128xf32, #tpu.memory_space<vmem>>, vector<1x16xf32>,
    %swap3A_1310 = arith.constant 17 : i32
    %swap3A_1311 = arith.index_cast %swap3A_1310 : i32 to index
    %swap3A_1312 = arith.constant 96 : index
    %swap3A_1313 = tpu.vector_load %arg7[%swap3A_1311, %swap3A_1312] {strides = array<i32>} : memref<32x128xf32, #tpu.memory_space<vmem>>, vector<1x16xf32>,
    %swap3A_1314 = vector.shape_cast %swap3A_1313 : vector<1x16xf32> to vector<16xf32>
    %swap3A_1315 = vector.shape_cast %get3A_1207 : vector<16xf32> to vector<1x16xf32>
    tpu.vector_store %arg7[%swap3A_1311, %swap3A_1312], %swap3A_1315 {strides = array<i32>} : memref<32x128xf32, #tpu.memory_space<vmem>>, vector<1x16xf32>,
    %swap3A_1316 = arith.constant 18 : i32
    %swap3A_1317 = arith.index_cast %swap3A_1316 : i32 to index
    %swap3A_1318 = arith.constant 96 : index
    %swap3A_1319 = tpu.vector_load %arg7[%swap3A_1317, %swap3A_1318] {strides = array<i32>} : memref<32x128xf32, #tpu.memory_space<vmem>>, vector<1x16xf32>,
    %swap3A_1320 = vector.shape_cast %swap3A_1319 : vector<1x16xf32> to vector<16xf32>
    %swap3A_1321 = vector.shape_cast %get3A_1207 : vector<16xf32> to vector<1x16xf32>
    tpu.vector_store %arg7[%swap3A_1317, %swap3A_1318], %swap3A_1321 {strides = array<i32>} : memref<32x128xf32, #tpu.memory_space<vmem>>, vector<1x16xf32>,
    %swap3A_1322 = arith.constant 19 : i32
    %swap3A_1323 = arith.index_cast %swap3A_1322 : i32 to index
    %swap3A_1324 = arith.constant 96 : index
    %swap3A_1325 = tpu.vector_load %arg7[%swap3A_1323, %swap3A_1324] {strides = array<i32>} : memref<32x128xf32, #tpu.memory_space<vmem>>, vector<1x16xf32>,
    %swap3A_1326 = vector.shape_cast %swap3A_1325 : vector<1x16xf32> to vector<16xf32>
    %swap3A_1327 = vector.shape_cast %get3A_1207 : vector<16xf32> to vector<1x16xf32>
    tpu.vector_store %arg7[%swap3A_1323, %swap3A_1324], %swap3A_1327 {strides = array<i32>} : memref<32x128xf32, #tpu.memory_space<vmem>>, vector<1x16xf32>,
    %swap3A_1328 = arith.constant 20 : i32
    %swap3A_1329 = arith.index_cast %swap3A_1328 : i32 to index
    %swap3A_1330 = arith.constant 96 : index
    %swap3A_1331 = tpu.vector_load %arg7[%swap3A_1329, %swap3A_1330] {strides = array<i32>} : memref<32x128xf32, #tpu.memory_space<vmem>>, vector<1x16xf32>,
    %swap3A_1332 = vector.shape_cast %swap3A_1331 : vector<1x16xf32> to vector<16xf32>
    %swap3A_1333 = vector.shape_cast %get3A_1207 : vector<16xf32> to vector<1x16xf32>
    tpu.vector_store %arg7[%swap3A_1329, %swap3A_1330], %swap3A_1333 {strides = array<i32>} : memref<32x128xf32, #tpu.memory_space<vmem>>, vector<1x16xf32>,
    %swap3A_1334 = arith.constant 21 : i32
    %swap3A_1335 = arith.index_cast %swap3A_1334 : i32 to index
    %swap3A_1336 = arith.constant 96 : index
    %swap3A_1337 = tpu.vector_load %arg7[%swap3A_1335, %swap3A_1336] {strides = array<i32>} : memref<32x128xf32, #tpu.memory_space<vmem>>, vector<1x16xf32>,
    %swap3A_1338 = vector.shape_cast %swap3A_1337 : vector<1x16xf32> to vector<16xf32>
    %swap3A_1339 = vector.shape_cast %get3A_1207 : vector<16xf32> to vector<1x16xf32>
    tpu.vector_store %arg7[%swap3A_1335, %swap3A_1336], %swap3A_1339 {strides = array<i32>} : memref<32x128xf32, #tpu.memory_space<vmem>>, vector<1x16xf32>,
    %swap3A_1340 = arith.constant 22 : i32
    %swap3A_1341 = arith.index_cast %swap3A_1340 : i32 to index
    %swap3A_1342 = arith.constant 96 : index
    %swap3A_1343 = tpu.vector_load %arg7[%swap3A_1341, %swap3A_1342] {strides = array<i32>} : memref<32x128xf32, #tpu.memory_space<vmem>>, vector<1x16xf32>,
    %swap3A_1344 = vector.shape_cast %swap3A_1343 : vector<1x16xf32> to vector<16xf32>
    %swap3A_1345 = vector.shape_cast %get3A_1207 : vector<16xf32> to vector<1x16xf32>
    tpu.vector_store %arg7[%swap3A_1341, %swap3A_1342], %swap3A_1345 {strides = array<i32>} : memref<32x128xf32, #tpu.memory_space<vmem>>, vector<1x16xf32>,
    %swap3A_1346 = arith.constant 23 : i32
    %swap3A_1347 = arith.index_cast %swap3A_1346 : i32 to index
    %swap3A_1348 = arith.constant 96 : index
    %swap3A_1349 = tpu.vector_load %arg7[%swap3A_1347, %swap3A_1348] {strides = array<i32>} : memref<32x128xf32, #tpu.memory_space<vmem>>, vector<1x16xf32>,
    %swap3A_1350 = vector.shape_cast %swap3A_1349 : vector<1x16xf32> to vector<16xf32>
    %swap3A_1351 = vector.shape_cast %get3A_1207 : vector<16xf32> to vector<1x16xf32>
    tpu.vector_store %arg7[%swap3A_1347, %swap3A_1348], %swap3A_1351 {strides = array<i32>} : memref<32x128xf32, #tpu.memory_space<vmem>>, vector<1x16xf32>,
    %swap3A_1352 = arith.constant 24 : i32
    %swap3A_1353 = arith.index_cast %swap3A_1352 : i32 to index
    %swap3A_1354 = arith.constant 96 : index
    %swap3A_1355 = tpu.vector_load %arg7[%swap3A_1353, %swap3A_1354] {strides = array<i32>} : memref<32x128xf32, #tpu.memory_space<vmem>>, vector<1x16xf32>,
    %swap3A_1356 = vector.shape_cast %swap3A_1355 : vector<1x16xf32> to vector<16xf32>
    %swap3A_1357 = vector.shape_cast %get3A_1207 : vector<16xf32> to vector<1x16xf32>
    tpu.vector_store %arg7[%swap3A_1353, %swap3A_1354], %swap3A_1357 {strides = array<i32>} : memref<32x128xf32, #tpu.memory_space<vmem>>, vector<1x16xf32>,
    %swap3A_1358 = arith.constant 25 : i32
    %swap3A_1359 = arith.index_cast %swap3A_1358 : i32 to index
    %swap3A_1360 = arith.constant 96 : index
    %swap3A_1361 = tpu.vector_load %arg7[%swap3A_1359, %swap3A_1360] {strides = array<i32>} : memref<32x128xf32, #tpu.memory_space<vmem>>, vector<1x16xf32>,
    %swap3A_1362 = vector.shape_cast %swap3A_1361 : vector<1x16xf32> to vector<16xf32>
    %swap3A_1363 = vector.shape_cast %get3A_1207 : vector<16xf32> to vector<1x16xf32>
    tpu.vector_store %arg7[%swap3A_1359, %swap3A_1360], %swap3A_1363 {strides = array<i32>} : memref<32x128xf32, #tpu.memory_space<vmem>>, vector<1x16xf32>,
    %swap3A_1364 = arith.constant 26 : i32
    %swap3A_1365 = arith.index_cast %swap3A_1364 : i32 to index
    %swap3A_1366 = arith.constant 96 : index
    %swap3A_1367 = tpu.vector_load %arg7[%swap3A_1365, %swap3A_1366] {strides = array<i32>} : memref<32x128xf32, #tpu.memory_space<vmem>>, vector<1x16xf32>,
    %swap3A_1368 = vector.shape_cast %swap3A_1367 : vector<1x16xf32> to vector<16xf32>
    %swap3A_1369 = vector.shape_cast %get3A_1207 : vector<16xf32> to vector<1x16xf32>
    tpu.vector_store %arg7[%swap3A_1365, %swap3A_1366], %swap3A_1369 {strides = array<i32>} : memref<32x128xf32, #tpu.memory_space<vmem>>, vector<1x16xf32>,
    %swap3A_1370 = arith.constant 27 : i32
    %swap3A_1371 = arith.index_cast %swap3A_1370 : i32 to index
    %swap3A_1372 = arith.constant 96 : index
    %swap3A_1373 = tpu.vector_load %arg7[%swap3A_1371, %swap3A_1372] {strides = array<i32>} : memref<32x128xf32, #tpu.memory_space<vmem>>, vector<1x16xf32>,
    %swap3A_1374 = vector.shape_cast %swap3A_1373 : vector<1x16xf32> to vector<16xf32>
    %swap3A_1375 = vector.shape_cast %get3A_1207 : vector<16xf32> to vector<1x16xf32>
    tpu.vector_store %arg7[%swap3A_1371, %swap3A_1372], %swap3A_1375 {strides = array<i32>} : memref<32x128xf32, #tpu.memory_space<vmem>>, vector<1x16xf32>,
    %swap3A_1376 = arith.constant 28 : i32
    %swap3A_1377 = arith.index_cast %swap3A_1376 : i32 to index
    %swap3A_1378 = arith.constant 96 : index
    %swap3A_1379 = tpu.vector_load %arg7[%swap3A_1377, %swap3A_1378] {strides = array<i32>} : memref<32x128xf32, #tpu.memory_space<vmem>>, vector<1x16xf32>,
    %swap3A_1380 = vector.shape_cast %swap3A_1379 : vector<1x16xf32> to vector<16xf32>
    %swap3A_1381 = vector.shape_cast %get3A_1207 : vector<16xf32> to vector<1x16xf32>
    tpu.vector_store %arg7[%swap3A_1377, %swap3A_1378], %swap3A_1381 {strides = array<i32>} : memref<32x128xf32, #tpu.memory_space<vmem>>, vector<1x16xf32>,
    %swap3A_1382 = arith.constant 29 : i32
    %swap3A_1383 = arith.index_cast %swap3A_1382 : i32 to index
    %swap3A_1384 = arith.constant 96 : index
    %swap3A_1385 = tpu.vector_load %arg7[%swap3A_1383, %swap3A_1384] {strides = array<i32>} : memref<32x128xf32, #tpu.memory_space<vmem>>, vector<1x16xf32>,
    %swap3A_1386 = vector.shape_cast %swap3A_1385 : vector<1x16xf32> to vector<16xf32>
    %swap3A_1387 = vector.shape_cast %get3A_1207 : vector<16xf32> to vector<1x16xf32>
    tpu.vector_store %arg7[%swap3A_1383, %swap3A_1384], %swap3A_1387 {strides = array<i32>} : memref<32x128xf32, #tpu.memory_space<vmem>>, vector<1x16xf32>,
    %swap3A_1388 = arith.constant 30 : i32
    %swap3A_1389 = arith.index_cast %swap3A_1388 : i32 to index
    %swap3A_1390 = arith.constant 96 : index
    %swap3A_1391 = tpu.vector_load %arg7[%swap3A_1389, %swap3A_1390] {strides = array<i32>} : memref<32x128xf32, #tpu.memory_space<vmem>>, vector<1x16xf32>,
    %swap3A_1392 = vector.shape_cast %swap3A_1391 : vector<1x16xf32> to vector<16xf32>
    %swap3A_1393 = vector.shape_cast %get3A_1207 : vector<16xf32> to vector<1x16xf32>
    tpu.vector_store %arg7[%swap3A_1389, %swap3A_1390], %swap3A_1393 {strides = array<i32>} : memref<32x128xf32, #tpu.memory_space<vmem>>, vector<1x16xf32>,
    %swap3A_1394 = arith.constant 31 : i32
    %swap3A_1395 = arith.index_cast %swap3A_1394 : i32 to index
    %swap3A_1396 = arith.constant 96 : index
    %swap3A_1397 = tpu.vector_load %arg7[%swap3A_1395, %swap3A_1396] {strides = array<i32>} : memref<32x128xf32, #tpu.memory_space<vmem>>, vector<1x16xf32>,
    %swap3A_1398 = vector.shape_cast %swap3A_1397 : vector<1x16xf32> to vector<16xf32>
    %swap3A_1399 = vector.shape_cast %get3A_1207 : vector<16xf32> to vector<1x16xf32>
    tpu.vector_store %arg7[%swap3A_1395, %swap3A_1396], %swap3A_1399 {strides = array<i32>} : memref<32x128xf32, #tpu.memory_space<vmem>>, vector<1x16xf32>,
    %get3A_1400 = arith.constant 0 : i32
    %get3A_1401 = arith.index_cast %get3A_1400 : i32 to index
    %get3A_1402 = arith.constant 112 : index
    %get3A_1403 = tpu.vector_load %arg8[%get3A_1401, %get3A_1402] {strides = array<i32>} : memref<1x128xf32, #tpu.memory_space<vmem>>, vector<1x16xf32>,
    %get3A_1404 = vector.shape_cast %get3A_1403 : vector<1x16xf32> to vector<16xf32>
    %swap3A_1405 = arith.constant 0 : i32
    %swap3A_1406 = arith.index_cast %swap3A_1405 : i32 to index
    %swap3A_1407 = arith.constant 112 : index
    %swap3A_1408 = tpu.vector_load %arg7[%swap3A_1406, %swap3A_1407] {strides = array<i32>} : memref<32x128xf32, #tpu.memory_space<vmem>>, vector<1x16xf32>,
    %swap3A_1409 = vector.shape_cast %swap3A_1408 : vector<1x16xf32> to vector<16xf32>
    %swap3A_1410 = vector.shape_cast %get3A_1404 : vector<16xf32> to vector<1x16xf32>
    tpu.vector_store %arg7[%swap3A_1406, %swap3A_1407], %swap3A_1410 {strides = array<i32>} : memref<32x128xf32, #tpu.memory_space<vmem>>, vector<1x16xf32>,
    %swap3A_1411 = arith.constant 1 : i32
    %swap3A_1412 = arith.index_cast %swap3A_1411 : i32 to index
    %swap3A_1413 = arith.constant 112 : index
    %swap3A_1414 = tpu.vector_load %arg7[%swap3A_1412, %swap3A_1413] {strides = array<i32>} : memref<32x128xf32, #tpu.memory_space<vmem>>, vector<1x16xf32>,
    %swap3A_1415 = vector.shape_cast %swap3A_1414 : vector<1x16xf32> to vector<16xf32>
    %swap3A_1416 = vector.shape_cast %get3A_1404 : vector<16xf32> to vector<1x16xf32>
    tpu.vector_store %arg7[%swap3A_1412, %swap3A_1413], %swap3A_1416 {strides = array<i32>} : memref<32x128xf32, #tpu.memory_space<vmem>>, vector<1x16xf32>,
    %swap3A_1417 = arith.constant 2 : i32
    %swap3A_1418 = arith.index_cast %swap3A_1417 : i32 to index
    %swap3A_1419 = arith.constant 112 : index
    %swap3A_1420 = tpu.vector_load %arg7[%swap3A_1418, %swap3A_1419] {strides = array<i32>} : memref<32x128xf32, #tpu.memory_space<vmem>>, vector<1x16xf32>,
    %swap3A_1421 = vector.shape_cast %swap3A_1420 : vector<1x16xf32> to vector<16xf32>
    %swap3A_1422 = vector.shape_cast %get3A_1404 : vector<16xf32> to vector<1x16xf32>
    tpu.vector_store %arg7[%swap3A_1418, %swap3A_1419], %swap3A_1422 {strides = array<i32>} : memref<32x128xf32, #tpu.memory_space<vmem>>, vector<1x16xf32>,
    %swap3A_1423 = arith.constant 3 : i32
    %swap3A_1424 = arith.index_cast %swap3A_1423 : i32 to index
    %swap3A_1425 = arith.constant 112 : index
    %swap3A_1426 = tpu.vector_load %arg7[%swap3A_1424, %swap3A_1425] {strides = array<i32>} : memref<32x128xf32, #tpu.memory_space<vmem>>, vector<1x16xf32>,
    %swap3A_1427 = vector.shape_cast %swap3A_1426 : vector<1x16xf32> to vector<16xf32>
    %swap3A_1428 = vector.shape_cast %get3A_1404 : vector<16xf32> to vector<1x16xf32>
    tpu.vector_store %arg7[%swap3A_1424, %swap3A_1425], %swap3A_1428 {strides = array<i32>} : memref<32x128xf32, #tpu.memory_space<vmem>>, vector<1x16xf32>,
    %swap3A_1429 = arith.constant 4 : i32
    %swap3A_1430 = arith.index_cast %swap3A_1429 : i32 to index
    %swap3A_1431 = arith.constant 112 : index
    %swap3A_1432 = tpu.vector_load %arg7[%swap3A_1430, %swap3A_1431] {strides = array<i32>} : memref<32x128xf32, #tpu.memory_space<vmem>>, vector<1x16xf32>,
    %swap3A_1433 = vector.shape_cast %swap3A_1432 : vector<1x16xf32> to vector<16xf32>
    %swap3A_1434 = vector.shape_cast %get3A_1404 : vector<16xf32> to vector<1x16xf32>
    tpu.vector_store %arg7[%swap3A_1430, %swap3A_1431], %swap3A_1434 {strides = array<i32>} : memref<32x128xf32, #tpu.memory_space<vmem>>, vector<1x16xf32>,
    %swap3A_1435 = arith.constant 5 : i32
    %swap3A_1436 = arith.index_cast %swap3A_1435 : i32 to index
    %swap3A_1437 = arith.constant 112 : index
    %swap3A_1438 = tpu.vector_load %arg7[%swap3A_1436, %swap3A_1437] {strides = array<i32>} : memref<32x128xf32, #tpu.memory_space<vmem>>, vector<1x16xf32>,
    %swap3A_1439 = vector.shape_cast %swap3A_1438 : vector<1x16xf32> to vector<16xf32>
    %swap3A_1440 = vector.shape_cast %get3A_1404 : vector<16xf32> to vector<1x16xf32>
    tpu.vector_store %arg7[%swap3A_1436, %swap3A_1437], %swap3A_1440 {strides = array<i32>} : memref<32x128xf32, #tpu.memory_space<vmem>>, vector<1x16xf32>,
    %swap3A_1441 = arith.constant 6 : i32
    %swap3A_1442 = arith.index_cast %swap3A_1441 : i32 to index
    %swap3A_1443 = arith.constant 112 : index
    %swap3A_1444 = tpu.vector_load %arg7[%swap3A_1442, %swap3A_1443] {strides = array<i32>} : memref<32x128xf32, #tpu.memory_space<vmem>>, vector<1x16xf32>,
    %swap3A_1445 = vector.shape_cast %swap3A_1444 : vector<1x16xf32> to vector<16xf32>
    %swap3A_1446 = vector.shape_cast %get3A_1404 : vector<16xf32> to vector<1x16xf32>
    tpu.vector_store %arg7[%swap3A_1442, %swap3A_1443], %swap3A_1446 {strides = array<i32>} : memref<32x128xf32, #tpu.memory_space<vmem>>, vector<1x16xf32>,
    %swap3A_1447 = arith.constant 7 : i32
    %swap3A_1448 = arith.index_cast %swap3A_1447 : i32 to index
    %swap3A_1449 = arith.constant 112 : index
    %swap3A_1450 = tpu.vector_load %arg7[%swap3A_1448, %swap3A_1449] {strides = array<i32>} : memref<32x128xf32, #tpu.memory_space<vmem>>, vector<1x16xf32>,
    %swap3A_1451 = vector.shape_cast %swap3A_1450 : vector<1x16xf32> to vector<16xf32>
    %swap3A_1452 = vector.shape_cast %get3A_1404 : vector<16xf32> to vector<1x16xf32>
    tpu.vector_store %arg7[%swap3A_1448, %swap3A_1449], %swap3A_1452 {strides = array<i32>} : memref<32x128xf32, #tpu.memory_space<vmem>>, vector<1x16xf32>,
    %swap3A_1453 = arith.constant 8 : i32
    %swap3A_1454 = arith.index_cast %swap3A_1453 : i32 to index
    %swap3A_1455 = arith.constant 112 : index
    %swap3A_1456 = tpu.vector_load %arg7[%swap3A_1454, %swap3A_1455] {strides = array<i32>} : memref<32x128xf32, #tpu.memory_space<vmem>>, vector<1x16xf32>,
    %swap3A_1457 = vector.shape_cast %swap3A_1456 : vector<1x16xf32> to vector<16xf32>
    %swap3A_1458 = vector.shape_cast %get3A_1404 : vector<16xf32> to vector<1x16xf32>
    tpu.vector_store %arg7[%swap3A_1454, %swap3A_1455], %swap3A_1458 {strides = array<i32>} : memref<32x128xf32, #tpu.memory_space<vmem>>, vector<1x16xf32>,
    %swap3A_1459 = arith.constant 9 : i32
    %swap3A_1460 = arith.index_cast %swap3A_1459 : i32 to index
    %swap3A_1461 = arith.constant 112 : index
    %swap3A_1462 = tpu.vector_load %arg7[%swap3A_1460, %swap3A_1461] {strides = array<i32>} : memref<32x128xf32, #tpu.memory_space<vmem>>, vector<1x16xf32>,
    %swap3A_1463 = vector.shape_cast %swap3A_1462 : vector<1x16xf32> to vector<16xf32>
    %swap3A_1464 = vector.shape_cast %get3A_1404 : vector<16xf32> to vector<1x16xf32>
    tpu.vector_store %arg7[%swap3A_1460, %swap3A_1461], %swap3A_1464 {strides = array<i32>} : memref<32x128xf32, #tpu.memory_space<vmem>>, vector<1x16xf32>,
    %swap3A_1465 = arith.constant 10 : i32
    %swap3A_1466 = arith.index_cast %swap3A_1465 : i32 to index
    %swap3A_1467 = arith.constant 112 : index
    %swap3A_1468 = tpu.vector_load %arg7[%swap3A_1466, %swap3A_1467] {strides = array<i32>} : memref<32x128xf32, #tpu.memory_space<vmem>>, vector<1x16xf32>,
    %swap3A_1469 = vector.shape_cast %swap3A_1468 : vector<1x16xf32> to vector<16xf32>
    %swap3A_1470 = vector.shape_cast %get3A_1404 : vector<16xf32> to vector<1x16xf32>
    tpu.vector_store %arg7[%swap3A_1466, %swap3A_1467], %swap3A_1470 {strides = array<i32>} : memref<32x128xf32, #tpu.memory_space<vmem>>, vector<1x16xf32>,
    %swap3A_1471 = arith.constant 11 : i32
    %swap3A_1472 = arith.index_cast %swap3A_1471 : i32 to index
    %swap3A_1473 = arith.constant 112 : index
    %swap3A_1474 = tpu.vector_load %arg7[%swap3A_1472, %swap3A_1473] {strides = array<i32>} : memref<32x128xf32, #tpu.memory_space<vmem>>, vector<1x16xf32>,
    %swap3A_1475 = vector.shape_cast %swap3A_1474 : vector<1x16xf32> to vector<16xf32>
    %swap3A_1476 = vector.shape_cast %get3A_1404 : vector<16xf32> to vector<1x16xf32>
    tpu.vector_store %arg7[%swap3A_1472, %swap3A_1473], %swap3A_1476 {strides = array<i32>} : memref<32x128xf32, #tpu.memory_space<vmem>>, vector<1x16xf32>,
    %swap3A_1477 = arith.constant 12 : i32
    %swap3A_1478 = arith.index_cast %swap3A_1477 : i32 to index
    %swap3A_1479 = arith.constant 112 : index
    %swap3A_1480 = tpu.vector_load %arg7[%swap3A_1478, %swap3A_1479] {strides = array<i32>} : memref<32x128xf32, #tpu.memory_space<vmem>>, vector<1x16xf32>,
    %swap3A_1481 = vector.shape_cast %swap3A_1480 : vector<1x16xf32> to vector<16xf32>
    %swap3A_1482 = vector.shape_cast %get3A_1404 : vector<16xf32> to vector<1x16xf32>
    tpu.vector_store %arg7[%swap3A_1478, %swap3A_1479], %swap3A_1482 {strides = array<i32>} : memref<32x128xf32, #tpu.memory_space<vmem>>, vector<1x16xf32>,
    %swap3A_1483 = arith.constant 13 : i32
    %swap3A_1484 = arith.index_cast %swap3A_1483 : i32 to index
    %swap3A_1485 = arith.constant 112 : index
    %swap3A_1486 = tpu.vector_load %arg7[%swap3A_1484, %swap3A_1485] {strides = array<i32>} : memref<32x128xf32, #tpu.memory_space<vmem>>, vector<1x16xf32>,
    %swap3A_1487 = vector.shape_cast %swap3A_1486 : vector<1x16xf32> to vector<16xf32>
    %swap3A_1488 = vector.shape_cast %get3A_1404 : vector<16xf32> to vector<1x16xf32>
    tpu.vector_store %arg7[%swap3A_1484, %swap3A_1485], %swap3A_1488 {strides = array<i32>} : memref<32x128xf32, #tpu.memory_space<vmem>>, vector<1x16xf32>,
    %swap3A_1489 = arith.constant 14 : i32
    %swap3A_1490 = arith.index_cast %swap3A_1489 : i32 to index
    %swap3A_1491 = arith.constant 112 : index
    %swap3A_1492 = tpu.vector_load %arg7[%swap3A_1490, %swap3A_1491] {strides = array<i32>} : memref<32x128xf32, #tpu.memory_space<vmem>>, vector<1x16xf32>,
    %swap3A_1493 = vector.shape_cast %swap3A_1492 : vector<1x16xf32> to vector<16xf32>
    %swap3A_1494 = vector.shape_cast %get3A_1404 : vector<16xf32> to vector<1x16xf32>
    tpu.vector_store %arg7[%swap3A_1490, %swap3A_1491], %swap3A_1494 {strides = array<i32>} : memref<32x128xf32, #tpu.memory_space<vmem>>, vector<1x16xf32>,
    %swap3A_1495 = arith.constant 15 : i32
    %swap3A_1496 = arith.index_cast %swap3A_1495 : i32 to index
    %swap3A_1497 = arith.constant 112 : index
    %swap3A_1498 = tpu.vector_load %arg7[%swap3A_1496, %swap3A_1497] {strides = array<i32>} : memref<32x128xf32, #tpu.memory_space<vmem>>, vector<1x16xf32>,
    %swap3A_1499 = vector.shape_cast %swap3A_1498 : vector<1x16xf32> to vector<16xf32>
    %swap3A_1500 = vector.shape_cast %get3A_1404 : vector<16xf32> to vector<1x16xf32>
    tpu.vector_store %arg7[%swap3A_1496, %swap3A_1497], %swap3A_1500 {strides = array<i32>} : memref<32x128xf32, #tpu.memory_space<vmem>>, vector<1x16xf32>,
    %swap3A_1501 = arith.constant 16 : i32
    %swap3A_1502 = arith.index_cast %swap3A_1501 : i32 to index
    %swap3A_1503 = arith.constant 112 : index
    %swap3A_1504 = tpu.vector_load %arg7[%swap3A_1502, %swap3A_1503] {strides = array<i32>} : memref<32x128xf32, #tpu.memory_space<vmem>>, vector<1x16xf32>,
    %swap3A_1505 = vector.shape_cast %swap3A_1504 : vector<1x16xf32> to vector<16xf32>
    %swap3A_1506 = vector.shape_cast %get3A_1404 : vector<16xf32> to vector<1x16xf32>
    tpu.vector_store %arg7[%swap3A_1502, %swap3A_1503], %swap3A_1506 {strides = array<i32>} : memref<32x128xf32, #tpu.memory_space<vmem>>, vector<1x16xf32>,
    %swap3A_1507 = arith.constant 17 : i32
    %swap3A_1508 = arith.index_cast %swap3A_1507 : i32 to index
    %swap3A_1509 = arith.constant 112 : index
    %swap3A_1510 = tpu.vector_load %arg7[%swap3A_1508, %swap3A_1509] {strides = array<i32>} : memref<32x128xf32, #tpu.memory_space<vmem>>, vector<1x16xf32>,
    %swap3A_1511 = vector.shape_cast %swap3A_1510 : vector<1x16xf32> to vector<16xf32>
    %swap3A_1512 = vector.shape_cast %get3A_1404 : vector<16xf32> to vector<1x16xf32>
    tpu.vector_store %arg7[%swap3A_1508, %swap3A_1509], %swap3A_1512 {strides = array<i32>} : memref<32x128xf32, #tpu.memory_space<vmem>>, vector<1x16xf32>,
    %swap3A_1513 = arith.constant 18 : i32
    %swap3A_1514 = arith.index_cast %swap3A_1513 : i32 to index
    %swap3A_1515 = arith.constant 112 : index
    %swap3A_1516 = tpu.vector_load %arg7[%swap3A_1514, %swap3A_1515] {strides = array<i32>} : memref<32x128xf32, #tpu.memory_space<vmem>>, vector<1x16xf32>,
    %swap3A_1517 = vector.shape_cast %swap3A_1516 : vector<1x16xf32> to vector<16xf32>
    %swap3A_1518 = vector.shape_cast %get3A_1404 : vector<16xf32> to vector<1x16xf32>
    tpu.vector_store %arg7[%swap3A_1514, %swap3A_1515], %swap3A_1518 {strides = array<i32>} : memref<32x128xf32, #tpu.memory_space<vmem>>, vector<1x16xf32>,
    %swap3A_1519 = arith.constant 19 : i32
    %swap3A_1520 = arith.index_cast %swap3A_1519 : i32 to index
    %swap3A_1521 = arith.constant 112 : index
    %swap3A_1522 = tpu.vector_load %arg7[%swap3A_1520, %swap3A_1521] {strides = array<i32>} : memref<32x128xf32, #tpu.memory_space<vmem>>, vector<1x16xf32>,
    %swap3A_1523 = vector.shape_cast %swap3A_1522 : vector<1x16xf32> to vector<16xf32>
    %swap3A_1524 = vector.shape_cast %get3A_1404 : vector<16xf32> to vector<1x16xf32>
    tpu.vector_store %arg7[%swap3A_1520, %swap3A_1521], %swap3A_1524 {strides = array<i32>} : memref<32x128xf32, #tpu.memory_space<vmem>>, vector<1x16xf32>,
    %swap3A_1525 = arith.constant 20 : i32
    %swap3A_1526 = arith.index_cast %swap3A_1525 : i32 to index
    %swap3A_1527 = arith.constant 112 : index
    %swap3A_1528 = tpu.vector_load %arg7[%swap3A_1526, %swap3A_1527] {strides = array<i32>} : memref<32x128xf32, #tpu.memory_space<vmem>>, vector<1x16xf32>,
    %swap3A_1529 = vector.shape_cast %swap3A_1528 : vector<1x16xf32> to vector<16xf32>
    %swap3A_1530 = vector.shape_cast %get3A_1404 : vector<16xf32> to vector<1x16xf32>
    tpu.vector_store %arg7[%swap3A_1526, %swap3A_1527], %swap3A_1530 {strides = array<i32>} : memref<32x128xf32, #tpu.memory_space<vmem>>, vector<1x16xf32>,
    %swap3A_1531 = arith.constant 21 : i32
    %swap3A_1532 = arith.index_cast %swap3A_1531 : i32 to index
    %swap3A_1533 = arith.constant 112 : index
    %swap3A_1534 = tpu.vector_load %arg7[%swap3A_1532, %swap3A_1533] {strides = array<i32>} : memref<32x128xf32, #tpu.memory_space<vmem>>, vector<1x16xf32>,
    %swap3A_1535 = vector.shape_cast %swap3A_1534 : vector<1x16xf32> to vector<16xf32>
    %swap3A_1536 = vector.shape_cast %get3A_1404 : vector<16xf32> to vector<1x16xf32>
    tpu.vector_store %arg7[%swap3A_1532, %swap3A_1533], %swap3A_1536 {strides = array<i32>} : memref<32x128xf32, #tpu.memory_space<vmem>>, vector<1x16xf32>,
    %swap3A_1537 = arith.constant 22 : i32
    %swap3A_1538 = arith.index_cast %swap3A_1537 : i32 to index
    %swap3A_1539 = arith.constant 112 : index
    %swap3A_1540 = tpu.vector_load %arg7[%swap3A_1538, %swap3A_1539] {strides = array<i32>} : memref<32x128xf32, #tpu.memory_space<vmem>>, vector<1x16xf32>,
    %swap3A_1541 = vector.shape_cast %swap3A_1540 : vector<1x16xf32> to vector<16xf32>
    %swap3A_1542 = vector.shape_cast %get3A_1404 : vector<16xf32> to vector<1x16xf32>
    tpu.vector_store %arg7[%swap3A_1538, %swap3A_1539], %swap3A_1542 {strides = array<i32>} : memref<32x128xf32, #tpu.memory_space<vmem>>, vector<1x16xf32>,
    %swap3A_1543 = arith.constant 23 : i32
    %swap3A_1544 = arith.index_cast %swap3A_1543 : i32 to index
    %swap3A_1545 = arith.constant 112 : index
    %swap3A_1546 = tpu.vector_load %arg7[%swap3A_1544, %swap3A_1545] {strides = array<i32>} : memref<32x128xf32, #tpu.memory_space<vmem>>, vector<1x16xf32>,
    %swap3A_1547 = vector.shape_cast %swap3A_1546 : vector<1x16xf32> to vector<16xf32>
    %swap3A_1548 = vector.shape_cast %get3A_1404 : vector<16xf32> to vector<1x16xf32>
    tpu.vector_store %arg7[%swap3A_1544, %swap3A_1545], %swap3A_1548 {strides = array<i32>} : memref<32x128xf32, #tpu.memory_space<vmem>>, vector<1x16xf32>,
    %swap3A_1549 = arith.constant 24 : i32
    %swap3A_1550 = arith.index_cast %swap3A_1549 : i32 to index
    %swap3A_1551 = arith.constant 112 : index
    %swap3A_1552 = tpu.vector_load %arg7[%swap3A_1550, %swap3A_1551] {strides = array<i32>} : memref<32x128xf32, #tpu.memory_space<vmem>>, vector<1x16xf32>,
    %swap3A_1553 = vector.shape_cast %swap3A_1552 : vector<1x16xf32> to vector<16xf32>
    %swap3A_1554 = vector.shape_cast %get3A_1404 : vector<16xf32> to vector<1x16xf32>
    tpu.vector_store %arg7[%swap3A_1550, %swap3A_1551], %swap3A_1554 {strides = array<i32>} : memref<32x128xf32, #tpu.memory_space<vmem>>, vector<1x16xf32>,
    %swap3A_1555 = arith.constant 25 : i32
    %swap3A_1556 = arith.index_cast %swap3A_1555 : i32 to index
    %swap3A_1557 = arith.constant 112 : index
    %swap3A_1558 = tpu.vector_load %arg7[%swap3A_1556, %swap3A_1557] {strides = array<i32>} : memref<32x128xf32, #tpu.memory_space<vmem>>, vector<1x16xf32>,
    %swap3A_1559 = vector.shape_cast %swap3A_1558 : vector<1x16xf32> to vector<16xf32>
    %swap3A_1560 = vector.shape_cast %get3A_1404 : vector<16xf32> to vector<1x16xf32>
    tpu.vector_store %arg7[%swap3A_1556, %swap3A_1557], %swap3A_1560 {strides = array<i32>} : memref<32x128xf32, #tpu.memory_space<vmem>>, vector<1x16xf32>,
    %swap3A_1561 = arith.constant 26 : i32
    %swap3A_1562 = arith.index_cast %swap3A_1561 : i32 to index
    %swap3A_1563 = arith.constant 112 : index
    %swap3A_1564 = tpu.vector_load %arg7[%swap3A_1562, %swap3A_1563] {strides = array<i32>} : memref<32x128xf32, #tpu.memory_space<vmem>>, vector<1x16xf32>,
    %swap3A_1565 = vector.shape_cast %swap3A_1564 : vector<1x16xf32> to vector<16xf32>
    %swap3A_1566 = vector.shape_cast %get3A_1404 : vector<16xf32> to vector<1x16xf32>
    tpu.vector_store %arg7[%swap3A_1562, %swap3A_1563], %swap3A_1566 {strides = array<i32>} : memref<32x128xf32, #tpu.memory_space<vmem>>, vector<1x16xf32>,
    %swap3A_1567 = arith.constant 27 : i32
    %swap3A_1568 = arith.index_cast %swap3A_1567 : i32 to index
    %swap3A_1569 = arith.constant 112 : index
    %swap3A_1570 = tpu.vector_load %arg7[%swap3A_1568, %swap3A_1569] {strides = array<i32>} : memref<32x128xf32, #tpu.memory_space<vmem>>, vector<1x16xf32>,
    %swap3A_1571 = vector.shape_cast %swap3A_1570 : vector<1x16xf32> to vector<16xf32>
    %swap3A_1572 = vector.shape_cast %get3A_1404 : vector<16xf32> to vector<1x16xf32>
    tpu.vector_store %arg7[%swap3A_1568, %swap3A_1569], %swap3A_1572 {strides = array<i32>} : memref<32x128xf32, #tpu.memory_space<vmem>>, vector<1x16xf32>,
    %swap3A_1573 = arith.constant 28 : i32
    %swap3A_1574 = arith.index_cast %swap3A_1573 : i32 to index
    %swap3A_1575 = arith.constant 112 : index
    %swap3A_1576 = tpu.vector_load %arg7[%swap3A_1574, %swap3A_1575] {strides = array<i32>} : memref<32x128xf32, #tpu.memory_space<vmem>>, vector<1x16xf32>,
    %swap3A_1577 = vector.shape_cast %swap3A_1576 : vector<1x16xf32> to vector<16xf32>
    %swap3A_1578 = vector.shape_cast %get3A_1404 : vector<16xf32> to vector<1x16xf32>
    tpu.vector_store %arg7[%swap3A_1574, %swap3A_1575], %swap3A_1578 {strides = array<i32>} : memref<32x128xf32, #tpu.memory_space<vmem>>, vector<1x16xf32>,
    %swap3A_1579 = arith.constant 29 : i32
    %swap3A_1580 = arith.index_cast %swap3A_1579 : i32 to index
    %swap3A_1581 = arith.constant 112 : index
    %swap3A_1582 = tpu.vector_load %arg7[%swap3A_1580, %swap3A_1581] {strides = array<i32>} : memref<32x128xf32, #tpu.memory_space<vmem>>, vector<1x16xf32>,
    %swap3A_1583 = vector.shape_cast %swap3A_1582 : vector<1x16xf32> to vector<16xf32>
    %swap3A_1584 = vector.shape_cast %get3A_1404 : vector<16xf32> to vector<1x16xf32>
    tpu.vector_store %arg7[%swap3A_1580, %swap3A_1581], %swap3A_1584 {strides = array<i32>} : memref<32x128xf32, #tpu.memory_space<vmem>>, vector<1x16xf32>,
    %swap3A_1585 = arith.constant 30 : i32
    %swap3A_1586 = arith.index_cast %swap3A_1585 : i32 to index
    %swap3A_1587 = arith.constant 112 : index
    %swap3A_1588 = tpu.vector_load %arg7[%swap3A_1586, %swap3A_1587] {strides = array<i32>} : memref<32x128xf32, #tpu.memory_space<vmem>>, vector<1x16xf32>,
    %swap3A_1589 = vector.shape_cast %swap3A_1588 : vector<1x16xf32> to vector<16xf32>
    %swap3A_1590 = vector.shape_cast %get3A_1404 : vector<16xf32> to vector<1x16xf32>
    tpu.vector_store %arg7[%swap3A_1586, %swap3A_1587], %swap3A_1590 {strides = array<i32>} : memref<32x128xf32, #tpu.memory_space<vmem>>, vector<1x16xf32>,
    %swap3A_1591 = arith.constant 31 : i32
    %swap3A_1592 = arith.index_cast %swap3A_1591 : i32 to index
    %swap3A_1593 = arith.constant 112 : index
    %swap3A_1594 = tpu.vector_load %arg7[%swap3A_1592, %swap3A_1593] {strides = array<i32>} : memref<32x128xf32, #tpu.memory_space<vmem>>, vector<1x16xf32>,
    %swap3A_1595 = vector.shape_cast %swap3A_1594 : vector<1x16xf32> to vector<16xf32>
    %swap3A_1596 = vector.shape_cast %get3A_1404 : vector<16xf32> to vector<1x16xf32>
    tpu.vector_store %arg7[%swap3A_1592, %swap3A_1593], %swap3A_1596 {strides = array<i32>} : memref<32x128xf32, #tpu.memory_space<vmem>>, vector<1x16xf32>,
    %mul3A_1597 = arith.constant 1024 : i32
    %mul3A_1598 = arith.muli %add3A, %mul3A_1597 : i32
    %add3A_1599 = arith.constant 45056 : i32
    %add3A_1600 = arith.addi %add3A_1599, %mul3A_1598 : i32
    %add3A_1601 = arith.constant 0 : i32
    %add3A_1602 = arith.addi %add3A_1600, %add3A_1601 : i32
    %dma_start3A = arith.constant 0 : i32
    %dma_start3A_1603 = tpu.memref_slice %arg5[%add3A_1602, %dma_start3A] : memref<204800x128xf32, #tpu.memory_space<hbm>> -> memref<32x128xf32, #tpu.memory_space<hbm>>
    %dma_start3A_1604 = arith.constant 0 : i32
    %dma_start3A_1605 = tpu.memref_slice %arg5[%add3A_1602, %dma_start3A_1604] : memref<204800x128xf32, #tpu.memory_space<hbm>> -> memref<32x128xf32, #tpu.memory_space<hbm>>
    tpu.enqueue_dma source(%arg7 : memref<32x128xf32, #tpu.memory_space<vmem>>) target(%dma_start3A_1605 : memref<32x128xf32, #tpu.memory_space<hbm>>) target_semaphore(%arg15 : memref<!tpu.dma_semaphore, #tpu.memory_space<semaphore_mem>>)
    %add3A_1606 = arith.constant 32 : i32
    %add3A_1607 = arith.addi %add3A_1600, %add3A_1606 : i32
    %dma_start3A_1608 = arith.constant 0 : i32
    %dma_start3A_1609 = tpu.memref_slice %arg5[%add3A_1607, %dma_start3A_1608] : memref<204800x128xf32, #tpu.memory_space<hbm>> -> memref<32x128xf32, #tpu.memory_space<hbm>>
    %dma_start3A_1610 = arith.constant 0 : i32
    %dma_start3A_1611 = tpu.memref_slice %arg5[%add3A_1607, %dma_start3A_1610] : memref<204800x128xf32, #tpu.memory_space<hbm>> -> memref<32x128xf32, #tpu.memory_space<hbm>>
    tpu.enqueue_dma source(%arg7 : memref<32x128xf32, #tpu.memory_space<vmem>>) target(%dma_start3A_1611 : memref<32x128xf32, #tpu.memory_space<hbm>>) target_semaphore(%arg15 : memref<!tpu.dma_semaphore, #tpu.memory_space<semaphore_mem>>)
    %add3A_1612 = arith.constant 64 : i32
    %add3A_1613 = arith.addi %add3A_1600, %add3A_1612 : i32
    %dma_start3A_1614 = arith.constant 0 : i32
    %dma_start3A_1615 = tpu.memref_slice %arg5[%add3A_1613, %dma_start3A_1614] : memref<204800x128xf32, #tpu.memory_space<hbm>> -> memref<32x128xf32, #tpu.memory_space<hbm>>
    %dma_start3A_1616 = arith.constant 0 : i32
    %dma_start3A_1617 = tpu.memref_slice %arg5[%add3A_1613, %dma_start3A_1616] : memref<204800x128xf32, #tpu.memory_space<hbm>> -> memref<32x128xf32, #tpu.memory_space<hbm>>
    tpu.enqueue_dma source(%arg7 : memref<32x128xf32, #tpu.memory_space<vmem>>) target(%dma_start3A_1617 : memref<32x128xf32, #tpu.memory_space<hbm>>) target_semaphore(%arg15 : memref<!tpu.dma_semaphore, #tpu.memory_space<semaphore_mem>>)
    %add3A_1618 = arith.constant 96 : i32
    %add3A_1619 = arith.addi %add3A_1600, %add3A_1618 : i32
    %dma_start3A_1620 = arith.constant 0 : i32
    %dma_start3A_1621 = tpu.memref_slice %arg5[%add3A_1619, %dma_start3A_1620] : memref<204800x128xf32, #tpu.memory_space<hbm>> -> memref<32x128xf32, #tpu.memory_space<hbm>>
    %dma_start3A_1622 = arith.constant 0 : i32
    %dma_start3A_1623 = tpu.memref_slice %arg5[%add3A_1619, %dma_start3A_1622] : memref<204800x128xf32, #tpu.memory_space<hbm>> -> memref<32x128xf32, #tpu.memory_space<hbm>>
    tpu.enqueue_dma source(%arg7 : memref<32x128xf32, #tpu.memory_space<vmem>>) target(%dma_start3A_1623 : memref<32x128xf32, #tpu.memory_space<hbm>>) target_semaphore(%arg15 : memref<!tpu.dma_semaphore, #tpu.memory_space<semaphore_mem>>)
    %add3A_1624 = arith.constant 128 : i32
    %add3A_1625 = arith.addi %add3A_1600, %add3A_1624 : i32
    %dma_start3A_1626 = arith.constant 0 : i32
    %dma_start3A_1627 = tpu.memref_slice %arg5[%add3A_1625, %dma_start3A_1626] : memref<204800x128xf32, #tpu.memory_space<hbm>> -> memref<32x128xf32, #tpu.memory_space<hbm>>
    %dma_start3A_1628 = arith.constant 0 : i32
    %dma_start3A_1629 = tpu.memref_slice %arg5[%add3A_1625, %dma_start3A_1628] : memref<204800x128xf32, #tpu.memory_space<hbm>> -> memref<32x128xf32, #tpu.memory_space<hbm>>
    tpu.enqueue_dma source(%arg7 : memref<32x128xf32, #tpu.memory_space<vmem>>) target(%dma_start3A_1629 : memref<32x128xf32, #tpu.memory_space<hbm>>) target_semaphore(%arg15 : memref<!tpu.dma_semaphore, #tpu.memory_space<semaphore_mem>>)
    %add3A_1630 = arith.constant 160 : i32
    %add3A_1631 = arith.addi %add3A_1600, %add3A_1630 : i32
    %dma_start3A_1632 = arith.constant 0 : i32
    %dma_start3A_1633 = tpu.memref_slice %arg5[%add3A_1631, %dma_start3A_1632] : memref<204800x128xf32, #tpu.memory_space<hbm>> -> memref<32x128xf32, #tpu.memory_space<hbm>>
    %dma_start3A_1634 = arith.constant 0 : i32
    %dma_start3A_1635 = tpu.memref_slice %arg5[%add3A_1631, %dma_start3A_1634] : memref<204800x128xf32, #tpu.memory_space<hbm>> -> memref<32x128xf32, #tpu.memory_space<hbm>>
    tpu.enqueue_dma source(%arg7 : memref<32x128xf32, #tpu.memory_space<vmem>>) target(%dma_start3A_1635 : memref<32x128xf32, #tpu.memory_space<hbm>>) target_semaphore(%arg15 : memref<!tpu.dma_semaphore, #tpu.memory_space<semaphore_mem>>)
    %add3A_1636 = arith.constant 192 : i32
    %add3A_1637 = arith.addi %add3A_1600, %add3A_1636 : i32
    %dma_start3A_1638 = arith.constant 0 : i32
    %dma_start3A_1639 = tpu.memref_slice %arg5[%add3A_1637, %dma_start3A_1638] : memref<204800x128xf32, #tpu.memory_space<hbm>> -> memref<32x128xf32, #tpu.memory_space<hbm>>
    %dma_start3A_1640 = arith.constant 0 : i32
    %dma_start3A_1641 = tpu.memref_slice %arg5[%add3A_1637, %dma_start3A_1640] : memref<204800x128xf32, #tpu.memory_space<hbm>> -> memref<32x128xf32, #tpu.memory_space<hbm>>
    tpu.enqueue_dma source(%arg7 : memref<32x128xf32, #tpu.memory_space<vmem>>) target(%dma_start3A_1641 : memref<32x128xf32, #tpu.memory_space<hbm>>) target_semaphore(%arg15 : memref<!tpu.dma_semaphore, #tpu.memory_space<semaphore_mem>>)
    %add3A_1642 = arith.constant 224 : i32
    %add3A_1643 = arith.addi %add3A_1600, %add3A_1642 : i32
    %dma_start3A_1644 = arith.constant 0 : i32
    %dma_start3A_1645 = tpu.memref_slice %arg5[%add3A_1643, %dma_start3A_1644] : memref<204800x128xf32, #tpu.memory_space<hbm>> -> memref<32x128xf32, #tpu.memory_space<hbm>>
    %dma_start3A_1646 = arith.constant 0 : i32
    %dma_start3A_1647 = tpu.memref_slice %arg5[%add3A_1643, %dma_start3A_1646] : memref<204800x128xf32, #tpu.memory_space<hbm>> -> memref<32x128xf32, #tpu.memory_space<hbm>>
    tpu.enqueue_dma source(%arg7 : memref<32x128xf32, #tpu.memory_space<vmem>>) target(%dma_start3A_1647 : memref<32x128xf32, #tpu.memory_space<hbm>>) target_semaphore(%arg15 : memref<!tpu.dma_semaphore, #tpu.memory_space<semaphore_mem>>)
    %add3A_1648 = arith.constant 256 : i32
    %add3A_1649 = arith.addi %add3A_1600, %add3A_1648 : i32
    %dma_start3A_1650 = arith.constant 0 : i32
    %dma_start3A_1651 = tpu.memref_slice %arg5[%add3A_1649, %dma_start3A_1650] : memref<204800x128xf32, #tpu.memory_space<hbm>> -> memref<32x128xf32, #tpu.memory_space<hbm>>
    %dma_start3A_1652 = arith.constant 0 : i32
    %dma_start3A_1653 = tpu.memref_slice %arg5[%add3A_1649, %dma_start3A_1652] : memref<204800x128xf32, #tpu.memory_space<hbm>> -> memref<32x128xf32, #tpu.memory_space<hbm>>
    tpu.enqueue_dma source(%arg7 : memref<32x128xf32, #tpu.memory_space<vmem>>) target(%dma_start3A_1653 : memref<32x128xf32, #tpu.memory_space<hbm>>) target_semaphore(%arg15 : memref<!tpu.dma_semaphore, #tpu.memory_space<semaphore_mem>>)
    %add3A_1654 = arith.constant 288 : i32
    %add3A_1655 = arith.addi %add3A_1600, %add3A_1654 : i32
    %dma_start3A_1656 = arith.constant 0 : i32
    %dma_start3A_1657 = tpu.memref_slice %arg5[%add3A_1655, %dma_start3A_1656] : memref<204800x128xf32, #tpu.memory_space<hbm>> -> memref<32x128xf32, #tpu.memory_space<hbm>>
    %dma_start3A_1658 = arith.constant 0 : i32
    %dma_start3A_1659 = tpu.memref_slice %arg5[%add3A_1655, %dma_start3A_1658] : memref<204800x128xf32, #tpu.memory_space<hbm>> -> memref<32x128xf32, #tpu.memory_space<hbm>>
    tpu.enqueue_dma source(%arg7 : memref<32x128xf32, #tpu.memory_space<vmem>>) target(%dma_start3A_1659 : memref<32x128xf32, #tpu.memory_space<hbm>>) target_semaphore(%arg15 : memref<!tpu.dma_semaphore, #tpu.memory_space<semaphore_mem>>)
    %add3A_1660 = arith.constant 320 : i32
    %add3A_1661 = arith.addi %add3A_1600, %add3A_1660 : i32
    %dma_start3A_1662 = arith.constant 0 : i32
    %dma_start3A_1663 = tpu.memref_slice %arg5[%add3A_1661, %dma_start3A_1662] : memref<204800x128xf32, #tpu.memory_space<hbm>> -> memref<32x128xf32, #tpu.memory_space<hbm>>
    %dma_start3A_1664 = arith.constant 0 : i32
    %dma_start3A_1665 = tpu.memref_slice %arg5[%add3A_1661, %dma_start3A_1664] : memref<204800x128xf32, #tpu.memory_space<hbm>> -> memref<32x128xf32, #tpu.memory_space<hbm>>
    tpu.enqueue_dma source(%arg7 : memref<32x128xf32, #tpu.memory_space<vmem>>) target(%dma_start3A_1665 : memref<32x128xf32, #tpu.memory_space<hbm>>) target_semaphore(%arg15 : memref<!tpu.dma_semaphore, #tpu.memory_space<semaphore_mem>>)
    %add3A_1666 = arith.constant 352 : i32
    %add3A_1667 = arith.addi %add3A_1600, %add3A_1666 : i32
    %dma_start3A_1668 = arith.constant 0 : i32
    %dma_start3A_1669 = tpu.memref_slice %arg5[%add3A_1667, %dma_start3A_1668] : memref<204800x128xf32, #tpu.memory_space<hbm>> -> memref<32x128xf32, #tpu.memory_space<hbm>>
    %dma_start3A_1670 = arith.constant 0 : i32
    %dma_start3A_1671 = tpu.memref_slice %arg5[%add3A_1667, %dma_start3A_1670] : memref<204800x128xf32, #tpu.memory_space<hbm>> -> memref<32x128xf32, #tpu.memory_space<hbm>>
    tpu.enqueue_dma source(%arg7 : memref<32x128xf32, #tpu.memory_space<vmem>>) target(%dma_start3A_1671 : memref<32x128xf32, #tpu.memory_space<hbm>>) target_semaphore(%arg15 : memref<!tpu.dma_semaphore, #tpu.memory_space<semaphore_mem>>)
    %add3A_1672 = arith.constant 384 : i32
    %add3A_1673 = arith.addi %add3A_1600, %add3A_1672 : i32
    %dma_start3A_1674 = arith.constant 0 : i32
    %dma_start3A_1675 = tpu.memref_slice %arg5[%add3A_1673, %dma_start3A_1674] : memref<204800x128xf32, #tpu.memory_space<hbm>> -> memref<32x128xf32, #tpu.memory_space<hbm>>
    %dma_start3A_1676 = arith.constant 0 : i32
    %dma_start3A_1677 = tpu.memref_slice %arg5[%add3A_1673, %dma_start3A_1676] : memref<204800x128xf32, #tpu.memory_space<hbm>> -> memref<32x128xf32, #tpu.memory_space<hbm>>
    tpu.enqueue_dma source(%arg7 : memref<32x128xf32, #tpu.memory_space<vmem>>) target(%dma_start3A_1677 : memref<32x128xf32, #tpu.memory_space<hbm>>) target_semaphore(%arg15 : memref<!tpu.dma_semaphore, #tpu.memory_space<semaphore_mem>>)
    %add3A_1678 = arith.constant 416 : i32
    %add3A_1679 = arith.addi %add3A_1600, %add3A_1678 : i32
    %dma_start3A_1680 = arith.constant 0 : i32
    %dma_start3A_1681 = tpu.memref_slice %arg5[%add3A_1679, %dma_start3A_1680] : memref<204800x128xf32, #tpu.memory_space<hbm>> -> memref<32x128xf32, #tpu.memory_space<hbm>>
    %dma_start3A_1682 = arith.constant 0 : i32
    %dma_start3A_1683 = tpu.memref_slice %arg5[%add3A_1679, %dma_start3A_1682] : memref<204800x128xf32, #tpu.memory_space<hbm>> -> memref<32x128xf32, #tpu.memory_space<hbm>>
    tpu.enqueue_dma source(%arg7 : memref<32x128xf32, #tpu.memory_space<vmem>>) target(%dma_start3A_1683 : memref<32x128xf32, #tpu.memory_space<hbm>>) target_semaphore(%arg15 : memref<!tpu.dma_semaphore, #tpu.memory_space<semaphore_mem>>)
    %add3A_1684 = arith.constant 448 : i32
    %add3A_1685 = arith.addi %add3A_1600, %add3A_1684 : i32
    %dma_start3A_1686 = arith.constant 0 : i32
    %dma_start3A_1687 = tpu.memref_slice %arg5[%add3A_1685, %dma_start3A_1686] : memref<204800x128xf32, #tpu.memory_space<hbm>> -> memref<32x128xf32, #tpu.memory_space<hbm>>
    %dma_start3A_1688 = arith.constant 0 : i32
    %dma_start3A_1689 = tpu.memref_slice %arg5[%add3A_1685, %dma_start3A_1688] : memref<204800x128xf32, #tpu.memory_space<hbm>> -> memref<32x128xf32, #tpu.memory_space<hbm>>
    tpu.enqueue_dma source(%arg7 : memref<32x128xf32, #tpu.memory_space<vmem>>) target(%dma_start3A_1689 : memref<32x128xf32, #tpu.memory_space<hbm>>) target_semaphore(%arg15 : memref<!tpu.dma_semaphore, #tpu.memory_space<semaphore_mem>>)
    %add3A_1690 = arith.constant 480 : i32
    %add3A_1691 = arith.addi %add3A_1600, %add3A_1690 : i32
    %dma_start3A_1692 = arith.constant 0 : i32
    %dma_start3A_1693 = tpu.memref_slice %arg5[%add3A_1691, %dma_start3A_1692] : memref<204800x128xf32, #tpu.memory_space<hbm>> -> memref<32x128xf32, #tpu.memory_space<hbm>>
    %dma_start3A_1694 = arith.constant 0 : i32
    %dma_start3A_1695 = tpu.memref_slice %arg5[%add3A_1691, %dma_start3A_1694] : memref<204800x128xf32, #tpu.memory_space<hbm>> -> memref<32x128xf32, #tpu.memory_space<hbm>>
    tpu.enqueue_dma source(%arg7 : memref<32x128xf32, #tpu.memory_space<vmem>>) target(%dma_start3A_1695 : memref<32x128xf32, #tpu.memory_space<hbm>>) target_semaphore(%arg15 : memref<!tpu.dma_semaphore, #tpu.memory_space<semaphore_mem>>)
    %add3A_1696 = arith.constant 512 : i32
    %add3A_1697 = arith.addi %add3A_1600, %add3A_1696 : i32
    %dma_start3A_1698 = arith.constant 0 : i32
    %dma_start3A_1699 = tpu.memref_slice %arg5[%add3A_1697, %dma_start3A_1698] : memref<204800x128xf32, #tpu.memory_space<hbm>> -> memref<32x128xf32, #tpu.memory_space<hbm>>
    %dma_start3A_1700 = arith.constant 0 : i32
    %dma_start3A_1701 = tpu.memref_slice %arg5[%add3A_1697, %dma_start3A_1700] : memref<204800x128xf32, #tpu.memory_space<hbm>> -> memref<32x128xf32, #tpu.memory_space<hbm>>
    tpu.enqueue_dma source(%arg7 : memref<32x128xf32, #tpu.memory_space<vmem>>) target(%dma_start3A_1701 : memref<32x128xf32, #tpu.memory_space<hbm>>) target_semaphore(%arg15 : memref<!tpu.dma_semaphore, #tpu.memory_space<semaphore_mem>>)
    %add3A_1702 = arith.constant 544 : i32
    %add3A_1703 = arith.addi %add3A_1600, %add3A_1702 : i32
    %dma_start3A_1704 = arith.constant 0 : i32
    %dma_start3A_1705 = tpu.memref_slice %arg5[%add3A_1703, %dma_start3A_1704] : memref<204800x128xf32, #tpu.memory_space<hbm>> -> memref<32x128xf32, #tpu.memory_space<hbm>>
    %dma_start3A_1706 = arith.constant 0 : i32
    %dma_start3A_1707 = tpu.memref_slice %arg5[%add3A_1703, %dma_start3A_1706] : memref<204800x128xf32, #tpu.memory_space<hbm>> -> memref<32x128xf32, #tpu.memory_space<hbm>>
    tpu.enqueue_dma source(%arg7 : memref<32x128xf32, #tpu.memory_space<vmem>>) target(%dma_start3A_1707 : memref<32x128xf32, #tpu.memory_space<hbm>>) target_semaphore(%arg15 : memref<!tpu.dma_semaphore, #tpu.memory_space<semaphore_mem>>)
    %add3A_1708 = arith.constant 576 : i32
    %add3A_1709 = arith.addi %add3A_1600, %add3A_1708 : i32
    %dma_start3A_1710 = arith.constant 0 : i32
    %dma_start3A_1711 = tpu.memref_slice %arg5[%add3A_1709, %dma_start3A_1710] : memref<204800x128xf32, #tpu.memory_space<hbm>> -> memref<32x128xf32, #tpu.memory_space<hbm>>
    %dma_start3A_1712 = arith.constant 0 : i32
    %dma_start3A_1713 = tpu.memref_slice %arg5[%add3A_1709, %dma_start3A_1712] : memref<204800x128xf32, #tpu.memory_space<hbm>> -> memref<32x128xf32, #tpu.memory_space<hbm>>
    tpu.enqueue_dma source(%arg7 : memref<32x128xf32, #tpu.memory_space<vmem>>) target(%dma_start3A_1713 : memref<32x128xf32, #tpu.memory_space<hbm>>) target_semaphore(%arg15 : memref<!tpu.dma_semaphore, #tpu.memory_space<semaphore_mem>>)
    %add3A_1714 = arith.constant 608 : i32
    %add3A_1715 = arith.addi %add3A_1600, %add3A_1714 : i32
    %dma_start3A_1716 = arith.constant 0 : i32
    %dma_start3A_1717 = tpu.memref_slice %arg5[%add3A_1715, %dma_start3A_1716] : memref<204800x128xf32, #tpu.memory_space<hbm>> -> memref<32x128xf32, #tpu.memory_space<hbm>>
    %dma_start3A_1718 = arith.constant 0 : i32
    %dma_start3A_1719 = tpu.memref_slice %arg5[%add3A_1715, %dma_start3A_1718] : memref<204800x128xf32, #tpu.memory_space<hbm>> -> memref<32x128xf32, #tpu.memory_space<hbm>>
    tpu.enqueue_dma source(%arg7 : memref<32x128xf32, #tpu.memory_space<vmem>>) target(%dma_start3A_1719 : memref<32x128xf32, #tpu.memory_space<hbm>>) target_semaphore(%arg15 : memref<!tpu.dma_semaphore, #tpu.memory_space<semaphore_mem>>)
    %add3A_1720 = arith.constant 640 : i32
    %add3A_1721 = arith.addi %add3A_1600, %add3A_1720 : i32
    %dma_start3A_1722 = arith.constant 0 : i32
    %dma_start3A_1723 = tpu.memref_slice %arg5[%add3A_1721, %dma_start3A_1722] : memref<204800x128xf32, #tpu.memory_space<hbm>> -> memref<32x128xf32, #tpu.memory_space<hbm>>
    %dma_start3A_1724 = arith.constant 0 : i32
    %dma_start3A_1725 = tpu.memref_slice %arg5[%add3A_1721, %dma_start3A_1724] : memref<204800x128xf32, #tpu.memory_space<hbm>> -> memref<32x128xf32, #tpu.memory_space<hbm>>
    tpu.enqueue_dma source(%arg7 : memref<32x128xf32, #tpu.memory_space<vmem>>) target(%dma_start3A_1725 : memref<32x128xf32, #tpu.memory_space<hbm>>) target_semaphore(%arg15 : memref<!tpu.dma_semaphore, #tpu.memory_space<semaphore_mem>>)
    %add3A_1726 = arith.constant 672 : i32
    %add3A_1727 = arith.addi %add3A_1600, %add3A_1726 : i32
    %dma_start3A_1728 = arith.constant 0 : i32
    %dma_start3A_1729 = tpu.memref_slice %arg5[%add3A_1727, %dma_start3A_1728] : memref<204800x128xf32, #tpu.memory_space<hbm>> -> memref<32x128xf32, #tpu.memory_space<hbm>>
    %dma_start3A_1730 = arith.constant 0 : i32
    %dma_start3A_1731 = tpu.memref_slice %arg5[%add3A_1727, %dma_start3A_1730] : memref<204800x128xf32, #tpu.memory_space<hbm>> -> memref<32x128xf32, #tpu.memory_space<hbm>>
    tpu.enqueue_dma source(%arg7 : memref<32x128xf32, #tpu.memory_space<vmem>>) target(%dma_start3A_1731 : memref<32x128xf32, #tpu.memory_space<hbm>>) target_semaphore(%arg15 : memref<!tpu.dma_semaphore, #tpu.memory_space<semaphore_mem>>)
    %add3A_1732 = arith.constant 704 : i32
    %add3A_1733 = arith.addi %add3A_1600, %add3A_1732 : i32
    %dma_start3A_1734 = arith.constant 0 : i32
    %dma_start3A_1735 = tpu.memref_slice %arg5[%add3A_1733, %dma_start3A_1734] : memref<204800x128xf32, #tpu.memory_space<hbm>> -> memref<32x128xf32, #tpu.memory_space<hbm>>
    %dma_start3A_1736 = arith.constant 0 : i32
    %dma_start3A_1737 = tpu.memref_slice %arg5[%add3A_1733, %dma_start3A_1736] : memref<204800x128xf32, #tpu.memory_space<hbm>> -> memref<32x128xf32, #tpu.memory_space<hbm>>
    tpu.enqueue_dma source(%arg7 : memref<32x128xf32, #tpu.memory_space<vmem>>) target(%dma_start3A_1737 : memref<32x128xf32, #tpu.memory_space<hbm>>) target_semaphore(%arg15 : memref<!tpu.dma_semaphore, #tpu.memory_space<semaphore_mem>>)
    %add3A_1738 = arith.constant 736 : i32
    %add3A_1739 = arith.addi %add3A_1600, %add3A_1738 : i32
    %dma_start3A_1740 = arith.constant 0 : i32
    %dma_start3A_1741 = tpu.memref_slice %arg5[%add3A_1739, %dma_start3A_1740] : memref<204800x128xf32, #tpu.memory_space<hbm>> -> memref<32x128xf32, #tpu.memory_space<hbm>>
    %dma_start3A_1742 = arith.constant 0 : i32
    %dma_start3A_1743 = tpu.memref_slice %arg5[%add3A_1739, %dma_start3A_1742] : memref<204800x128xf32, #tpu.memory_space<hbm>> -> memref<32x128xf32, #tpu.memory_space<hbm>>
    tpu.enqueue_dma source(%arg7 : memref<32x128xf32, #tpu.memory_space<vmem>>) target(%dma_start3A_1743 : memref<32x128xf32, #tpu.memory_space<hbm>>) target_semaphore(%arg15 : memref<!tpu.dma_semaphore, #tpu.memory_space<semaphore_mem>>)
    %add3A_1744 = arith.constant 768 : i32
    %add3A_1745 = arith.addi %add3A_1600, %add3A_1744 : i32
    %dma_start3A_1746 = arith.constant 0 : i32
    %dma_start3A_1747 = tpu.memref_slice %arg5[%add3A_1745, %dma_start3A_1746] : memref<204800x128xf32, #tpu.memory_space<hbm>> -> memref<32x128xf32, #tpu.memory_space<hbm>>
    %dma_start3A_1748 = arith.constant 0 : i32
    %dma_start3A_1749 = tpu.memref_slice %arg5[%add3A_1745, %dma_start3A_1748] : memref<204800x128xf32, #tpu.memory_space<hbm>> -> memref<32x128xf32, #tpu.memory_space<hbm>>
    tpu.enqueue_dma source(%arg7 : memref<32x128xf32, #tpu.memory_space<vmem>>) target(%dma_start3A_1749 : memref<32x128xf32, #tpu.memory_space<hbm>>) target_semaphore(%arg15 : memref<!tpu.dma_semaphore, #tpu.memory_space<semaphore_mem>>)
    %add3A_1750 = arith.constant 800 : i32
    %add3A_1751 = arith.addi %add3A_1600, %add3A_1750 : i32
    %dma_start3A_1752 = arith.constant 0 : i32
    %dma_start3A_1753 = tpu.memref_slice %arg5[%add3A_1751, %dma_start3A_1752] : memref<204800x128xf32, #tpu.memory_space<hbm>> -> memref<32x128xf32, #tpu.memory_space<hbm>>
    %dma_start3A_1754 = arith.constant 0 : i32
    %dma_start3A_1755 = tpu.memref_slice %arg5[%add3A_1751, %dma_start3A_1754] : memref<204800x128xf32, #tpu.memory_space<hbm>> -> memref<32x128xf32, #tpu.memory_space<hbm>>
    tpu.enqueue_dma source(%arg7 : memref<32x128xf32, #tpu.memory_space<vmem>>) target(%dma_start3A_1755 : memref<32x128xf32, #tpu.memory_space<hbm>>) target_semaphore(%arg15 : memref<!tpu.dma_semaphore, #tpu.memory_space<semaphore_mem>>)
    %add3A_1756 = arith.constant 832 : i32
    %add3A_1757 = arith.addi %add3A_1600, %add3A_1756 : i32
    %dma_start3A_1758 = arith.constant 0 : i32
    %dma_start3A_1759 = tpu.memref_slice %arg5[%add3A_1757, %dma_start3A_1758] : memref<204800x128xf32, #tpu.memory_space<hbm>> -> memref<32x128xf32, #tpu.memory_space<hbm>>
    %dma_start3A_1760 = arith.constant 0 : i32
    %dma_start3A_1761 = tpu.memref_slice %arg5[%add3A_1757, %dma_start3A_1760] : memref<204800x128xf32, #tpu.memory_space<hbm>> -> memref<32x128xf32, #tpu.memory_space<hbm>>
    tpu.enqueue_dma source(%arg7 : memref<32x128xf32, #tpu.memory_space<vmem>>) target(%dma_start3A_1761 : memref<32x128xf32, #tpu.memory_space<hbm>>) target_semaphore(%arg15 : memref<!tpu.dma_semaphore, #tpu.memory_space<semaphore_mem>>)
    %add3A_1762 = arith.constant 864 : i32
    %add3A_1763 = arith.addi %add3A_1600, %add3A_1762 : i32
    %dma_start3A_1764 = arith.constant 0 : i32
    %dma_start3A_1765 = tpu.memref_slice %arg5[%add3A_1763, %dma_start3A_1764] : memref<204800x128xf32, #tpu.memory_space<hbm>> -> memref<32x128xf32, #tpu.memory_space<hbm>>
    %dma_start3A_1766 = arith.constant 0 : i32
    %dma_start3A_1767 = tpu.memref_slice %arg5[%add3A_1763, %dma_start3A_1766] : memref<204800x128xf32, #tpu.memory_space<hbm>> -> memref<32x128xf32, #tpu.memory_space<hbm>>
    tpu.enqueue_dma source(%arg7 : memref<32x128xf32, #tpu.memory_space<vmem>>) target(%dma_start3A_1767 : memref<32x128xf32, #tpu.memory_space<hbm>>) target_semaphore(%arg15 : memref<!tpu.dma_semaphore, #tpu.memory_space<semaphore_mem>>)
    %add3A_1768 = arith.constant 896 : i32
    %add3A_1769 = arith.addi %add3A_1600, %add3A_1768 : i32
    %dma_start3A_1770 = arith.constant 0 : i32
    %dma_start3A_1771 = tpu.memref_slice %arg5[%add3A_1769, %dma_start3A_1770] : memref<204800x128xf32, #tpu.memory_space<hbm>> -> memref<32x128xf32, #tpu.memory_space<hbm>>
    %dma_start3A_1772 = arith.constant 0 : i32
    %dma_start3A_1773 = tpu.memref_slice %arg5[%add3A_1769, %dma_start3A_1772] : memref<204800x128xf32, #tpu.memory_space<hbm>> -> memref<32x128xf32, #tpu.memory_space<hbm>>
    tpu.enqueue_dma source(%arg7 : memref<32x128xf32, #tpu.memory_space<vmem>>) target(%dma_start3A_1773 : memref<32x128xf32, #tpu.memory_space<hbm>>) target_semaphore(%arg15 : memref<!tpu.dma_semaphore, #tpu.memory_space<semaphore_mem>>)
    %add3A_1774 = arith.constant 928 : i32
    %add3A_1775 = arith.addi %add3A_1600, %add3A_1774 : i32
    %dma_start3A_1776 = arith.constant 0 : i32
    %dma_start3A_1777 = tpu.memref_slice %arg5[%add3A_1775, %dma_start3A_1776] : memref<204800x128xf32, #tpu.memory_space<hbm>> -> memref<32x128xf32, #tpu.memory_space<hbm>>
    %dma_start3A_1778 = arith.constant 0 : i32
    %dma_start3A_1779 = tpu.memref_slice %arg5[%add3A_1775, %dma_start3A_1778] : memref<204800x128xf32, #tpu.memory_space<hbm>> -> memref<32x128xf32, #tpu.memory_space<hbm>>
    tpu.enqueue_dma source(%arg7 : memref<32x128xf32, #tpu.memory_space<vmem>>) target(%dma_start3A_1779 : memref<32x128xf32, #tpu.memory_space<hbm>>) target_semaphore(%arg15 : memref<!tpu.dma_semaphore, #tpu.memory_space<semaphore_mem>>)
    %add3A_1780 = arith.constant 960 : i32
    %add3A_1781 = arith.addi %add3A_1600, %add3A_1780 : i32
    %dma_start3A_1782 = arith.constant 0 : i32
    %dma_start3A_1783 = tpu.memref_slice %arg5[%add3A_1781, %dma_start3A_1782] : memref<204800x128xf32, #tpu.memory_space<hbm>> -> memref<32x128xf32, #tpu.memory_space<hbm>>
    %dma_start3A_1784 = arith.constant 0 : i32
    %dma_start3A_1785 = tpu.memref_slice %arg5[%add3A_1781, %dma_start3A_1784] : memref<204800x128xf32, #tpu.memory_space<hbm>> -> memref<32x128xf32, #tpu.memory_space<hbm>>
    tpu.enqueue_dma source(%arg7 : memref<32x128xf32, #tpu.memory_space<vmem>>) target(%dma_start3A_1785 : memref<32x128xf32, #tpu.memory_space<hbm>>) target_semaphore(%arg15 : memref<!tpu.dma_semaphore, #tpu.memory_space<semaphore_mem>>)
    %add3A_1786 = arith.constant 992 : i32
    %add3A_1787 = arith.addi %add3A_1600, %add3A_1786 : i32
    %dma_start3A_1788 = arith.constant 0 : i32
    %dma_start3A_1789 = tpu.memref_slice %arg5[%add3A_1787, %dma_start3A_1788] : memref<204800x128xf32, #tpu.memory_space<hbm>> -> memref<32x128xf32, #tpu.memory_space<hbm>>
    %dma_start3A_1790 = arith.constant 0 : i32
    %dma_start3A_1791 = tpu.memref_slice %arg5[%add3A_1787, %dma_start3A_1790] : memref<204800x128xf32, #tpu.memory_space<hbm>> -> memref<32x128xf32, #tpu.memory_space<hbm>>
    tpu.enqueue_dma source(%arg7 : memref<32x128xf32, #tpu.memory_space<vmem>>) target(%dma_start3A_1791 : memref<32x128xf32, #tpu.memory_space<hbm>>) target_semaphore(%arg15 : memref<!tpu.dma_semaphore, #tpu.memory_space<semaphore_mem>>)
    "tpu.region"() ({
      %run_scoped3A_2191 = tpu.sem_alloc : memref<!tpu.dma_semaphore, #tpu.memory_space<semaphore_mem>>
      %dma_start3A_2192 = arith.constant 0 : i32
      %dma_start3A_2193 = tpu.memref_slice %arg6[%dma_start3A_2192] : memref<5376xi32, #tpu.memory_space<vmem>> -> memref<1408xi32, #tpu.memory_space<vmem>>
      %dma_start3A_2194 = tpu.memref_slice %arg2[%mul3A_2] : memref<204800xi32, #tpu.memory_space<hbm>> -> memref<1408xi32, #tpu.memory_space<hbm>>
      %dma_start3A_2195 = arith.constant 0 : i32
      %dma_start3A_2196 = tpu.memref_slice %arg6[%dma_start3A_2195] : memref<5376xi32, #tpu.memory_space<vmem>> -> memref<1408xi32, #tpu.memory_space<vmem>>
      %dma_start3A_2197 = tpu.memref_slice %arg2[%mul3A_2] : memref<204800xi32, #tpu.memory_space<hbm>> -> memref<1408xi32, #tpu.memory_space<hbm>>
      tpu.enqueue_dma source(%dma_start3A_2197 : memref<1408xi32, #tpu.memory_space<hbm>>) target(%dma_start3A_2196 : memref<1408xi32, #tpu.memory_space<vmem>>) target_semaphore(%run_scoped3A_2191 : memref<!tpu.dma_semaphore, #tpu.memory_space<semaphore_mem>>)
      %dma_wait3A_2198 = arith.constant 0 : i32
      %dma_wait3A_2199 = tpu.memref_slice %arg6[%dma_wait3A_2198] : memref<5376xi32, #tpu.memory_space<vmem>> -> memref<1408xi32, #tpu.memory_space<vmem>>
      %dma_wait3A_2200 = tpu.memref_slice %arg2[%mul3A_2] : memref<204800xi32, #tpu.memory_space<hbm>> -> memref<1408xi32, #tpu.memory_space<hbm>>
      %dma_wait3A_2201 = arith.constant 0 : i32
      %dma_wait3A_2202 = tpu.memref_slice %arg6[%dma_wait3A_2201] : memref<5376xi32, #tpu.memory_space<vmem>> -> memref<1408xi32, #tpu.memory_space<vmem>>
      %dma_wait3A_2203 = tpu.memref_slice %arg2[%mul3A_2] : memref<204800xi32, #tpu.memory_space<hbm>> -> memref<1408xi32, #tpu.memory_space<hbm>>
      tpu.wait_dma2 semaphore(%run_scoped3A_2191 : memref<!tpu.dma_semaphore, #tpu.memory_space<semaphore_mem>>) src(%dma_wait3A_2203 : memref<1408xi32, #tpu.memory_space<hbm>>) dst(%dma_wait3A_2202 : memref<1408xi32, #tpu.memory_space<vmem>>)
      tpu.yield
    }) : () -> ()
    "tpu.region"() ({
      %run_scoped3A_2191 = tpu.sem_alloc : memref<!tpu.dma_semaphore, #tpu.memory_space<semaphore_mem>>
      %dma_start3A_2192 = arith.constant 1408 : i32
      %dma_start3A_2193 = tpu.memref_slice %arg6[%dma_start3A_2192] : memref<5376xi32, #tpu.memory_space<vmem>> -> memref<3968xi32, #tpu.memory_space<vmem>>
      %dma_start3A_2194 = tpu.memref_slice %arg2[%add3A_6] : memref<204800xi32, #tpu.memory_space<hbm>> -> memref<3968xi32, #tpu.memory_space<hbm>>
      %dma_start3A_2195 = arith.constant 1408 : i32
      %dma_start3A_2196 = tpu.memref_slice %arg6[%dma_start3A_2195] : memref<5376xi32, #tpu.memory_space<vmem>> -> memref<3968xi32, #tpu.memory_space<vmem>>
      %dma_start3A_2197 = tpu.memref_slice %arg2[%add3A_6] : memref<204800xi32, #tpu.memory_space<hbm>> -> memref<3968xi32, #tpu.memory_space<hbm>>
      tpu.enqueue_dma source(%dma_start3A_2197 : memref<3968xi32, #tpu.memory_space<hbm>>) target(%dma_start3A_2196 : memref<3968xi32, #tpu.memory_space<vmem>>) target_semaphore(%run_scoped3A_2191 : memref<!tpu.dma_semaphore, #tpu.memory_space<semaphore_mem>>)
      %dma_wait3A_2198 = arith.constant 1408 : i32
      %dma_wait3A_2199 = tpu.memref_slice %arg6[%dma_wait3A_2198] : memref<5376xi32, #tpu.memory_space<vmem>> -> memref<3968xi32, #tpu.memory_space<vmem>>
      %dma_wait3A_2200 = tpu.memref_slice %arg2[%add3A_6] : memref<204800xi32, #tpu.memory_space<hbm>> -> memref<3968xi32, #tpu.memory_space<hbm>>
      %dma_wait3A_2201 = arith.constant 1408 : i32
      %dma_wait3A_2202 = tpu.memref_slice %arg6[%dma_wait3A_2201] : memref<5376xi32, #tpu.memory_space<vmem>> -> memref<3968xi32, #tpu.memory_space<vmem>>
      %dma_wait3A_2203 = tpu.memref_slice %arg2[%add3A_6] : memref<204800xi32, #tpu.memory_space<hbm>> -> memref<3968xi32, #tpu.memory_space<hbm>>
      tpu.wait_dma2 semaphore(%run_scoped3A_2191 : memref<!tpu.dma_semaphore, #tpu.memory_space<semaphore_mem>>) src(%dma_wait3A_2203 : memref<3968xi32, #tpu.memory_space<hbm>>) dst(%dma_wait3A_2202 : memref<3968xi32, #tpu.memory_space<vmem>>)
      tpu.yield
    }) : () -> ()
    %dma_start3A_1792 = arith.constant 0 : i32
    %dma_start3A_1793 = tpu.memref_slice %arg6[%dma_start3A_1792] : memref<5376xi32, #tpu.memory_space<vmem>> -> memref<448xi32, #tpu.memory_space<vmem>>
    %dma_start3A_1794 = arith.constant 0 : i32
    %dma_start3A_1795 = arith.constant 0 : i32
    %dma_start3A_1796 = tpu.memref_slice %arg3[%dma_start3A_1794, %dma_start3A_1795] : memref<100000x128xf32, #tpu.memory_space<hbm>> -> memref<100000x128xf32, #tpu.memory_space<hbm>>
    tpu.enqueue_indirect_dma source(%dma_start3A_1796 : memref<100000x128xf32, #tpu.memory_space<hbm>>) target(%arg9 : memref<448x128xf32, #tpu.memory_space<vmem>>) offsets(%dma_start3A_1793 : memref<448xi32, #tpu.memory_space<vmem>>) semaphore(%arg11 : memref<!tpu.dma_semaphore, #tpu.memory_space<semaphore_mem>>)
    %dma_start3A_1797 = arith.constant 448 : i32
    %dma_start3A_1798 = tpu.memref_slice %arg6[%dma_start3A_1797] : memref<5376xi32, #tpu.memory_space<vmem>> -> memref<448xi32, #tpu.memory_space<vmem>>
    %dma_start3A_1799 = arith.constant 0 : i32
    %dma_start3A_1800 = arith.constant 0 : i32
    %dma_start3A_1801 = tpu.memref_slice %arg3[%dma_start3A_1799, %dma_start3A_1800] : memref<100000x128xf32, #tpu.memory_space<hbm>> -> memref<100000x128xf32, #tpu.memory_space<hbm>>
    tpu.enqueue_indirect_dma source(%dma_start3A_1801 : memref<100000x128xf32, #tpu.memory_space<hbm>>) target(%arg10 : memref<448x128xf32, #tpu.memory_space<vmem>>) offsets(%dma_start3A_1798 : memref<448xi32, #tpu.memory_space<vmem>>) semaphore(%arg12 : memref<!tpu.dma_semaphore, #tpu.memory_space<semaphore_mem>>)
    %dma_wait3A = arith.constant 0 : i32
    %dma_wait3A_1802 = tpu.memref_slice %arg6[%dma_wait3A] : memref<5376xi32, #tpu.memory_space<vmem>> -> memref<448xi32, #tpu.memory_space<vmem>>
    %dma_wait3A_1803 = arith.constant 0 : i32
    %dma_wait3A_1804 = arith.constant 0 : i32
    %dma_wait3A_1805 = tpu.memref_slice %arg3[%dma_wait3A_1803, %dma_wait3A_1804] : memref<100000x128xf32, #tpu.memory_space<hbm>> -> memref<100000x128xf32, #tpu.memory_space<hbm>>
    tpu.wait_indirect_dma semaphore(%arg11 : memref<!tpu.dma_semaphore, #tpu.memory_space<semaphore_mem>>) src(%dma_wait3A_1805 : memref<100000x128xf32, #tpu.memory_space<hbm>>) dst(%arg9 : memref<448x128xf32, #tpu.memory_space<vmem>>)
    %add3A_1806 = arith.constant 0 : i32
    %add3A_1807 = arith.addi %mul3A_2, %add3A_1806 : i32
    %dma_start3A_1808 = arith.constant 0 : i32
    %dma_start3A_1809 = tpu.memref_slice %arg5[%add3A_1807, %dma_start3A_1808] : memref<204800x128xf32, #tpu.memory_space<hbm>> -> memref<448x128xf32, #tpu.memory_space<hbm>>
    %dma_start3A_1810 = arith.constant 0 : i32
    %dma_start3A_1811 = tpu.memref_slice %arg5[%add3A_1807, %dma_start3A_1810] : memref<204800x128xf32, #tpu.memory_space<hbm>> -> memref<448x128xf32, #tpu.memory_space<hbm>>
    tpu.enqueue_dma source(%arg9 : memref<448x128xf32, #tpu.memory_space<vmem>>) target(%dma_start3A_1811 : memref<448x128xf32, #tpu.memory_space<hbm>>) target_semaphore(%arg13 : memref<!tpu.dma_semaphore, #tpu.memory_space<semaphore_mem>>)
    %dma_wait3A_1812 = arith.constant 0 : i32
    %dma_wait3A_1813 = tpu.memref_slice %arg5[%add3A_1807, %dma_wait3A_1812] : memref<204800x128xf32, #tpu.memory_space<hbm>> -> memref<448x128xf32, #tpu.memory_space<hbm>>
    %dma_wait3A_1814 = arith.constant 0 : i32
    %dma_wait3A_1815 = tpu.memref_slice %arg5[%add3A_1807, %dma_wait3A_1814] : memref<204800x128xf32, #tpu.memory_space<hbm>> -> memref<448x128xf32, #tpu.memory_space<hbm>>
    tpu.wait_dma2 semaphore(%arg13 : memref<!tpu.dma_semaphore, #tpu.memory_space<semaphore_mem>>) src(%arg9 : memref<448x128xf32, #tpu.memory_space<vmem>>) dst(%dma_wait3A_1815 : memref<448x128xf32, #tpu.memory_space<hbm>>)
    %dma_start3A_1816 = arith.constant 896 : i32
    %dma_start3A_1817 = tpu.memref_slice %arg6[%dma_start3A_1816] : memref<5376xi32, #tpu.memory_space<vmem>> -> memref<448xi32, #tpu.memory_space<vmem>>
    %dma_start3A_1818 = arith.constant 0 : i32
    %dma_start3A_1819 = arith.constant 0 : i32
    %dma_start3A_1820 = tpu.memref_slice %arg3[%dma_start3A_1818, %dma_start3A_1819] : memref<100000x128xf32, #tpu.memory_space<hbm>> -> memref<100000x128xf32, #tpu.memory_space<hbm>>
    tpu.enqueue_indirect_dma source(%dma_start3A_1820 : memref<100000x128xf32, #tpu.memory_space<hbm>>) target(%arg9 : memref<448x128xf32, #tpu.memory_space<vmem>>) offsets(%dma_start3A_1817 : memref<448xi32, #tpu.memory_space<vmem>>) semaphore(%arg11 : memref<!tpu.dma_semaphore, #tpu.memory_space<semaphore_mem>>)
    %dma_wait3A_1821 = arith.constant 448 : i32
    %dma_wait3A_1822 = tpu.memref_slice %arg6[%dma_wait3A_1821] : memref<5376xi32, #tpu.memory_space<vmem>> -> memref<448xi32, #tpu.memory_space<vmem>>
    %dma_wait3A_1823 = arith.constant 0 : i32
    %dma_wait3A_1824 = arith.constant 0 : i32
    %dma_wait3A_1825 = tpu.memref_slice %arg3[%dma_wait3A_1823, %dma_wait3A_1824] : memref<100000x128xf32, #tpu.memory_space<hbm>> -> memref<100000x128xf32, #tpu.memory_space<hbm>>
    tpu.wait_indirect_dma semaphore(%arg12 : memref<!tpu.dma_semaphore, #tpu.memory_space<semaphore_mem>>) src(%dma_wait3A_1825 : memref<100000x128xf32, #tpu.memory_space<hbm>>) dst(%arg10 : memref<448x128xf32, #tpu.memory_space<vmem>>)
    %add3A_1826 = arith.constant 448 : i32
    %add3A_1827 = arith.addi %mul3A_2, %add3A_1826 : i32
    %dma_start3A_1828 = arith.constant 0 : i32
    %dma_start3A_1829 = tpu.memref_slice %arg5[%add3A_1827, %dma_start3A_1828] : memref<204800x128xf32, #tpu.memory_space<hbm>> -> memref<448x128xf32, #tpu.memory_space<hbm>>
    %dma_start3A_1830 = arith.constant 0 : i32
    %dma_start3A_1831 = tpu.memref_slice %arg5[%add3A_1827, %dma_start3A_1830] : memref<204800x128xf32, #tpu.memory_space<hbm>> -> memref<448x128xf32, #tpu.memory_space<hbm>>
    tpu.enqueue_dma source(%arg10 : memref<448x128xf32, #tpu.memory_space<vmem>>) target(%dma_start3A_1831 : memref<448x128xf32, #tpu.memory_space<hbm>>) target_semaphore(%arg14 : memref<!tpu.dma_semaphore, #tpu.memory_space<semaphore_mem>>)
    %dma_wait3A_1832 = arith.constant 0 : i32
    %dma_wait3A_1833 = tpu.memref_slice %arg5[%add3A_1827, %dma_wait3A_1832] : memref<204800x128xf32, #tpu.memory_space<hbm>> -> memref<448x128xf32, #tpu.memory_space<hbm>>
    %dma_wait3A_1834 = arith.constant 0 : i32
    %dma_wait3A_1835 = tpu.memref_slice %arg5[%add3A_1827, %dma_wait3A_1834] : memref<204800x128xf32, #tpu.memory_space<hbm>> -> memref<448x128xf32, #tpu.memory_space<hbm>>
    tpu.wait_dma2 semaphore(%arg14 : memref<!tpu.dma_semaphore, #tpu.memory_space<semaphore_mem>>) src(%arg10 : memref<448x128xf32, #tpu.memory_space<vmem>>) dst(%dma_wait3A_1835 : memref<448x128xf32, #tpu.memory_space<hbm>>)
    %dma_start3A_1836 = arith.constant 1344 : i32
    %dma_start3A_1837 = tpu.memref_slice %arg6[%dma_start3A_1836] : memref<5376xi32, #tpu.memory_space<vmem>> -> memref<448xi32, #tpu.memory_space<vmem>>
    %dma_start3A_1838 = arith.constant 0 : i32
    %dma_start3A_1839 = arith.constant 0 : i32
    %dma_start3A_1840 = tpu.memref_slice %arg3[%dma_start3A_1838, %dma_start3A_1839] : memref<100000x128xf32, #tpu.memory_space<hbm>> -> memref<100000x128xf32, #tpu.memory_space<hbm>>
    tpu.enqueue_indirect_dma source(%dma_start3A_1840 : memref<100000x128xf32, #tpu.memory_space<hbm>>) target(%arg10 : memref<448x128xf32, #tpu.memory_space<vmem>>) offsets(%dma_start3A_1837 : memref<448xi32, #tpu.memory_space<vmem>>) semaphore(%arg12 : memref<!tpu.dma_semaphore, #tpu.memory_space<semaphore_mem>>)
    %dma_wait3A_1841 = arith.constant 896 : i32
    %dma_wait3A_1842 = tpu.memref_slice %arg6[%dma_wait3A_1841] : memref<5376xi32, #tpu.memory_space<vmem>> -> memref<448xi32, #tpu.memory_space<vmem>>
    %dma_wait3A_1843 = arith.constant 0 : i32
    %dma_wait3A_1844 = arith.constant 0 : i32
    %dma_wait3A_1845 = tpu.memref_slice %arg3[%dma_wait3A_1843, %dma_wait3A_1844] : memref<100000x128xf32, #tpu.memory_space<hbm>> -> memref<100000x128xf32, #tpu.memory_space<hbm>>
    tpu.wait_indirect_dma semaphore(%arg11 : memref<!tpu.dma_semaphore, #tpu.memory_space<semaphore_mem>>) src(%dma_wait3A_1845 : memref<100000x128xf32, #tpu.memory_space<hbm>>) dst(%arg9 : memref<448x128xf32, #tpu.memory_space<vmem>>)
    %add3A_1846 = arith.constant 896 : i32
    %add3A_1847 = arith.addi %mul3A_2, %add3A_1846 : i32
    %dma_start3A_1848 = arith.constant 0 : i32
    %dma_start3A_1849 = tpu.memref_slice %arg5[%add3A_1847, %dma_start3A_1848] : memref<204800x128xf32, #tpu.memory_space<hbm>> -> memref<448x128xf32, #tpu.memory_space<hbm>>
    %dma_start3A_1850 = arith.constant 0 : i32
    %dma_start3A_1851 = tpu.memref_slice %arg5[%add3A_1847, %dma_start3A_1850] : memref<204800x128xf32, #tpu.memory_space<hbm>> -> memref<448x128xf32, #tpu.memory_space<hbm>>
    tpu.enqueue_dma source(%arg9 : memref<448x128xf32, #tpu.memory_space<vmem>>) target(%dma_start3A_1851 : memref<448x128xf32, #tpu.memory_space<hbm>>) target_semaphore(%arg13 : memref<!tpu.dma_semaphore, #tpu.memory_space<semaphore_mem>>)
    %dma_wait3A_1852 = arith.constant 0 : i32
    %dma_wait3A_1853 = tpu.memref_slice %arg5[%add3A_1847, %dma_wait3A_1852] : memref<204800x128xf32, #tpu.memory_space<hbm>> -> memref<448x128xf32, #tpu.memory_space<hbm>>
    %dma_wait3A_1854 = arith.constant 0 : i32
    %dma_wait3A_1855 = tpu.memref_slice %arg5[%add3A_1847, %dma_wait3A_1854] : memref<204800x128xf32, #tpu.memory_space<hbm>> -> memref<448x128xf32, #tpu.memory_space<hbm>>
    tpu.wait_dma2 semaphore(%arg13 : memref<!tpu.dma_semaphore, #tpu.memory_space<semaphore_mem>>) src(%arg9 : memref<448x128xf32, #tpu.memory_space<vmem>>) dst(%dma_wait3A_1855 : memref<448x128xf32, #tpu.memory_space<hbm>>)
    %dma_start3A_1856 = arith.constant 1792 : i32
    %dma_start3A_1857 = tpu.memref_slice %arg6[%dma_start3A_1856] : memref<5376xi32, #tpu.memory_space<vmem>> -> memref<448xi32, #tpu.memory_space<vmem>>
    %dma_start3A_1858 = arith.constant 0 : i32
    %dma_start3A_1859 = arith.constant 0 : i32
    %dma_start3A_1860 = tpu.memref_slice %arg3[%dma_start3A_1858, %dma_start3A_1859] : memref<100000x128xf32, #tpu.memory_space<hbm>> -> memref<100000x128xf32, #tpu.memory_space<hbm>>
    tpu.enqueue_indirect_dma source(%dma_start3A_1860 : memref<100000x128xf32, #tpu.memory_space<hbm>>) target(%arg9 : memref<448x128xf32, #tpu.memory_space<vmem>>) offsets(%dma_start3A_1857 : memref<448xi32, #tpu.memory_space<vmem>>) semaphore(%arg11 : memref<!tpu.dma_semaphore, #tpu.memory_space<semaphore_mem>>)
    %dma_wait3A_1861 = arith.constant 1344 : i32
    %dma_wait3A_1862 = tpu.memref_slice %arg6[%dma_wait3A_1861] : memref<5376xi32, #tpu.memory_space<vmem>> -> memref<448xi32, #tpu.memory_space<vmem>>
    %dma_wait3A_1863 = arith.constant 0 : i32
    %dma_wait3A_1864 = arith.constant 0 : i32
    %dma_wait3A_1865 = tpu.memref_slice %arg3[%dma_wait3A_1863, %dma_wait3A_1864] : memref<100000x128xf32, #tpu.memory_space<hbm>> -> memref<100000x128xf32, #tpu.memory_space<hbm>>
    tpu.wait_indirect_dma semaphore(%arg12 : memref<!tpu.dma_semaphore, #tpu.memory_space<semaphore_mem>>) src(%dma_wait3A_1865 : memref<100000x128xf32, #tpu.memory_space<hbm>>) dst(%arg10 : memref<448x128xf32, #tpu.memory_space<vmem>>)
    %add3A_1866 = arith.constant 1344 : i32
    %add3A_1867 = arith.addi %mul3A_2, %add3A_1866 : i32
    %dma_start3A_1868 = arith.constant 0 : i32
    %dma_start3A_1869 = arith.constant 0 : i32
    %dma_start3A_1870 = tpu.memref_slice %arg10[%dma_start3A_1868, %dma_start3A_1869] : memref<448x128xf32, #tpu.memory_space<vmem>> -> memref<64x128xf32, #tpu.memory_space<vmem>>
    %dma_start3A_1871 = arith.constant 0 : i32
    %dma_start3A_1872 = tpu.memref_slice %arg5[%add3A_1867, %dma_start3A_1871] : memref<204800x128xf32, #tpu.memory_space<hbm>> -> memref<64x128xf32, #tpu.memory_space<hbm>>
    %dma_start3A_1873 = arith.constant 0 : i32
    %dma_start3A_1874 = tpu.memref_slice %arg5[%add3A_1867, %dma_start3A_1873] : memref<204800x128xf32, #tpu.memory_space<hbm>> -> memref<64x128xf32, #tpu.memory_space<hbm>>
    %dma_start3A_1875 = arith.constant 0 : i32
    %dma_start3A_1876 = arith.constant 0 : i32
    %dma_start3A_1877 = tpu.memref_slice %arg10[%dma_start3A_1875, %dma_start3A_1876] : memref<448x128xf32, #tpu.memory_space<vmem>> -> memref<64x128xf32, #tpu.memory_space<vmem>>
    tpu.enqueue_dma source(%dma_start3A_1877 : memref<64x128xf32, #tpu.memory_space<vmem>>) target(%dma_start3A_1874 : memref<64x128xf32, #tpu.memory_space<hbm>>) target_semaphore(%arg14 : memref<!tpu.dma_semaphore, #tpu.memory_space<semaphore_mem>>)
    %dma_start3A_1878 = arith.constant 64 : i32
    %dma_start3A_1879 = arith.constant 0 : i32
    %dma_start3A_1880 = tpu.memref_slice %arg10[%dma_start3A_1878, %dma_start3A_1879] : memref<448x128xf32, #tpu.memory_space<vmem>> -> memref<384x128xf32, #tpu.memory_space<vmem>>
    %dma_start3A_1881 = arith.constant 0 : i32
    %dma_start3A_1882 = tpu.memref_slice %arg5[%add3A_6, %dma_start3A_1881] : memref<204800x128xf32, #tpu.memory_space<hbm>> -> memref<384x128xf32, #tpu.memory_space<hbm>>
    %dma_start3A_1883 = arith.constant 0 : i32
    %dma_start3A_1884 = tpu.memref_slice %arg5[%add3A_6, %dma_start3A_1883] : memref<204800x128xf32, #tpu.memory_space<hbm>> -> memref<384x128xf32, #tpu.memory_space<hbm>>
    %dma_start3A_1885 = arith.constant 64 : i32
    %dma_start3A_1886 = arith.constant 0 : i32
    %dma_start3A_1887 = tpu.memref_slice %arg10[%dma_start3A_1885, %dma_start3A_1886] : memref<448x128xf32, #tpu.memory_space<vmem>> -> memref<384x128xf32, #tpu.memory_space<vmem>>
    tpu.enqueue_dma source(%dma_start3A_1887 : memref<384x128xf32, #tpu.memory_space<vmem>>) target(%dma_start3A_1884 : memref<384x128xf32, #tpu.memory_space<hbm>>) target_semaphore(%arg14 : memref<!tpu.dma_semaphore, #tpu.memory_space<semaphore_mem>>)
    %dma_wait3A_1888 = arith.constant 0 : i32
    %dma_wait3A_1889 = arith.constant 0 : i32
    %dma_wait3A_1890 = tpu.memref_slice %arg10[%dma_wait3A_1888, %dma_wait3A_1889] : memref<448x128xf32, #tpu.memory_space<vmem>> -> memref<64x128xf32, #tpu.memory_space<vmem>>
    %dma_wait3A_1891 = arith.constant 0 : i32
    %dma_wait3A_1892 = tpu.memref_slice %arg5[%add3A_1867, %dma_wait3A_1891] : memref<204800x128xf32, #tpu.memory_space<hbm>> -> memref<64x128xf32, #tpu.memory_space<hbm>>
    %dma_wait3A_1893 = arith.constant 0 : i32
    %dma_wait3A_1894 = tpu.memref_slice %arg5[%add3A_1867, %dma_wait3A_1893] : memref<204800x128xf32, #tpu.memory_space<hbm>> -> memref<64x128xf32, #tpu.memory_space<hbm>>
    %dma_wait3A_1895 = arith.constant 0 : i32
    %dma_wait3A_1896 = arith.constant 0 : i32
    %dma_wait3A_1897 = tpu.memref_slice %arg10[%dma_wait3A_1895, %dma_wait3A_1896] : memref<448x128xf32, #tpu.memory_space<vmem>> -> memref<64x128xf32, #tpu.memory_space<vmem>>
    tpu.wait_dma2 semaphore(%arg14 : memref<!tpu.dma_semaphore, #tpu.memory_space<semaphore_mem>>) src(%dma_wait3A_1897 : memref<64x128xf32, #tpu.memory_space<vmem>>) dst(%dma_wait3A_1894 : memref<64x128xf32, #tpu.memory_space<hbm>>)
    %dma_wait3A_1898 = arith.constant 64 : i32
    %dma_wait3A_1899 = arith.constant 0 : i32
    %dma_wait3A_1900 = tpu.memref_slice %arg10[%dma_wait3A_1898, %dma_wait3A_1899] : memref<448x128xf32, #tpu.memory_space<vmem>> -> memref<384x128xf32, #tpu.memory_space<vmem>>
    %dma_wait3A_1901 = arith.constant 0 : i32
    %dma_wait3A_1902 = tpu.memref_slice %arg5[%add3A_6, %dma_wait3A_1901] : memref<204800x128xf32, #tpu.memory_space<hbm>> -> memref<384x128xf32, #tpu.memory_space<hbm>>
    %dma_wait3A_1903 = arith.constant 0 : i32
    %dma_wait3A_1904 = tpu.memref_slice %arg5[%add3A_6, %dma_wait3A_1903] : memref<204800x128xf32, #tpu.memory_space<hbm>> -> memref<384x128xf32, #tpu.memory_space<hbm>>
    %dma_wait3A_1905 = arith.constant 64 : i32
    %dma_wait3A_1906 = arith.constant 0 : i32
    %dma_wait3A_1907 = tpu.memref_slice %arg10[%dma_wait3A_1905, %dma_wait3A_1906] : memref<448x128xf32, #tpu.memory_space<vmem>> -> memref<384x128xf32, #tpu.memory_space<vmem>>
    tpu.wait_dma2 semaphore(%arg14 : memref<!tpu.dma_semaphore, #tpu.memory_space<semaphore_mem>>) src(%dma_wait3A_1907 : memref<384x128xf32, #tpu.memory_space<vmem>>) dst(%dma_wait3A_1904 : memref<384x128xf32, #tpu.memory_space<hbm>>)
    %dma_start3A_1908 = arith.constant 2240 : i32
    %dma_start3A_1909 = tpu.memref_slice %arg6[%dma_start3A_1908] : memref<5376xi32, #tpu.memory_space<vmem>> -> memref<448xi32, #tpu.memory_space<vmem>>
    %dma_start3A_1910 = arith.constant 0 : i32
    %dma_start3A_1911 = arith.constant 0 : i32
    %dma_start3A_1912 = tpu.memref_slice %arg3[%dma_start3A_1910, %dma_start3A_1911] : memref<100000x128xf32, #tpu.memory_space<hbm>> -> memref<100000x128xf32, #tpu.memory_space<hbm>>
    tpu.enqueue_indirect_dma source(%dma_start3A_1912 : memref<100000x128xf32, #tpu.memory_space<hbm>>) target(%arg10 : memref<448x128xf32, #tpu.memory_space<vmem>>) offsets(%dma_start3A_1909 : memref<448xi32, #tpu.memory_space<vmem>>) semaphore(%arg12 : memref<!tpu.dma_semaphore, #tpu.memory_space<semaphore_mem>>)
    %dma_wait3A_1913 = arith.constant 1792 : i32
    %dma_wait3A_1914 = tpu.memref_slice %arg6[%dma_wait3A_1913] : memref<5376xi32, #tpu.memory_space<vmem>> -> memref<448xi32, #tpu.memory_space<vmem>>
    %dma_wait3A_1915 = arith.constant 0 : i32
    %dma_wait3A_1916 = arith.constant 0 : i32
    %dma_wait3A_1917 = tpu.memref_slice %arg3[%dma_wait3A_1915, %dma_wait3A_1916] : memref<100000x128xf32, #tpu.memory_space<hbm>> -> memref<100000x128xf32, #tpu.memory_space<hbm>>
    tpu.wait_indirect_dma semaphore(%arg11 : memref<!tpu.dma_semaphore, #tpu.memory_space<semaphore_mem>>) src(%dma_wait3A_1917 : memref<100000x128xf32, #tpu.memory_space<hbm>>) dst(%arg9 : memref<448x128xf32, #tpu.memory_space<vmem>>)
    %add3A_1918 = arith.constant 384 : i32
    %add3A_1919 = arith.addi %add3A_6, %add3A_1918 : i32
    %dma_start3A_1920 = arith.constant 0 : i32
    %dma_start3A_1921 = tpu.memref_slice %arg5[%add3A_1919, %dma_start3A_1920] : memref<204800x128xf32, #tpu.memory_space<hbm>> -> memref<448x128xf32, #tpu.memory_space<hbm>>
    %dma_start3A_1922 = arith.constant 0 : i32
    %dma_start3A_1923 = tpu.memref_slice %arg5[%add3A_1919, %dma_start3A_1922] : memref<204800x128xf32, #tpu.memory_space<hbm>> -> memref<448x128xf32, #tpu.memory_space<hbm>>
    tpu.enqueue_dma source(%arg9 : memref<448x128xf32, #tpu.memory_space<vmem>>) target(%dma_start3A_1923 : memref<448x128xf32, #tpu.memory_space<hbm>>) target_semaphore(%arg13 : memref<!tpu.dma_semaphore, #tpu.memory_space<semaphore_mem>>)
    %dma_wait3A_1924 = arith.constant 0 : i32
    %dma_wait3A_1925 = tpu.memref_slice %arg5[%add3A_1919, %dma_wait3A_1924] : memref<204800x128xf32, #tpu.memory_space<hbm>> -> memref<448x128xf32, #tpu.memory_space<hbm>>
    %dma_wait3A_1926 = arith.constant 0 : i32
    %dma_wait3A_1927 = tpu.memref_slice %arg5[%add3A_1919, %dma_wait3A_1926] : memref<204800x128xf32, #tpu.memory_space<hbm>> -> memref<448x128xf32, #tpu.memory_space<hbm>>
    tpu.wait_dma2 semaphore(%arg13 : memref<!tpu.dma_semaphore, #tpu.memory_space<semaphore_mem>>) src(%arg9 : memref<448x128xf32, #tpu.memory_space<vmem>>) dst(%dma_wait3A_1927 : memref<448x128xf32, #tpu.memory_space<hbm>>)
    %dma_start3A_1928 = arith.constant 2688 : i32
    %dma_start3A_1929 = tpu.memref_slice %arg6[%dma_start3A_1928] : memref<5376xi32, #tpu.memory_space<vmem>> -> memref<448xi32, #tpu.memory_space<vmem>>
    %dma_start3A_1930 = arith.constant 0 : i32
    %dma_start3A_1931 = arith.constant 0 : i32
    %dma_start3A_1932 = tpu.memref_slice %arg3[%dma_start3A_1930, %dma_start3A_1931] : memref<100000x128xf32, #tpu.memory_space<hbm>> -> memref<100000x128xf32, #tpu.memory_space<hbm>>
    tpu.enqueue_indirect_dma source(%dma_start3A_1932 : memref<100000x128xf32, #tpu.memory_space<hbm>>) target(%arg9 : memref<448x128xf32, #tpu.memory_space<vmem>>) offsets(%dma_start3A_1929 : memref<448xi32, #tpu.memory_space<vmem>>) semaphore(%arg11 : memref<!tpu.dma_semaphore, #tpu.memory_space<semaphore_mem>>)
    %dma_wait3A_1933 = arith.constant 2240 : i32
    %dma_wait3A_1934 = tpu.memref_slice %arg6[%dma_wait3A_1933] : memref<5376xi32, #tpu.memory_space<vmem>> -> memref<448xi32, #tpu.memory_space<vmem>>
    %dma_wait3A_1935 = arith.constant 0 : i32
    %dma_wait3A_1936 = arith.constant 0 : i32
    %dma_wait3A_1937 = tpu.memref_slice %arg3[%dma_wait3A_1935, %dma_wait3A_1936] : memref<100000x128xf32, #tpu.memory_space<hbm>> -> memref<100000x128xf32, #tpu.memory_space<hbm>>
    tpu.wait_indirect_dma semaphore(%arg12 : memref<!tpu.dma_semaphore, #tpu.memory_space<semaphore_mem>>) src(%dma_wait3A_1937 : memref<100000x128xf32, #tpu.memory_space<hbm>>) dst(%arg10 : memref<448x128xf32, #tpu.memory_space<vmem>>)
    %add3A_1938 = arith.constant 832 : i32
    %add3A_1939 = arith.addi %add3A_6, %add3A_1938 : i32
    %dma_start3A_1940 = arith.constant 0 : i32
    %dma_start3A_1941 = tpu.memref_slice %arg5[%add3A_1939, %dma_start3A_1940] : memref<204800x128xf32, #tpu.memory_space<hbm>> -> memref<448x128xf32, #tpu.memory_space<hbm>>
    %dma_start3A_1942 = arith.constant 0 : i32
    %dma_start3A_1943 = tpu.memref_slice %arg5[%add3A_1939, %dma_start3A_1942] : memref<204800x128xf32, #tpu.memory_space<hbm>> -> memref<448x128xf32, #tpu.memory_space<hbm>>
    tpu.enqueue_dma source(%arg10 : memref<448x128xf32, #tpu.memory_space<vmem>>) target(%dma_start3A_1943 : memref<448x128xf32, #tpu.memory_space<hbm>>) target_semaphore(%arg14 : memref<!tpu.dma_semaphore, #tpu.memory_space<semaphore_mem>>)
    %dma_wait3A_1944 = arith.constant 0 : i32
    %dma_wait3A_1945 = tpu.memref_slice %arg5[%add3A_1939, %dma_wait3A_1944] : memref<204800x128xf32, #tpu.memory_space<hbm>> -> memref<448x128xf32, #tpu.memory_space<hbm>>
    %dma_wait3A_1946 = arith.constant 0 : i32
    %dma_wait3A_1947 = tpu.memref_slice %arg5[%add3A_1939, %dma_wait3A_1946] : memref<204800x128xf32, #tpu.memory_space<hbm>> -> memref<448x128xf32, #tpu.memory_space<hbm>>
    tpu.wait_dma2 semaphore(%arg14 : memref<!tpu.dma_semaphore, #tpu.memory_space<semaphore_mem>>) src(%arg10 : memref<448x128xf32, #tpu.memory_space<vmem>>) dst(%dma_wait3A_1947 : memref<448x128xf32, #tpu.memory_space<hbm>>)
    %dma_start3A_1948 = arith.constant 3136 : i32
    %dma_start3A_1949 = tpu.memref_slice %arg6[%dma_start3A_1948] : memref<5376xi32, #tpu.memory_space<vmem>> -> memref<448xi32, #tpu.memory_space<vmem>>
    %dma_start3A_1950 = arith.constant 0 : i32
    %dma_start3A_1951 = arith.constant 0 : i32
    %dma_start3A_1952 = tpu.memref_slice %arg3[%dma_start3A_1950, %dma_start3A_1951] : memref<100000x128xf32, #tpu.memory_space<hbm>> -> memref<100000x128xf32, #tpu.memory_space<hbm>>
    tpu.enqueue_indirect_dma source(%dma_start3A_1952 : memref<100000x128xf32, #tpu.memory_space<hbm>>) target(%arg10 : memref<448x128xf32, #tpu.memory_space<vmem>>) offsets(%dma_start3A_1949 : memref<448xi32, #tpu.memory_space<vmem>>) semaphore(%arg12 : memref<!tpu.dma_semaphore, #tpu.memory_space<semaphore_mem>>)
    %dma_wait3A_1953 = arith.constant 2688 : i32
    %dma_wait3A_1954 = tpu.memref_slice %arg6[%dma_wait3A_1953] : memref<5376xi32, #tpu.memory_space<vmem>> -> memref<448xi32, #tpu.memory_space<vmem>>
    %dma_wait3A_1955 = arith.constant 0 : i32
    %dma_wait3A_1956 = arith.constant 0 : i32
    %dma_wait3A_1957 = tpu.memref_slice %arg3[%dma_wait3A_1955, %dma_wait3A_1956] : memref<100000x128xf32, #tpu.memory_space<hbm>> -> memref<100000x128xf32, #tpu.memory_space<hbm>>
    tpu.wait_indirect_dma semaphore(%arg11 : memref<!tpu.dma_semaphore, #tpu.memory_space<semaphore_mem>>) src(%dma_wait3A_1957 : memref<100000x128xf32, #tpu.memory_space<hbm>>) dst(%arg9 : memref<448x128xf32, #tpu.memory_space<vmem>>)
    %add3A_1958 = arith.constant 1280 : i32
    %add3A_1959 = arith.addi %add3A_6, %add3A_1958 : i32
    %dma_start3A_1960 = arith.constant 0 : i32
    %dma_start3A_1961 = tpu.memref_slice %arg5[%add3A_1959, %dma_start3A_1960] : memref<204800x128xf32, #tpu.memory_space<hbm>> -> memref<448x128xf32, #tpu.memory_space<hbm>>
    %dma_start3A_1962 = arith.constant 0 : i32
    %dma_start3A_1963 = tpu.memref_slice %arg5[%add3A_1959, %dma_start3A_1962] : memref<204800x128xf32, #tpu.memory_space<hbm>> -> memref<448x128xf32, #tpu.memory_space<hbm>>
    tpu.enqueue_dma source(%arg9 : memref<448x128xf32, #tpu.memory_space<vmem>>) target(%dma_start3A_1963 : memref<448x128xf32, #tpu.memory_space<hbm>>) target_semaphore(%arg13 : memref<!tpu.dma_semaphore, #tpu.memory_space<semaphore_mem>>)
    %dma_wait3A_1964 = arith.constant 0 : i32
    %dma_wait3A_1965 = tpu.memref_slice %arg5[%add3A_1959, %dma_wait3A_1964] : memref<204800x128xf32, #tpu.memory_space<hbm>> -> memref<448x128xf32, #tpu.memory_space<hbm>>
    %dma_wait3A_1966 = arith.constant 0 : i32
    %dma_wait3A_1967 = tpu.memref_slice %arg5[%add3A_1959, %dma_wait3A_1966] : memref<204800x128xf32, #tpu.memory_space<hbm>> -> memref<448x128xf32, #tpu.memory_space<hbm>>
    tpu.wait_dma2 semaphore(%arg13 : memref<!tpu.dma_semaphore, #tpu.memory_space<semaphore_mem>>) src(%arg9 : memref<448x128xf32, #tpu.memory_space<vmem>>) dst(%dma_wait3A_1967 : memref<448x128xf32, #tpu.memory_space<hbm>>)
    %dma_start3A_1968 = arith.constant 3584 : i32
    %dma_start3A_1969 = tpu.memref_slice %arg6[%dma_start3A_1968] : memref<5376xi32, #tpu.memory_space<vmem>> -> memref<448xi32, #tpu.memory_space<vmem>>
    %dma_start3A_1970 = arith.constant 0 : i32
    %dma_start3A_1971 = arith.constant 0 : i32
    %dma_start3A_1972 = tpu.memref_slice %arg3[%dma_start3A_1970, %dma_start3A_1971] : memref<100000x128xf32, #tpu.memory_space<hbm>> -> memref<100000x128xf32, #tpu.memory_space<hbm>>
    tpu.enqueue_indirect_dma source(%dma_start3A_1972 : memref<100000x128xf32, #tpu.memory_space<hbm>>) target(%arg9 : memref<448x128xf32, #tpu.memory_space<vmem>>) offsets(%dma_start3A_1969 : memref<448xi32, #tpu.memory_space<vmem>>) semaphore(%arg11 : memref<!tpu.dma_semaphore, #tpu.memory_space<semaphore_mem>>)
    %dma_wait3A_1973 = arith.constant 3136 : i32
    %dma_wait3A_1974 = tpu.memref_slice %arg6[%dma_wait3A_1973] : memref<5376xi32, #tpu.memory_space<vmem>> -> memref<448xi32, #tpu.memory_space<vmem>>
    %dma_wait3A_1975 = arith.constant 0 : i32
    %dma_wait3A_1976 = arith.constant 0 : i32
    %dma_wait3A_1977 = tpu.memref_slice %arg3[%dma_wait3A_1975, %dma_wait3A_1976] : memref<100000x128xf32, #tpu.memory_space<hbm>> -> memref<100000x128xf32, #tpu.memory_space<hbm>>
    tpu.wait_indirect_dma semaphore(%arg12 : memref<!tpu.dma_semaphore, #tpu.memory_space<semaphore_mem>>) src(%dma_wait3A_1977 : memref<100000x128xf32, #tpu.memory_space<hbm>>) dst(%arg10 : memref<448x128xf32, #tpu.memory_space<vmem>>)
    %add3A_1978 = arith.constant 1728 : i32
    %add3A_1979 = arith.addi %add3A_6, %add3A_1978 : i32
    %dma_start3A_1980 = arith.constant 0 : i32
    %dma_start3A_1981 = tpu.memref_slice %arg5[%add3A_1979, %dma_start3A_1980] : memref<204800x128xf32, #tpu.memory_space<hbm>> -> memref<448x128xf32, #tpu.memory_space<hbm>>
    %dma_start3A_1982 = arith.constant 0 : i32
    %dma_start3A_1983 = tpu.memref_slice %arg5[%add3A_1979, %dma_start3A_1982] : memref<204800x128xf32, #tpu.memory_space<hbm>> -> memref<448x128xf32, #tpu.memory_space<hbm>>
    tpu.enqueue_dma source(%arg10 : memref<448x128xf32, #tpu.memory_space<vmem>>) target(%dma_start3A_1983 : memref<448x128xf32, #tpu.memory_space<hbm>>) target_semaphore(%arg14 : memref<!tpu.dma_semaphore, #tpu.memory_space<semaphore_mem>>)
    %dma_wait3A_1984 = arith.constant 0 : i32
    %dma_wait3A_1985 = tpu.memref_slice %arg5[%add3A_1979, %dma_wait3A_1984] : memref<204800x128xf32, #tpu.memory_space<hbm>> -> memref<448x128xf32, #tpu.memory_space<hbm>>
    %dma_wait3A_1986 = arith.constant 0 : i32
    %dma_wait3A_1987 = tpu.memref_slice %arg5[%add3A_1979, %dma_wait3A_1986] : memref<204800x128xf32, #tpu.memory_space<hbm>> -> memref<448x128xf32, #tpu.memory_space<hbm>>
    tpu.wait_dma2 semaphore(%arg14 : memref<!tpu.dma_semaphore, #tpu.memory_space<semaphore_mem>>) src(%arg10 : memref<448x128xf32, #tpu.memory_space<vmem>>) dst(%dma_wait3A_1987 : memref<448x128xf32, #tpu.memory_space<hbm>>)
    %dma_start3A_1988 = arith.constant 4032 : i32
    %dma_start3A_1989 = tpu.memref_slice %arg6[%dma_start3A_1988] : memref<5376xi32, #tpu.memory_space<vmem>> -> memref<448xi32, #tpu.memory_space<vmem>>
    %dma_start3A_1990 = arith.constant 0 : i32
    %dma_start3A_1991 = arith.constant 0 : i32
    %dma_start3A_1992 = tpu.memref_slice %arg3[%dma_start3A_1990, %dma_start3A_1991] : memref<100000x128xf32, #tpu.memory_space<hbm>> -> memref<100000x128xf32, #tpu.memory_space<hbm>>
    tpu.enqueue_indirect_dma source(%dma_start3A_1992 : memref<100000x128xf32, #tpu.memory_space<hbm>>) target(%arg10 : memref<448x128xf32, #tpu.memory_space<vmem>>) offsets(%dma_start3A_1989 : memref<448xi32, #tpu.memory_space<vmem>>) semaphore(%arg12 : memref<!tpu.dma_semaphore, #tpu.memory_space<semaphore_mem>>)
    %dma_wait3A_1993 = arith.constant 3584 : i32
    %dma_wait3A_1994 = tpu.memref_slice %arg6[%dma_wait3A_1993] : memref<5376xi32, #tpu.memory_space<vmem>> -> memref<448xi32, #tpu.memory_space<vmem>>
    %dma_wait3A_1995 = arith.constant 0 : i32
    %dma_wait3A_1996 = arith.constant 0 : i32
    %dma_wait3A_1997 = tpu.memref_slice %arg3[%dma_wait3A_1995, %dma_wait3A_1996] : memref<100000x128xf32, #tpu.memory_space<hbm>> -> memref<100000x128xf32, #tpu.memory_space<hbm>>
    tpu.wait_indirect_dma semaphore(%arg11 : memref<!tpu.dma_semaphore, #tpu.memory_space<semaphore_mem>>) src(%dma_wait3A_1997 : memref<100000x128xf32, #tpu.memory_space<hbm>>) dst(%arg9 : memref<448x128xf32, #tpu.memory_space<vmem>>)
    %add3A_1998 = arith.constant 2176 : i32
    %add3A_1999 = arith.addi %add3A_6, %add3A_1998 : i32
    %dma_start3A_2000 = arith.constant 0 : i32
    %dma_start3A_2001 = tpu.memref_slice %arg5[%add3A_1999, %dma_start3A_2000] : memref<204800x128xf32, #tpu.memory_space<hbm>> -> memref<448x128xf32, #tpu.memory_space<hbm>>
    %dma_start3A_2002 = arith.constant 0 : i32
    %dma_start3A_2003 = tpu.memref_slice %arg5[%add3A_1999, %dma_start3A_2002] : memref<204800x128xf32, #tpu.memory_space<hbm>> -> memref<448x128xf32, #tpu.memory_space<hbm>>
    tpu.enqueue_dma source(%arg9 : memref<448x128xf32, #tpu.memory_space<vmem>>) target(%dma_start3A_2003 : memref<448x128xf32, #tpu.memory_space<hbm>>) target_semaphore(%arg13 : memref<!tpu.dma_semaphore, #tpu.memory_space<semaphore_mem>>)
    %dma_wait3A_2004 = arith.constant 0 : i32
    %dma_wait3A_2005 = tpu.memref_slice %arg5[%add3A_1999, %dma_wait3A_2004] : memref<204800x128xf32, #tpu.memory_space<hbm>> -> memref<448x128xf32, #tpu.memory_space<hbm>>
    %dma_wait3A_2006 = arith.constant 0 : i32
    %dma_wait3A_2007 = tpu.memref_slice %arg5[%add3A_1999, %dma_wait3A_2006] : memref<204800x128xf32, #tpu.memory_space<hbm>> -> memref<448x128xf32, #tpu.memory_space<hbm>>
    tpu.wait_dma2 semaphore(%arg13 : memref<!tpu.dma_semaphore, #tpu.memory_space<semaphore_mem>>) src(%arg9 : memref<448x128xf32, #tpu.memory_space<vmem>>) dst(%dma_wait3A_2007 : memref<448x128xf32, #tpu.memory_space<hbm>>)
    %dma_start3A_2008 = arith.constant 4480 : i32
    %dma_start3A_2009 = tpu.memref_slice %arg6[%dma_start3A_2008] : memref<5376xi32, #tpu.memory_space<vmem>> -> memref<448xi32, #tpu.memory_space<vmem>>
    %dma_start3A_2010 = arith.constant 0 : i32
    %dma_start3A_2011 = arith.constant 0 : i32
    %dma_start3A_2012 = tpu.memref_slice %arg3[%dma_start3A_2010, %dma_start3A_2011] : memref<100000x128xf32, #tpu.memory_space<hbm>> -> memref<100000x128xf32, #tpu.memory_space<hbm>>
    tpu.enqueue_indirect_dma source(%dma_start3A_2012 : memref<100000x128xf32, #tpu.memory_space<hbm>>) target(%arg9 : memref<448x128xf32, #tpu.memory_space<vmem>>) offsets(%dma_start3A_2009 : memref<448xi32, #tpu.memory_space<vmem>>) semaphore(%arg11 : memref<!tpu.dma_semaphore, #tpu.memory_space<semaphore_mem>>)
    %dma_wait3A_2013 = arith.constant 4032 : i32
    %dma_wait3A_2014 = tpu.memref_slice %arg6[%dma_wait3A_2013] : memref<5376xi32, #tpu.memory_space<vmem>> -> memref<448xi32, #tpu.memory_space<vmem>>
    %dma_wait3A_2015 = arith.constant 0 : i32
    %dma_wait3A_2016 = arith.constant 0 : i32
    %dma_wait3A_2017 = tpu.memref_slice %arg3[%dma_wait3A_2015, %dma_wait3A_2016] : memref<100000x128xf32, #tpu.memory_space<hbm>> -> memref<100000x128xf32, #tpu.memory_space<hbm>>
    tpu.wait_indirect_dma semaphore(%arg12 : memref<!tpu.dma_semaphore, #tpu.memory_space<semaphore_mem>>) src(%dma_wait3A_2017 : memref<100000x128xf32, #tpu.memory_space<hbm>>) dst(%arg10 : memref<448x128xf32, #tpu.memory_space<vmem>>)
    %add3A_2018 = arith.constant 2624 : i32
    %add3A_2019 = arith.addi %add3A_6, %add3A_2018 : i32
    %dma_start3A_2020 = arith.constant 0 : i32
    %dma_start3A_2021 = tpu.memref_slice %arg5[%add3A_2019, %dma_start3A_2020] : memref<204800x128xf32, #tpu.memory_space<hbm>> -> memref<448x128xf32, #tpu.memory_space<hbm>>
    %dma_start3A_2022 = arith.constant 0 : i32
    %dma_start3A_2023 = tpu.memref_slice %arg5[%add3A_2019, %dma_start3A_2022] : memref<204800x128xf32, #tpu.memory_space<hbm>> -> memref<448x128xf32, #tpu.memory_space<hbm>>
    tpu.enqueue_dma source(%arg10 : memref<448x128xf32, #tpu.memory_space<vmem>>) target(%dma_start3A_2023 : memref<448x128xf32, #tpu.memory_space<hbm>>) target_semaphore(%arg14 : memref<!tpu.dma_semaphore, #tpu.memory_space<semaphore_mem>>)
    %dma_wait3A_2024 = arith.constant 0 : i32
    %dma_wait3A_2025 = tpu.memref_slice %arg5[%add3A_2019, %dma_wait3A_2024] : memref<204800x128xf32, #tpu.memory_space<hbm>> -> memref<448x128xf32, #tpu.memory_space<hbm>>
    %dma_wait3A_2026 = arith.constant 0 : i32
    %dma_wait3A_2027 = tpu.memref_slice %arg5[%add3A_2019, %dma_wait3A_2026] : memref<204800x128xf32, #tpu.memory_space<hbm>> -> memref<448x128xf32, #tpu.memory_space<hbm>>
    tpu.wait_dma2 semaphore(%arg14 : memref<!tpu.dma_semaphore, #tpu.memory_space<semaphore_mem>>) src(%arg10 : memref<448x128xf32, #tpu.memory_space<vmem>>) dst(%dma_wait3A_2027 : memref<448x128xf32, #tpu.memory_space<hbm>>)
    %dma_start3A_2028 = arith.constant 4928 : i32
    %dma_start3A_2029 = tpu.memref_slice %arg6[%dma_start3A_2028] : memref<5376xi32, #tpu.memory_space<vmem>> -> memref<448xi32, #tpu.memory_space<vmem>>
    %dma_start3A_2030 = arith.constant 0 : i32
    %dma_start3A_2031 = arith.constant 0 : i32
    %dma_start3A_2032 = tpu.memref_slice %arg3[%dma_start3A_2030, %dma_start3A_2031] : memref<100000x128xf32, #tpu.memory_space<hbm>> -> memref<100000x128xf32, #tpu.memory_space<hbm>>
    tpu.enqueue_indirect_dma source(%dma_start3A_2032 : memref<100000x128xf32, #tpu.memory_space<hbm>>) target(%arg10 : memref<448x128xf32, #tpu.memory_space<vmem>>) offsets(%dma_start3A_2029 : memref<448xi32, #tpu.memory_space<vmem>>) semaphore(%arg12 : memref<!tpu.dma_semaphore, #tpu.memory_space<semaphore_mem>>)
    %dma_wait3A_2033 = arith.constant 4480 : i32
    %dma_wait3A_2034 = tpu.memref_slice %arg6[%dma_wait3A_2033] : memref<5376xi32, #tpu.memory_space<vmem>> -> memref<448xi32, #tpu.memory_space<vmem>>
    %dma_wait3A_2035 = arith.constant 0 : i32
    %dma_wait3A_2036 = arith.constant 0 : i32
    %dma_wait3A_2037 = tpu.memref_slice %arg3[%dma_wait3A_2035, %dma_wait3A_2036] : memref<100000x128xf32, #tpu.memory_space<hbm>> -> memref<100000x128xf32, #tpu.memory_space<hbm>>
    tpu.wait_indirect_dma semaphore(%arg11 : memref<!tpu.dma_semaphore, #tpu.memory_space<semaphore_mem>>) src(%dma_wait3A_2037 : memref<100000x128xf32, #tpu.memory_space<hbm>>) dst(%arg9 : memref<448x128xf32, #tpu.memory_space<vmem>>)
    %add3A_2038 = arith.constant 3072 : i32
    %add3A_2039 = arith.addi %add3A_6, %add3A_2038 : i32
    %dma_start3A_2040 = arith.constant 0 : i32
    %dma_start3A_2041 = tpu.memref_slice %arg5[%add3A_2039, %dma_start3A_2040] : memref<204800x128xf32, #tpu.memory_space<hbm>> -> memref<448x128xf32, #tpu.memory_space<hbm>>
    %dma_start3A_2042 = arith.constant 0 : i32
    %dma_start3A_2043 = tpu.memref_slice %arg5[%add3A_2039, %dma_start3A_2042] : memref<204800x128xf32, #tpu.memory_space<hbm>> -> memref<448x128xf32, #tpu.memory_space<hbm>>
    tpu.enqueue_dma source(%arg9 : memref<448x128xf32, #tpu.memory_space<vmem>>) target(%dma_start3A_2043 : memref<448x128xf32, #tpu.memory_space<hbm>>) target_semaphore(%arg13 : memref<!tpu.dma_semaphore, #tpu.memory_space<semaphore_mem>>)
    %dma_wait3A_2044 = arith.constant 4928 : i32
    %dma_wait3A_2045 = tpu.memref_slice %arg6[%dma_wait3A_2044] : memref<5376xi32, #tpu.memory_space<vmem>> -> memref<448xi32, #tpu.memory_space<vmem>>
    %dma_wait3A_2046 = arith.constant 0 : i32
    %dma_wait3A_2047 = arith.constant 0 : i32
    %dma_wait3A_2048 = tpu.memref_slice %arg3[%dma_wait3A_2046, %dma_wait3A_2047] : memref<100000x128xf32, #tpu.memory_space<hbm>> -> memref<100000x128xf32, #tpu.memory_space<hbm>>
    tpu.wait_indirect_dma semaphore(%arg12 : memref<!tpu.dma_semaphore, #tpu.memory_space<semaphore_mem>>) src(%dma_wait3A_2048 : memref<100000x128xf32, #tpu.memory_space<hbm>>) dst(%arg10 : memref<448x128xf32, #tpu.memory_space<vmem>>)
    %add3A_2049 = arith.constant 3520 : i32
    %add3A_2050 = arith.addi %add3A_6, %add3A_2049 : i32
    %dma_start3A_2051 = arith.constant 0 : i32
    %dma_start3A_2052 = tpu.memref_slice %arg5[%add3A_2050, %dma_start3A_2051] : memref<204800x128xf32, #tpu.memory_space<hbm>> -> memref<448x128xf32, #tpu.memory_space<hbm>>
    %dma_start3A_2053 = arith.constant 0 : i32
    %dma_start3A_2054 = tpu.memref_slice %arg5[%add3A_2050, %dma_start3A_2053] : memref<204800x128xf32, #tpu.memory_space<hbm>> -> memref<448x128xf32, #tpu.memory_space<hbm>>
    tpu.enqueue_dma source(%arg10 : memref<448x128xf32, #tpu.memory_space<vmem>>) target(%dma_start3A_2054 : memref<448x128xf32, #tpu.memory_space<hbm>>) target_semaphore(%arg14 : memref<!tpu.dma_semaphore, #tpu.memory_space<semaphore_mem>>)
    %dma_wait3A_2055 = arith.constant 0 : i32
    %dma_wait3A_2056 = tpu.memref_slice %arg5[%add3A_2039, %dma_wait3A_2055] : memref<204800x128xf32, #tpu.memory_space<hbm>> -> memref<448x128xf32, #tpu.memory_space<hbm>>
    %dma_wait3A_2057 = arith.constant 0 : i32
    %dma_wait3A_2058 = tpu.memref_slice %arg5[%add3A_2039, %dma_wait3A_2057] : memref<204800x128xf32, #tpu.memory_space<hbm>> -> memref<448x128xf32, #tpu.memory_space<hbm>>
    tpu.wait_dma2 semaphore(%arg13 : memref<!tpu.dma_semaphore, #tpu.memory_space<semaphore_mem>>) src(%arg9 : memref<448x128xf32, #tpu.memory_space<vmem>>) dst(%dma_wait3A_2058 : memref<448x128xf32, #tpu.memory_space<hbm>>)
    %dma_wait3A_2059 = arith.constant 0 : i32
    %dma_wait3A_2060 = tpu.memref_slice %arg5[%add3A_2050, %dma_wait3A_2059] : memref<204800x128xf32, #tpu.memory_space<hbm>> -> memref<448x128xf32, #tpu.memory_space<hbm>>
    %dma_wait3A_2061 = arith.constant 0 : i32
    %dma_wait3A_2062 = tpu.memref_slice %arg5[%add3A_2050, %dma_wait3A_2061] : memref<204800x128xf32, #tpu.memory_space<hbm>> -> memref<448x128xf32, #tpu.memory_space<hbm>>
    tpu.wait_dma2 semaphore(%arg14 : memref<!tpu.dma_semaphore, #tpu.memory_space<semaphore_mem>>) src(%arg10 : memref<448x128xf32, #tpu.memory_space<vmem>>) dst(%dma_wait3A_2062 : memref<448x128xf32, #tpu.memory_space<hbm>>)
    %dma_wait3A_2063 = arith.constant 0 : i32
    %dma_wait3A_2064 = tpu.memref_slice %arg5[%add3A_1602, %dma_wait3A_2063] : memref<204800x128xf32, #tpu.memory_space<hbm>> -> memref<32x128xf32, #tpu.memory_space<hbm>>
    %dma_wait3A_2065 = arith.constant 0 : i32
    %dma_wait3A_2066 = tpu.memref_slice %arg5[%add3A_1602, %dma_wait3A_2065] : memref<204800x128xf32, #tpu.memory_space<hbm>> -> memref<32x128xf32, #tpu.memory_space<hbm>>
    tpu.wait_dma2 semaphore(%arg15 : memref<!tpu.dma_semaphore, #tpu.memory_space<semaphore_mem>>) src(%arg7 : memref<32x128xf32, #tpu.memory_space<vmem>>) dst(%dma_wait3A_2066 : memref<32x128xf32, #tpu.memory_space<hbm>>)
    %dma_wait3A_2067 = arith.constant 0 : i32
    %dma_wait3A_2068 = tpu.memref_slice %arg5[%add3A_1607, %dma_wait3A_2067] : memref<204800x128xf32, #tpu.memory_space<hbm>> -> memref<32x128xf32, #tpu.memory_space<hbm>>
    %dma_wait3A_2069 = arith.constant 0 : i32
    %dma_wait3A_2070 = tpu.memref_slice %arg5[%add3A_1607, %dma_wait3A_2069] : memref<204800x128xf32, #tpu.memory_space<hbm>> -> memref<32x128xf32, #tpu.memory_space<hbm>>
    tpu.wait_dma2 semaphore(%arg15 : memref<!tpu.dma_semaphore, #tpu.memory_space<semaphore_mem>>) src(%arg7 : memref<32x128xf32, #tpu.memory_space<vmem>>) dst(%dma_wait3A_2070 : memref<32x128xf32, #tpu.memory_space<hbm>>)
    %dma_wait3A_2071 = arith.constant 0 : i32
    %dma_wait3A_2072 = tpu.memref_slice %arg5[%add3A_1613, %dma_wait3A_2071] : memref<204800x128xf32, #tpu.memory_space<hbm>> -> memref<32x128xf32, #tpu.memory_space<hbm>>
    %dma_wait3A_2073 = arith.constant 0 : i32
    %dma_wait3A_2074 = tpu.memref_slice %arg5[%add3A_1613, %dma_wait3A_2073] : memref<204800x128xf32, #tpu.memory_space<hbm>> -> memref<32x128xf32, #tpu.memory_space<hbm>>
    tpu.wait_dma2 semaphore(%arg15 : memref<!tpu.dma_semaphore, #tpu.memory_space<semaphore_mem>>) src(%arg7 : memref<32x128xf32, #tpu.memory_space<vmem>>) dst(%dma_wait3A_2074 : memref<32x128xf32, #tpu.memory_space<hbm>>)
    %dma_wait3A_2075 = arith.constant 0 : i32
    %dma_wait3A_2076 = tpu.memref_slice %arg5[%add3A_1619, %dma_wait3A_2075] : memref<204800x128xf32, #tpu.memory_space<hbm>> -> memref<32x128xf32, #tpu.memory_space<hbm>>
    %dma_wait3A_2077 = arith.constant 0 : i32
    %dma_wait3A_2078 = tpu.memref_slice %arg5[%add3A_1619, %dma_wait3A_2077] : memref<204800x128xf32, #tpu.memory_space<hbm>> -> memref<32x128xf32, #tpu.memory_space<hbm>>
    tpu.wait_dma2 semaphore(%arg15 : memref<!tpu.dma_semaphore, #tpu.memory_space<semaphore_mem>>) src(%arg7 : memref<32x128xf32, #tpu.memory_space<vmem>>) dst(%dma_wait3A_2078 : memref<32x128xf32, #tpu.memory_space<hbm>>)
    %dma_wait3A_2079 = arith.constant 0 : i32
    %dma_wait3A_2080 = tpu.memref_slice %arg5[%add3A_1625, %dma_wait3A_2079] : memref<204800x128xf32, #tpu.memory_space<hbm>> -> memref<32x128xf32, #tpu.memory_space<hbm>>
    %dma_wait3A_2081 = arith.constant 0 : i32
    %dma_wait3A_2082 = tpu.memref_slice %arg5[%add3A_1625, %dma_wait3A_2081] : memref<204800x128xf32, #tpu.memory_space<hbm>> -> memref<32x128xf32, #tpu.memory_space<hbm>>
    tpu.wait_dma2 semaphore(%arg15 : memref<!tpu.dma_semaphore, #tpu.memory_space<semaphore_mem>>) src(%arg7 : memref<32x128xf32, #tpu.memory_space<vmem>>) dst(%dma_wait3A_2082 : memref<32x128xf32, #tpu.memory_space<hbm>>)
    %dma_wait3A_2083 = arith.constant 0 : i32
    %dma_wait3A_2084 = tpu.memref_slice %arg5[%add3A_1631, %dma_wait3A_2083] : memref<204800x128xf32, #tpu.memory_space<hbm>> -> memref<32x128xf32, #tpu.memory_space<hbm>>
    %dma_wait3A_2085 = arith.constant 0 : i32
    %dma_wait3A_2086 = tpu.memref_slice %arg5[%add3A_1631, %dma_wait3A_2085] : memref<204800x128xf32, #tpu.memory_space<hbm>> -> memref<32x128xf32, #tpu.memory_space<hbm>>
    tpu.wait_dma2 semaphore(%arg15 : memref<!tpu.dma_semaphore, #tpu.memory_space<semaphore_mem>>) src(%arg7 : memref<32x128xf32, #tpu.memory_space<vmem>>) dst(%dma_wait3A_2086 : memref<32x128xf32, #tpu.memory_space<hbm>>)
    %dma_wait3A_2087 = arith.constant 0 : i32
    %dma_wait3A_2088 = tpu.memref_slice %arg5[%add3A_1637, %dma_wait3A_2087] : memref<204800x128xf32, #tpu.memory_space<hbm>> -> memref<32x128xf32, #tpu.memory_space<hbm>>
    %dma_wait3A_2089 = arith.constant 0 : i32
    %dma_wait3A_2090 = tpu.memref_slice %arg5[%add3A_1637, %dma_wait3A_2089] : memref<204800x128xf32, #tpu.memory_space<hbm>> -> memref<32x128xf32, #tpu.memory_space<hbm>>
    tpu.wait_dma2 semaphore(%arg15 : memref<!tpu.dma_semaphore, #tpu.memory_space<semaphore_mem>>) src(%arg7 : memref<32x128xf32, #tpu.memory_space<vmem>>) dst(%dma_wait3A_2090 : memref<32x128xf32, #tpu.memory_space<hbm>>)
    %dma_wait3A_2091 = arith.constant 0 : i32
    %dma_wait3A_2092 = tpu.memref_slice %arg5[%add3A_1643, %dma_wait3A_2091] : memref<204800x128xf32, #tpu.memory_space<hbm>> -> memref<32x128xf32, #tpu.memory_space<hbm>>
    %dma_wait3A_2093 = arith.constant 0 : i32
    %dma_wait3A_2094 = tpu.memref_slice %arg5[%add3A_1643, %dma_wait3A_2093] : memref<204800x128xf32, #tpu.memory_space<hbm>> -> memref<32x128xf32, #tpu.memory_space<hbm>>
    tpu.wait_dma2 semaphore(%arg15 : memref<!tpu.dma_semaphore, #tpu.memory_space<semaphore_mem>>) src(%arg7 : memref<32x128xf32, #tpu.memory_space<vmem>>) dst(%dma_wait3A_2094 : memref<32x128xf32, #tpu.memory_space<hbm>>)
    %dma_wait3A_2095 = arith.constant 0 : i32
    %dma_wait3A_2096 = tpu.memref_slice %arg5[%add3A_1649, %dma_wait3A_2095] : memref<204800x128xf32, #tpu.memory_space<hbm>> -> memref<32x128xf32, #tpu.memory_space<hbm>>
    %dma_wait3A_2097 = arith.constant 0 : i32
    %dma_wait3A_2098 = tpu.memref_slice %arg5[%add3A_1649, %dma_wait3A_2097] : memref<204800x128xf32, #tpu.memory_space<hbm>> -> memref<32x128xf32, #tpu.memory_space<hbm>>
    tpu.wait_dma2 semaphore(%arg15 : memref<!tpu.dma_semaphore, #tpu.memory_space<semaphore_mem>>) src(%arg7 : memref<32x128xf32, #tpu.memory_space<vmem>>) dst(%dma_wait3A_2098 : memref<32x128xf32, #tpu.memory_space<hbm>>)
    %dma_wait3A_2099 = arith.constant 0 : i32
    %dma_wait3A_2100 = tpu.memref_slice %arg5[%add3A_1655, %dma_wait3A_2099] : memref<204800x128xf32, #tpu.memory_space<hbm>> -> memref<32x128xf32, #tpu.memory_space<hbm>>
    %dma_wait3A_2101 = arith.constant 0 : i32
    %dma_wait3A_2102 = tpu.memref_slice %arg5[%add3A_1655, %dma_wait3A_2101] : memref<204800x128xf32, #tpu.memory_space<hbm>> -> memref<32x128xf32, #tpu.memory_space<hbm>>
    tpu.wait_dma2 semaphore(%arg15 : memref<!tpu.dma_semaphore, #tpu.memory_space<semaphore_mem>>) src(%arg7 : memref<32x128xf32, #tpu.memory_space<vmem>>) dst(%dma_wait3A_2102 : memref<32x128xf32, #tpu.memory_space<hbm>>)
    %dma_wait3A_2103 = arith.constant 0 : i32
    %dma_wait3A_2104 = tpu.memref_slice %arg5[%add3A_1661, %dma_wait3A_2103] : memref<204800x128xf32, #tpu.memory_space<hbm>> -> memref<32x128xf32, #tpu.memory_space<hbm>>
    %dma_wait3A_2105 = arith.constant 0 : i32
    %dma_wait3A_2106 = tpu.memref_slice %arg5[%add3A_1661, %dma_wait3A_2105] : memref<204800x128xf32, #tpu.memory_space<hbm>> -> memref<32x128xf32, #tpu.memory_space<hbm>>
    tpu.wait_dma2 semaphore(%arg15 : memref<!tpu.dma_semaphore, #tpu.memory_space<semaphore_mem>>) src(%arg7 : memref<32x128xf32, #tpu.memory_space<vmem>>) dst(%dma_wait3A_2106 : memref<32x128xf32, #tpu.memory_space<hbm>>)
    %dma_wait3A_2107 = arith.constant 0 : i32
    %dma_wait3A_2108 = tpu.memref_slice %arg5[%add3A_1667, %dma_wait3A_2107] : memref<204800x128xf32, #tpu.memory_space<hbm>> -> memref<32x128xf32, #tpu.memory_space<hbm>>
    %dma_wait3A_2109 = arith.constant 0 : i32
    %dma_wait3A_2110 = tpu.memref_slice %arg5[%add3A_1667, %dma_wait3A_2109] : memref<204800x128xf32, #tpu.memory_space<hbm>> -> memref<32x128xf32, #tpu.memory_space<hbm>>
    tpu.wait_dma2 semaphore(%arg15 : memref<!tpu.dma_semaphore, #tpu.memory_space<semaphore_mem>>) src(%arg7 : memref<32x128xf32, #tpu.memory_space<vmem>>) dst(%dma_wait3A_2110 : memref<32x128xf32, #tpu.memory_space<hbm>>)
    %dma_wait3A_2111 = arith.constant 0 : i32
    %dma_wait3A_2112 = tpu.memref_slice %arg5[%add3A_1673, %dma_wait3A_2111] : memref<204800x128xf32, #tpu.memory_space<hbm>> -> memref<32x128xf32, #tpu.memory_space<hbm>>
    %dma_wait3A_2113 = arith.constant 0 : i32
    %dma_wait3A_2114 = tpu.memref_slice %arg5[%add3A_1673, %dma_wait3A_2113] : memref<204800x128xf32, #tpu.memory_space<hbm>> -> memref<32x128xf32, #tpu.memory_space<hbm>>
    tpu.wait_dma2 semaphore(%arg15 : memref<!tpu.dma_semaphore, #tpu.memory_space<semaphore_mem>>) src(%arg7 : memref<32x128xf32, #tpu.memory_space<vmem>>) dst(%dma_wait3A_2114 : memref<32x128xf32, #tpu.memory_space<hbm>>)
    %dma_wait3A_2115 = arith.constant 0 : i32
    %dma_wait3A_2116 = tpu.memref_slice %arg5[%add3A_1679, %dma_wait3A_2115] : memref<204800x128xf32, #tpu.memory_space<hbm>> -> memref<32x128xf32, #tpu.memory_space<hbm>>
    %dma_wait3A_2117 = arith.constant 0 : i32
    %dma_wait3A_2118 = tpu.memref_slice %arg5[%add3A_1679, %dma_wait3A_2117] : memref<204800x128xf32, #tpu.memory_space<hbm>> -> memref<32x128xf32, #tpu.memory_space<hbm>>
    tpu.wait_dma2 semaphore(%arg15 : memref<!tpu.dma_semaphore, #tpu.memory_space<semaphore_mem>>) src(%arg7 : memref<32x128xf32, #tpu.memory_space<vmem>>) dst(%dma_wait3A_2118 : memref<32x128xf32, #tpu.memory_space<hbm>>)
    %dma_wait3A_2119 = arith.constant 0 : i32
    %dma_wait3A_2120 = tpu.memref_slice %arg5[%add3A_1685, %dma_wait3A_2119] : memref<204800x128xf32, #tpu.memory_space<hbm>> -> memref<32x128xf32, #tpu.memory_space<hbm>>
    %dma_wait3A_2121 = arith.constant 0 : i32
    %dma_wait3A_2122 = tpu.memref_slice %arg5[%add3A_1685, %dma_wait3A_2121] : memref<204800x128xf32, #tpu.memory_space<hbm>> -> memref<32x128xf32, #tpu.memory_space<hbm>>
    tpu.wait_dma2 semaphore(%arg15 : memref<!tpu.dma_semaphore, #tpu.memory_space<semaphore_mem>>) src(%arg7 : memref<32x128xf32, #tpu.memory_space<vmem>>) dst(%dma_wait3A_2122 : memref<32x128xf32, #tpu.memory_space<hbm>>)
    %dma_wait3A_2123 = arith.constant 0 : i32
    %dma_wait3A_2124 = tpu.memref_slice %arg5[%add3A_1691, %dma_wait3A_2123] : memref<204800x128xf32, #tpu.memory_space<hbm>> -> memref<32x128xf32, #tpu.memory_space<hbm>>
    %dma_wait3A_2125 = arith.constant 0 : i32
    %dma_wait3A_2126 = tpu.memref_slice %arg5[%add3A_1691, %dma_wait3A_2125] : memref<204800x128xf32, #tpu.memory_space<hbm>> -> memref<32x128xf32, #tpu.memory_space<hbm>>
    tpu.wait_dma2 semaphore(%arg15 : memref<!tpu.dma_semaphore, #tpu.memory_space<semaphore_mem>>) src(%arg7 : memref<32x128xf32, #tpu.memory_space<vmem>>) dst(%dma_wait3A_2126 : memref<32x128xf32, #tpu.memory_space<hbm>>)
    %dma_wait3A_2127 = arith.constant 0 : i32
    %dma_wait3A_2128 = tpu.memref_slice %arg5[%add3A_1697, %dma_wait3A_2127] : memref<204800x128xf32, #tpu.memory_space<hbm>> -> memref<32x128xf32, #tpu.memory_space<hbm>>
    %dma_wait3A_2129 = arith.constant 0 : i32
    %dma_wait3A_2130 = tpu.memref_slice %arg5[%add3A_1697, %dma_wait3A_2129] : memref<204800x128xf32, #tpu.memory_space<hbm>> -> memref<32x128xf32, #tpu.memory_space<hbm>>
    tpu.wait_dma2 semaphore(%arg15 : memref<!tpu.dma_semaphore, #tpu.memory_space<semaphore_mem>>) src(%arg7 : memref<32x128xf32, #tpu.memory_space<vmem>>) dst(%dma_wait3A_2130 : memref<32x128xf32, #tpu.memory_space<hbm>>)
    %dma_wait3A_2131 = arith.constant 0 : i32
    %dma_wait3A_2132 = tpu.memref_slice %arg5[%add3A_1703, %dma_wait3A_2131] : memref<204800x128xf32, #tpu.memory_space<hbm>> -> memref<32x128xf32, #tpu.memory_space<hbm>>
    %dma_wait3A_2133 = arith.constant 0 : i32
    %dma_wait3A_2134 = tpu.memref_slice %arg5[%add3A_1703, %dma_wait3A_2133] : memref<204800x128xf32, #tpu.memory_space<hbm>> -> memref<32x128xf32, #tpu.memory_space<hbm>>
    tpu.wait_dma2 semaphore(%arg15 : memref<!tpu.dma_semaphore, #tpu.memory_space<semaphore_mem>>) src(%arg7 : memref<32x128xf32, #tpu.memory_space<vmem>>) dst(%dma_wait3A_2134 : memref<32x128xf32, #tpu.memory_space<hbm>>)
    %dma_wait3A_2135 = arith.constant 0 : i32
    %dma_wait3A_2136 = tpu.memref_slice %arg5[%add3A_1709, %dma_wait3A_2135] : memref<204800x128xf32, #tpu.memory_space<hbm>> -> memref<32x128xf32, #tpu.memory_space<hbm>>
    %dma_wait3A_2137 = arith.constant 0 : i32
    %dma_wait3A_2138 = tpu.memref_slice %arg5[%add3A_1709, %dma_wait3A_2137] : memref<204800x128xf32, #tpu.memory_space<hbm>> -> memref<32x128xf32, #tpu.memory_space<hbm>>
    tpu.wait_dma2 semaphore(%arg15 : memref<!tpu.dma_semaphore, #tpu.memory_space<semaphore_mem>>) src(%arg7 : memref<32x128xf32, #tpu.memory_space<vmem>>) dst(%dma_wait3A_2138 : memref<32x128xf32, #tpu.memory_space<hbm>>)
    %dma_wait3A_2139 = arith.constant 0 : i32
    %dma_wait3A_2140 = tpu.memref_slice %arg5[%add3A_1715, %dma_wait3A_2139] : memref<204800x128xf32, #tpu.memory_space<hbm>> -> memref<32x128xf32, #tpu.memory_space<hbm>>
    %dma_wait3A_2141 = arith.constant 0 : i32
    %dma_wait3A_2142 = tpu.memref_slice %arg5[%add3A_1715, %dma_wait3A_2141] : memref<204800x128xf32, #tpu.memory_space<hbm>> -> memref<32x128xf32, #tpu.memory_space<hbm>>
    tpu.wait_dma2 semaphore(%arg15 : memref<!tpu.dma_semaphore, #tpu.memory_space<semaphore_mem>>) src(%arg7 : memref<32x128xf32, #tpu.memory_space<vmem>>) dst(%dma_wait3A_2142 : memref<32x128xf32, #tpu.memory_space<hbm>>)
    %dma_wait3A_2143 = arith.constant 0 : i32
    %dma_wait3A_2144 = tpu.memref_slice %arg5[%add3A_1721, %dma_wait3A_2143] : memref<204800x128xf32, #tpu.memory_space<hbm>> -> memref<32x128xf32, #tpu.memory_space<hbm>>
    %dma_wait3A_2145 = arith.constant 0 : i32
    %dma_wait3A_2146 = tpu.memref_slice %arg5[%add3A_1721, %dma_wait3A_2145] : memref<204800x128xf32, #tpu.memory_space<hbm>> -> memref<32x128xf32, #tpu.memory_space<hbm>>
    tpu.wait_dma2 semaphore(%arg15 : memref<!tpu.dma_semaphore, #tpu.memory_space<semaphore_mem>>) src(%arg7 : memref<32x128xf32, #tpu.memory_space<vmem>>) dst(%dma_wait3A_2146 : memref<32x128xf32, #tpu.memory_space<hbm>>)
    %dma_wait3A_2147 = arith.constant 0 : i32
    %dma_wait3A_2148 = tpu.memref_slice %arg5[%add3A_1727, %dma_wait3A_2147] : memref<204800x128xf32, #tpu.memory_space<hbm>> -> memref<32x128xf32, #tpu.memory_space<hbm>>
    %dma_wait3A_2149 = arith.constant 0 : i32
    %dma_wait3A_2150 = tpu.memref_slice %arg5[%add3A_1727, %dma_wait3A_2149] : memref<204800x128xf32, #tpu.memory_space<hbm>> -> memref<32x128xf32, #tpu.memory_space<hbm>>
    tpu.wait_dma2 semaphore(%arg15 : memref<!tpu.dma_semaphore, #tpu.memory_space<semaphore_mem>>) src(%arg7 : memref<32x128xf32, #tpu.memory_space<vmem>>) dst(%dma_wait3A_2150 : memref<32x128xf32, #tpu.memory_space<hbm>>)
    %dma_wait3A_2151 = arith.constant 0 : i32
    %dma_wait3A_2152 = tpu.memref_slice %arg5[%add3A_1733, %dma_wait3A_2151] : memref<204800x128xf32, #tpu.memory_space<hbm>> -> memref<32x128xf32, #tpu.memory_space<hbm>>
    %dma_wait3A_2153 = arith.constant 0 : i32
    %dma_wait3A_2154 = tpu.memref_slice %arg5[%add3A_1733, %dma_wait3A_2153] : memref<204800x128xf32, #tpu.memory_space<hbm>> -> memref<32x128xf32, #tpu.memory_space<hbm>>
    tpu.wait_dma2 semaphore(%arg15 : memref<!tpu.dma_semaphore, #tpu.memory_space<semaphore_mem>>) src(%arg7 : memref<32x128xf32, #tpu.memory_space<vmem>>) dst(%dma_wait3A_2154 : memref<32x128xf32, #tpu.memory_space<hbm>>)
    %dma_wait3A_2155 = arith.constant 0 : i32
    %dma_wait3A_2156 = tpu.memref_slice %arg5[%add3A_1739, %dma_wait3A_2155] : memref<204800x128xf32, #tpu.memory_space<hbm>> -> memref<32x128xf32, #tpu.memory_space<hbm>>
    %dma_wait3A_2157 = arith.constant 0 : i32
    %dma_wait3A_2158 = tpu.memref_slice %arg5[%add3A_1739, %dma_wait3A_2157] : memref<204800x128xf32, #tpu.memory_space<hbm>> -> memref<32x128xf32, #tpu.memory_space<hbm>>
    tpu.wait_dma2 semaphore(%arg15 : memref<!tpu.dma_semaphore, #tpu.memory_space<semaphore_mem>>) src(%arg7 : memref<32x128xf32, #tpu.memory_space<vmem>>) dst(%dma_wait3A_2158 : memref<32x128xf32, #tpu.memory_space<hbm>>)
    %dma_wait3A_2159 = arith.constant 0 : i32
    %dma_wait3A_2160 = tpu.memref_slice %arg5[%add3A_1745, %dma_wait3A_2159] : memref<204800x128xf32, #tpu.memory_space<hbm>> -> memref<32x128xf32, #tpu.memory_space<hbm>>
    %dma_wait3A_2161 = arith.constant 0 : i32
    %dma_wait3A_2162 = tpu.memref_slice %arg5[%add3A_1745, %dma_wait3A_2161] : memref<204800x128xf32, #tpu.memory_space<hbm>> -> memref<32x128xf32, #tpu.memory_space<hbm>>
    tpu.wait_dma2 semaphore(%arg15 : memref<!tpu.dma_semaphore, #tpu.memory_space<semaphore_mem>>) src(%arg7 : memref<32x128xf32, #tpu.memory_space<vmem>>) dst(%dma_wait3A_2162 : memref<32x128xf32, #tpu.memory_space<hbm>>)
    %dma_wait3A_2163 = arith.constant 0 : i32
    %dma_wait3A_2164 = tpu.memref_slice %arg5[%add3A_1751, %dma_wait3A_2163] : memref<204800x128xf32, #tpu.memory_space<hbm>> -> memref<32x128xf32, #tpu.memory_space<hbm>>
    %dma_wait3A_2165 = arith.constant 0 : i32
    %dma_wait3A_2166 = tpu.memref_slice %arg5[%add3A_1751, %dma_wait3A_2165] : memref<204800x128xf32, #tpu.memory_space<hbm>> -> memref<32x128xf32, #tpu.memory_space<hbm>>
    tpu.wait_dma2 semaphore(%arg15 : memref<!tpu.dma_semaphore, #tpu.memory_space<semaphore_mem>>) src(%arg7 : memref<32x128xf32, #tpu.memory_space<vmem>>) dst(%dma_wait3A_2166 : memref<32x128xf32, #tpu.memory_space<hbm>>)
    %dma_wait3A_2167 = arith.constant 0 : i32
    %dma_wait3A_2168 = tpu.memref_slice %arg5[%add3A_1757, %dma_wait3A_2167] : memref<204800x128xf32, #tpu.memory_space<hbm>> -> memref<32x128xf32, #tpu.memory_space<hbm>>
    %dma_wait3A_2169 = arith.constant 0 : i32
    %dma_wait3A_2170 = tpu.memref_slice %arg5[%add3A_1757, %dma_wait3A_2169] : memref<204800x128xf32, #tpu.memory_space<hbm>> -> memref<32x128xf32, #tpu.memory_space<hbm>>
    tpu.wait_dma2 semaphore(%arg15 : memref<!tpu.dma_semaphore, #tpu.memory_space<semaphore_mem>>) src(%arg7 : memref<32x128xf32, #tpu.memory_space<vmem>>) dst(%dma_wait3A_2170 : memref<32x128xf32, #tpu.memory_space<hbm>>)
    %dma_wait3A_2171 = arith.constant 0 : i32
    %dma_wait3A_2172 = tpu.memref_slice %arg5[%add3A_1763, %dma_wait3A_2171] : memref<204800x128xf32, #tpu.memory_space<hbm>> -> memref<32x128xf32, #tpu.memory_space<hbm>>
    %dma_wait3A_2173 = arith.constant 0 : i32
    %dma_wait3A_2174 = tpu.memref_slice %arg5[%add3A_1763, %dma_wait3A_2173] : memref<204800x128xf32, #tpu.memory_space<hbm>> -> memref<32x128xf32, #tpu.memory_space<hbm>>
    tpu.wait_dma2 semaphore(%arg15 : memref<!tpu.dma_semaphore, #tpu.memory_space<semaphore_mem>>) src(%arg7 : memref<32x128xf32, #tpu.memory_space<vmem>>) dst(%dma_wait3A_2174 : memref<32x128xf32, #tpu.memory_space<hbm>>)
    %dma_wait3A_2175 = arith.constant 0 : i32
    %dma_wait3A_2176 = tpu.memref_slice %arg5[%add3A_1769, %dma_wait3A_2175] : memref<204800x128xf32, #tpu.memory_space<hbm>> -> memref<32x128xf32, #tpu.memory_space<hbm>>
    %dma_wait3A_2177 = arith.constant 0 : i32
    %dma_wait3A_2178 = tpu.memref_slice %arg5[%add3A_1769, %dma_wait3A_2177] : memref<204800x128xf32, #tpu.memory_space<hbm>> -> memref<32x128xf32, #tpu.memory_space<hbm>>
    tpu.wait_dma2 semaphore(%arg15 : memref<!tpu.dma_semaphore, #tpu.memory_space<semaphore_mem>>) src(%arg7 : memref<32x128xf32, #tpu.memory_space<vmem>>) dst(%dma_wait3A_2178 : memref<32x128xf32, #tpu.memory_space<hbm>>)
    %dma_wait3A_2179 = arith.constant 0 : i32
    %dma_wait3A_2180 = tpu.memref_slice %arg5[%add3A_1775, %dma_wait3A_2179] : memref<204800x128xf32, #tpu.memory_space<hbm>> -> memref<32x128xf32, #tpu.memory_space<hbm>>
    %dma_wait3A_2181 = arith.constant 0 : i32
    %dma_wait3A_2182 = tpu.memref_slice %arg5[%add3A_1775, %dma_wait3A_2181] : memref<204800x128xf32, #tpu.memory_space<hbm>> -> memref<32x128xf32, #tpu.memory_space<hbm>>
    tpu.wait_dma2 semaphore(%arg15 : memref<!tpu.dma_semaphore, #tpu.memory_space<semaphore_mem>>) src(%arg7 : memref<32x128xf32, #tpu.memory_space<vmem>>) dst(%dma_wait3A_2182 : memref<32x128xf32, #tpu.memory_space<hbm>>)
    %dma_wait3A_2183 = arith.constant 0 : i32
    %dma_wait3A_2184 = tpu.memref_slice %arg5[%add3A_1781, %dma_wait3A_2183] : memref<204800x128xf32, #tpu.memory_space<hbm>> -> memref<32x128xf32, #tpu.memory_space<hbm>>
    %dma_wait3A_2185 = arith.constant 0 : i32
    %dma_wait3A_2186 = tpu.memref_slice %arg5[%add3A_1781, %dma_wait3A_2185] : memref<204800x128xf32, #tpu.memory_space<hbm>> -> memref<32x128xf32, #tpu.memory_space<hbm>>
    tpu.wait_dma2 semaphore(%arg15 : memref<!tpu.dma_semaphore, #tpu.memory_space<semaphore_mem>>) src(%arg7 : memref<32x128xf32, #tpu.memory_space<vmem>>) dst(%dma_wait3A_2186 : memref<32x128xf32, #tpu.memory_space<hbm>>)
    %dma_wait3A_2187 = arith.constant 0 : i32
    %dma_wait3A_2188 = tpu.memref_slice %arg5[%add3A_1787, %dma_wait3A_2187] : memref<204800x128xf32, #tpu.memory_space<hbm>> -> memref<32x128xf32, #tpu.memory_space<hbm>>
    %dma_wait3A_2189 = arith.constant 0 : i32
    %dma_wait3A_2190 = tpu.memref_slice %arg5[%add3A_1787, %dma_wait3A_2189] : memref<204800x128xf32, #tpu.memory_space<hbm>> -> memref<32x128xf32, #tpu.memory_space<hbm>>
    tpu.wait_dma2 semaphore(%arg15 : memref<!tpu.dma_semaphore, #tpu.memory_space<semaphore_mem>>) src(%arg7 : memref<32x128xf32, #tpu.memory_space<vmem>>) dst(%dma_wait3A_2190 : memref<32x128xf32, #tpu.memory_space<hbm>>)
    return
  }
}

</mosaic_0001>

<sc_bundles>
// kernel: kernel.3.cloned.1.call-start
scs
__scs_entry_jumppad:
0x0: {  	(pc) =	sbr.rel $0x88, $3  }
0x1: {  	(tag) =	ssettag $0x0;
	lr =	simm.s32 $0x1  }
0x2: {  	[smem:$0x3F9E] =	sst lr;
	_ =	strace $0xD0000000  }
0x3: {  	_ = 	snop  }
0x4: {  	_ = 	snop  }
0x5: {  	_ = 	snop  }
0x6: {  	_ = 	snop  }
0x7: {  	_ = 	snop  }
__scs_overlays_trampoline_lowered:
0x8: {  	[smem:$0x3FAD] =	sst s0  }
0x9: {  	[smem:$0x3FAE] =	sst s1  }
0xa: {  	[smem:$0x3FAF] =	sst s2  }
0xb: {  	[smem:$0x3FB0] =	sst s3  }
0xc: {  	[smem:$0x3FB1] =	sst s4  }
0xd: {  	[smem:$0x3FB2] =	sst s5  }
0xe: {  	[smem:$0x3FB3] =	sst s6  }
0xf: {  	[smem:$0x3FB4] =	sst s7  }
0x10: {  	[smem:$0x3FB5] =	sst s8  }
0x11: {  	[smem:$0x3FB6] =	sst s9;
	s0 =	simm.s32 @!p0 $0x0  }
0x12: {  	s1 =	sld [smem:$0x3F9C];
	s0 =	simm.s32 @p0 $0x1  }
0x13: {  	[smem:$0x3FB7] =	sst s0;
	s0 =	simm.s32 @!p1 $0x0  }
0x14: {  	s2 =	sld [smem:$0x3F9B];
	s0 =	simm.s32 @p1 $0x1  }
0x15: {  	[smem:$0x3FB8] =	sst s0;
	s0 =	simm.s32 @!p2 $0x0  }
0x16: {  	s3 =	sld [smem:$0x3FDB];
	s0 =	simm.s32 @p2 $0x1  }
0x17: {  	s4 =	simm.s32 $0x1BF5;
	[smem:$0x3FBA] =	sst s0  }
0x18: {  	s0 =	sld [smem:$0x3F9D];
	_ =	swait.ge [sflag:s4], $0x0  }
0x19: {  	s7 =	sld [smem:$0x3F9E]  }
0x1a: {  	s8 =	sadd.s32 $0xFFFFE003, lr  }
0x1b: {  	s9 =	sadd.s32 $0xFFFFFEF7, lr;
	s5 =	simm.s32 $0xFFFFFFFF;
	p2 =	slt.u32 s8, $0xFFFFF086  }
0x1c: {  	p1 =	slt.u32 s9, $0xF7A;
	s5 =	simm.s32 @!p2 $0x0  }
0x1d: {  	s5 =	simm.s32 @p1 $0x1;
	p0 =	seq.s32 s7, s2  }
0x1e: {  	s7 =	smul.u32 @!p0 $0xF7A, s2;
	p2 =	seq.s32 @!p0 s5, $0x0  }
0x1f: {  	s9 =	smul.u32 $0xF7A, s1;
	s8 =	simm.s32 @!p0 $0x1BF5;
	p2 =	por !p2, p0  }
0x20: {  	[sflag:s8] =	ssyncset.s32 @!p0 $0xFFFFF086;
	s6 =	sadd.s32 @!p0 s3, s7;
	s7 =	simm.s32 @!p0 $0x108  }
0x21: {  	s3 =	sadd.s32 s3, s9;
	s6 =	sadd.s32 @!p0 $0x88, s6;
	s7 =	simm.s32 @p2 $0x1082  }
0x22: {  	[simem:s7], [sflag:s8] =	dma.local @!p0 [hbm:s6], $0xF7A  }
0x23: {  	s9 =	sor.u32 $0xD0000000, s2;
	s6 =	simm.s32 $0x108;
	_ =	swait.ge @!p0 [sflag:s8], $0x0  }
0x24: {  	s3 =	sadd.s32 $0x88, s3;
	s6 =	simm.s32 @!p1 $0x1082;
	[sflag:s4] =	ssyncset.s32 $0xFFFFF086  }
0x25: {  	[simem:s6], [sflag:s4] =	dma.local [hbm:s3], $0xF7A  }
0x26: {  	[smem:$0x3F9E] =	sst s1;
	(tag) =	ssettag s2;
	_ =	strace s9  }
0x27: {  	s1 =	sld [smem:$0x3FAE]  }
0x28: {  	s2 =	sld [smem:$0x3FAF]  }
0x29: {  	s4 =	sld [smem:$0x3FB1]  }
0x2a: {  	p0 =	seq.s32 s5, $0x0;
	s5 =	sld [smem:$0x3FB2]  }
0x2b: {  	s6 =	sld [smem:$0x3FB3]  }
0x2c: {  	s7 =	sld [smem:$0x3FB4]  }
0x2d: {  	s3 =	simm.s32 $0x108;
	s8 =	sld [smem:$0x3FB5]  }
0x2e: {  	s3 =	simm.s32 @!p0 $0x1082;
	s9 =	sld [smem:$0x3FB6]  }
0x2f: {  	lr =	sadd.s32 s0, s3;
	s0 =	sld [smem:$0x3FAD]  }
0x30: {  	s3 =	sld [smem:$0x3FB0]  }
0x31: {  	[smem:$0x3FB9] =	sst s10  }
0x32: {  	s10 =	sld [smem:$0x3FB7];
	_ =	sdelay $0x3  }
0x33: {  	p0 =	seq.s32 s10, $0x1;
	s10 =	sld [smem:$0x3FB9];
	_ =	sdelay $0x3  }
0x34: {  	[smem:$0x3FB9] =	sst s10  }
0x35: {  	s10 =	sld [smem:$0x3FB8];
	_ =	sdelay $0x3  }
0x36: {  	p1 =	seq.s32 s10, $0x1;
	s10 =	sld [smem:$0x3FB9];
	_ =	sdelay $0x3  }
0x37: {  	[smem:$0x3FB9] =	sst s10  }
0x38: {  	s10 =	sld [smem:$0x3FBA]  }
0x39: {  	_ = 	snop;
	(pc) =	sbr.ind lr, $3  }
0x3a: {  	_ = 	snop  }
0x3b: {  	_ = 	snop  }
0x3c: {  	p2 =	seq.s32 s10, $0x1;
	s10 =	sld [smem:$0x3FB9]  }
0x3d: {  	_ =	shalt  }
0x3e: {  	_ =	shalt  }
0x3f: {  	_ =	shalt  }
0x40: {  	_ =	shalt  }
0x41: {  	_ =	shalt  }
0x42: {  	_ =	shalt  }
0x43: {  	_ =	shalt  }
0x44: {  	_ =	shalt  }
0x45: {  	_ =	shalt  }
0x46: {  	_ =	shalt  }
0x47: {  	_ =	shalt  }
0x48: {  	_ =	shalt  }
0x49: {  	_ =	shalt  }
0x4a: {  	_ =	shalt  }
0x4b: {  	_ =	shalt  }
0x4c: {  	_ =	shalt  }
0x4d: {  	_ =	shalt  }
0x4e: {  	_ =	shalt  }
0x4f: {  	_ =	shalt  }
0x50: {  	_ =	shalt  }
0x51: {  	_ =	shalt  }
0x52: {  	_ =	shalt  }
0x53: {  	_ =	shalt  }
0x54: {  	_ =	shalt  }
0x55: {  	_ =	shalt  }
0x56: {  	_ =	shalt  }
0x57: {  	_ =	shalt  }
0x58: {  	_ =	shalt  }
0x59: {  	_ =	shalt  }
0x5a: {  	_ =	shalt  }
0x5b: {  	_ =	shalt  }
0x5c: {  	_ =	shalt  }
0x5d: {  	_ =	shalt  }
0x5e: {  	_ =	shalt  }
0x5f: {  	_ =	shalt  }
0x60: {  	_ =	shalt  }
0x61: {  	_ =	shalt  }
0x62: {  	_ =	shalt  }
0x63: {  	_ =	shalt  }
0x64: {  	_ =	shalt  }
0x65: {  	_ =	shalt  }
0x66: {  	_ =	shalt  }
0x67: {  	_ =	shalt  }
0x68: {  	_ =	shalt  }
0x69: {  	_ =	shalt  }
0x6a: {  	_ =	shalt  }
0x6b: {  	_ =	shalt  }
0x6c: {  	_ =	shalt  }
0x6d: {  	_ =	shalt  }
0x6e: {  	_ =	shalt  }
0x6f: {  	_ =	shalt  }
0x70: {  	_ =	shalt  }
0x71: {  	_ =	shalt  }
0x72: {  	_ =	shalt  }
0x73: {  	_ =	shalt  }
0x74: {  	_ =	shalt  }
0x75: {  	_ =	shalt  }
0x76: {  	_ =	shalt  }
0x77: {  	_ =	shalt  }
0x78: {  	_ =	shalt  }
0x79: {  	_ =	shalt  }
0x7a: {  	_ =	shalt  }
0x7b: {  	_ =	shalt  }
0x7c: {  	_ =	shalt  }
0x7d: {  	_ =	shalt  }
0x7e: {  	_ =	shalt  }
0x7f: {  	_ =	shalt  }
0x80: {  	_ =	shalt  }
0x81: {  	_ =	shalt  }
0x82: {  	_ =	shalt  }
0x83: {  	_ =	shalt  }
0x84: {  	_ =	shalt  }
0x85: {  	_ =	shalt  }
0x86: {  	_ =	shalt  }
0x87: {  	_ =	shalt  }
.Lfunc_end0:
.L_simem_size_0:
called_computation_lowered:
.L_overlay_start_0:
0x88: {  	s2 =	sld [smem:$0x3FD9]  }
0x89: {  	s3 =	sld [smem:$0x3FFE];
	_ =	sdelay $0x1  }
0x8a: {  	s1 =	srdreg.scid  }
0x8b: {  	s0 =	sand.u32 $0x1, s1  }
0x8c: {  	s17 =	sshll.u32 s0, $0xA;
	s2 =	sadd.s32 s3, s2  }
0x8d: {  	s2 =	sadd.s32 s2, s17  }
0x8e: {  	[smem:$0x3FC5] =	sst s2  }
0x8f: {  	_ = 	snop  }
0x90: {  	s2 =	sld [smem:$0x3FC8]  }
0x91: {  	s18 =	sld [smem:$0x3FC7]  }
0x92: {  	s4 =	sld [smem:$0x3FD0];
	(tm) =	ssettm $0x1  }
0x93: {  	s5 =	sld [smem:$0x3FFB];
	_ =	sdelay $0x3  }
0x94: {  	_ =	strace s5  }
0x95: {  	s5 =	sld [smem:$0x3FFC];
	_ =	sdelay $0x3  }
0x96: {  	_ =	strace s5  }
0x97: {  	s5 =	sld [smem:$0x3FFD];
	_ =	sdelay $0x3  }
0x98: {  	_ =	strace s5  }
0x99: {  	_ =	strace $0x8FFFFFFF  }
0x9a: {  	s19 =	sld [smem:$0x3FDB];
	_ =	sdelay $0x1  }
0x9b: {  	s6 =	simm.s32 $_scs_section_size  }
0x9c: {  	s7 =	simm.s32 $_size__tile_overlayer_lowered;
	s8 =	simm.s32 $_tile_overlayer_lowered  }
0x9d: {  	s22 =	simm.s32 $0x1BFF;
	s21 =	sshll.u32 s8, $0x1;
	s5 =	sadd.s32 s6, s19  }
0x9e: {  	s9 =	simm.s32 $0x0;
	s20 =	sshll.u32 s7, $0x1;
	s7 =	sadd.s32 s21, s5  }
0x9f: {  	[timem:s9], [sflag:s22] =	dma.local [hbm:s7], s20  }
0xa0: {  	_ =	swait.ge [sflag:s22], s20  }
0xa1: {  	s6 =	ssub.s32 $0x0, s20;
	[sflag:s22] =	ssyncset.done $0x0  }
0xa2: {  	[sflag:s22] =	ssyncadd.s32 s6;
	_ =	sdelay $0x1  }
0xa3: {  	s23 =	simm.s32 $0x1B8B  }
0xa4: {  	_ =	swait.ge [sflag:s23], $0x1  }
0xa5: {  	[sflag:s23] =	ssyncset.done $0x0  }
0xa6: {  	s25 =	simm.s32 $0x1B8E;
	s24 =	sld [smem:$0x3FFE];
	[sflag:s23] =	ssyncadd.s32 $0xFFFFFFFF  }
0xa7: {  	s26 =	simm.s32 $execute0_lowered;
	[smem:$0x3FD2] =	sst s25  }
0xa8: {  	s7 =	sshll.u32 s26, $0x1;
	_ =	strace $0x80000046;
	[dreg:$0x1] =	wrdreg $0xFFFFFFFF  }
0xa9: {  	s28 =	simm.s32 $_size_execute0_lowered;
	s5 =	sadd.s32 s5, s7;
	[dreg:$0x0] =	wrdreg $0x0  }
0xaa: {  	s7 =	sshll.u32 s28, $0x1;
	[dreg:$0x2] =	wrdreg s5  }
0xab: {  	[dreg:$0x3] =	wrdreg s7  }
0xac: {  	[dreg:$0x4] =	wrdreg $0xC0  }
0xad: {  	_ =	task [dreg:s9], $0x5FFFF  }
0xae: {  	[dreg:$0x1] =	wrdreg $0xFFFFFFFF  }
0xaf: {  	[dreg:$0x0] =	wrdreg $0x60  }
0xb0: {  	[dreg:$0x2] =	wrdreg s24  }
0xb1: {  	[dreg:$0x3] =	wrdreg s2  }
0xb2: {  	[dreg:$0x4] =	wrdreg s18  }
0xb3: {  	[dreg:$0x5] =	wrdreg s4  }
0xb4: {  	[dreg:$0x6] =	wrdreg $0x9  }
0xb5: {  	_ =	task.clear_ibuf [dreg:s9], $0x7FFFF;
	_ =	strace $0x90000046  }
0xb6: {  	s29 =	simm.s32 $0x9;
	_ =	strace $0x80000048  }
0xb7: {  	_ =	swait.ge [sflag:s29], $0x1  }
0xb8: {  	[sflag:s29] =	ssyncadd.s32 $0xFFFFFFFF  }
0xb9: {  	_ =	strace $0x90000048  }
0xba: {  	_ =	sfence  }
0xbb: {  	s30 =	sld [smem:$0x0];
	_ =	sdelay $0x2  }
0xbc: {  	s31 =	sshll.u32 s1, $0xD;
	s1 =	sshrl.u32 s1, $0x2  }
0xbd: {  	s3 =	sand.u32 $0x4000, s31;
	s1 =	sadd.s32 s1, s30  }
0xbe: {  	s0 =	sor.u32 s3, s0;
	s1 =	sshll.u32 s1, $0x11  }
0xbf: {  	s0 =	sor.u32 s1, s0  }
0xc0: {  	s0 =	sadd.s32 $0x8F2B, s0  }
0xc1: {  	[sflag:s0] =	ssyncadd.remote.s32 $0x1  }
0xc2: {  	_ =	sfence.sel $0xFFFF  }
0xc3: {  	[dreg:$0x0] =	wrdreg $0xFFFFFFFF;
	(pc) =	sbr.abs _section_cstart, $3  }
0xc4: {  	[dreg:$0x1] =	wrdreg $0xFFFFFFFF  }
0xc5: {  	_ =	task.clear_ibuf [dreg:s9], $0x2FFFF;
	_ =	strace $0x9FFFFFFF  }
0xc6: {  	(tm) =	ssettm $0x7FFFFFFF  }
0xc7: {  	_ =	shalt  }
tec
execute0_lowered:
.L_overlay_start_1:
0x0: {  	(tag) =	ssettag $0x1  }
0x1: {  	s6 =	rddreg [dreg:$0x0]  }
0x2: {  	s2 =	rddreg [dreg:$0x1]  }
0x3: {  	s3 =	srdreg.scid;
	s1 =	stileid.u32  }
0x4: {  	s7 =	rddreg [dreg:$0x2];
	s4 =	sand.u32 $0x1, s3;
	s5 =	sshll.u32 s1, $0x1  }
0x5: {  	s0 =	rddreg [dreg:$0x3];
	s8 =	sshll.u32 s1, $0x3;
	s5 =	sor.u32 s4, s5  }
0x6: {  	s3 =	simm.s32 $0x0;
	s8 =	sand.u32 $0x70, s8;
	s9 =	sshll.u32 s5, $0xE  }
0x7: {  	[smem:$0x7FF] =	sst s3;
	s8 =	sadd.s32 s7, s8;
	s7 =	sadd.s32 s0, s9  }
0x8: {  	_ =	strace $0x80000047;
	[dreg:$0x5] =	wrdreg s8;
	s19 =	sadd.s32 $0xB0000, s7  }
0x9: {  	s20 =	sadd.s32 $0xB0200, s7;
	[dreg:$0x6] =	wrdreg s19  }
0xa: {  	s21 =	sadd.s32 $0xB0400, s7;
	[dreg:$0x7] =	wrdreg s20  }
0xb: {  	s22 =	sadd.s32 $0xB0600, s7;
	[dreg:$0x8] =	wrdreg s21  }
0xc: {  	s23 =	sadd.s32 $0xB0800, s7;
	[dreg:$0x9] =	wrdreg s22  }
0xd: {  	s24 =	sadd.s32 $0xB0A00, s7;
	[dreg:$0xa] =	wrdreg s23  }
0xe: {  	s25 =	sadd.s32 $0xB0C00, s7;
	[dreg:$0xb] =	wrdreg s24  }
0xf: {  	s26 =	sadd.s32 $0xB0E00, s7;
	[dreg:$0xc] =	wrdreg s25  }
0x10: {  	s1 =	sadd.s32 $0xB1000, s7;
	[dreg:$0xd] =	wrdreg s26  }
0x11: {  	s9 =	sadd.s32 $0xB1200, s7;
	[dreg:$0xe] =	wrdreg s1  }
0x12: {  	s10 =	sadd.s32 $0xB1400, s7;
	[dreg:$0xf] =	wrdreg s9  }
0x13: {  	s11 =	sadd.s32 $0xB1600, s7;
	[dreg:$0x10] =	wrdreg s10  }
0x14: {  	s12 =	sadd.s32 $0xB1800, s7;
	[dreg:$0x11] =	wrdreg s11  }
0x15: {  	s13 =	sadd.s32 $0xB1A00, s7;
	[dreg:$0x12] =	wrdreg s12  }
0x16: {  	s14 =	sadd.s32 $0xB1C00, s7;
	[dreg:$0x13] =	wrdreg s13  }
0x17: {  	s15 =	sadd.s32 $0xB1E00, s7;
	[dreg:$0x14] =	wrdreg s14  }
0x18: {  	s16 =	sadd.s32 $0xB2000, s7;
	[dreg:$0x15] =	wrdreg s15  }
0x19: {  	s17 =	sadd.s32 $0xB2200, s7;
	[dreg:$0x16] =	wrdreg s16  }
0x1a: {  	s18 =	sadd.s32 $0xB2400, s7;
	[dreg:$0x17] =	wrdreg s17  }
0x1b: {  	[dreg:$0x18] =	wrdreg s18;
	s19 =	sadd.s32 $0xB2600, s7  }
0x1c: {  	s20 =	sadd.s32 $0xB2800, s7;
	[dreg:$0x19] =	wrdreg s19  }
0x1d: {  	s21 =	sadd.s32 $0xB2A00, s7;
	[dreg:$0x1a] =	wrdreg s20  }
0x1e: {  	s22 =	sadd.s32 $0xB2C00, s7;
	[dreg:$0x1b] =	wrdreg s21  }
0x1f: {  	s28 =	simm.s32 $0xE00;
	s23 =	sadd.s32 $0xB2E00, s7;
	[dreg:$0x1c] =	wrdreg s22  }
0x20: {  	s29 =	simm.s32 $0xFC0;
	s24 =	sadd.s32 $0xB3000, s7;
	[dreg:$0x1d] =	wrdreg s23  }
0x21: {  	s30 =	simm.s32 $0x1180;
	s25 =	sadd.s32 $0xB3200, s7;
	[dreg:$0x1e] =	wrdreg s24  }
0x22: {  	s31 =	simm.s32 $0x1340;
	s26 =	sadd.s32 $0xB3400, s7;
	[dreg:$0x1f] =	wrdreg s25  }
0x23: {  	s6 =	sadd.s32 $0x400, s6;
	s1 =	sadd.s32 $0xB3600, s7;
	[smem:$0x7ED] =	sst s26  }
0x24: {  	s4 =	ssub.s32 $0x2, s4;
	s9 =	sadd.s32 $0xB3800, s7;
	[smem:$0x7EE] =	sst s1  }
0x25: {  	s10 =	sadd.s32 $0xB3A00, s7;
	s11 =	smul.u32 $0xF80, s5;
	[smem:$0x7EF] =	sst s9  }
0x26: {  	s12 =	sadd.s32 $0xB3C00, s7;
	s13 =	smul.u32 $0xB0, s5;
	[smem:$0x7F0] =	sst s10  }
0x27: {  	s7 =	sadd.s32 $0xB3E00, s7;
	s14 =	smul.u32 $0x2C000, s5;
	[smem:$0x7F1] =	sst s12  }
0x28: {  	[smem:$0x7F2] =	sst s7;
	s21 =	sshrl.u32 s4, $0x1;
	s12 =	simm.s32 $0x580  }
0x29: {  	s9 =	sadd.s32 $0x13000, s11;
	s8 =	sadd.s32 s6, s13;
	s11 =	smul.u32 $0x5800, s5  }
0x2a: {  	s7 =	sshrl.u32 s14, $0x3;
	s5 =	smul.u32 $0x7C000, s5;
	s23 =	ssub.s32 s4, s21  }
0x2b: {  	s13 =	simm.s32 $0x1C0;
	s14 =	simm.s32 $0x2580;
	s21 =	simm.s32 $0x540  }
0x2c: {  	s10 =	sshrl.u32 s9, $0x3;
	[smem:$0x7F3] =	sst s8;
	s7 =	sadd.s32 s0, s7  }
0x2d: {  	s19 =	sshll.u32 s9, $0x4;
	s8 =	smax.u32 s23, $0x1;
	s6 =	sadd.s32 s6, s10  }
0x2e: {  	s23 =	simm.s32 $0x12580;
	s15 =	sadd.s32 s0, s11;
	[smem:$0x7F4] =	sst s6  }
0x2f: {  	s16 =	sadd.s32 $0x1C00, s7;
	s17 =	sadd.s32 $0x3800, s7;
	[smem:$0x7F5] =	sst s15  }
0x30: {  	s18 =	sadd.s32 $0x5400, s7;
	s5 =	sshrl.u32 s5, $0x3;
	[smem:$0x7F6] =	sst s16  }
0x31: {  	s20 =	sadd.s32 s0, s19;
	s10 =	simm.s32 $0x6;
	[smem:$0x7F7] =	sst s17  }
0x32: {  	s11 =	simm.s32 $0x1500;
	s19 =	simm.s32 $0x2;
	[smem:$0x7F8] =	sst s18  }
0x33: {  	s0 =	sadd.s32 s0, s5;
	[smem:$0x7F9] =	sst s20;
	s15 =	simm.s32 $0x10580  }
0x34: {  	s16 =	simm.s32 $0x1;
	s18 =	simm.s32 $0x380;
	s22 =	sadd.s32 $0x131800, s0  }
0x35: {  	s17 =	simm.s32 $0x3;
	s24 =	sadd.s32 $0x133400, s0;
	s26 =	sadd.s32 $0x136C00, s0  }
0x36: {  	s20 =	simm.s32 $0x4;
	s4 =	sadd.s32 $0x138800, s0;
	[smem:$0x7FA] =	sst s22  }
0x37: {  	s25 =	sadd.s32 $0x135000, s0;
	s5 =	sadd.s32 $0x13A400, s0;
	[smem:$0x7FB] =	sst s24  }
0x38: {  	s6 =	sadd.s32 $0x13C000, s0;
	s7 =	sadd.s32 $0x13DC00, s0;
	[smem:$0x7FC] =	sst s25  }
0x39: {  	s0 =	simm.s32 $0x5;
	[smem:$0x7FD] =	sst s26;
	s22 =	simm.s32 $0x700  }
0x3a: {  	s24 =	simm.s32 $0x8C0;
	s25 =	simm.s32 $0xA80;
	s26 =	simm.s32 $0xC40  }
.LBB2_1:
0x3b: {  	s1 =	rddreg [dreg:$0x5];
	s9 =	simm.s32 $0x2500  }
0x3c: {  	[tilespmem:s9], [sflag:$0x6] =	stream.linear.gather [hbm4b:s1+s3], $0x80, $0x38;
	[tilespmem:$0x1E580] =	vst v63  }
0x3d: {  	_ =	swait.ge [sflag:s10], $0x80  }
0x3e: {  	[sflag:s10] =	ssyncset.done $0x0  }
0x3f: {  	[sflag:s10] =	ssyncadd.s32 $0xFFFFFF80  }
0x40: {  	v0 =	vld [tilespmem:$0x2500];
	_ =	sdelay $0x4  }
0x41: {  	[tilespmem:$0x1500] =	vst v0  }
0x42: {  	[tilespmem:$0x1580] =	vst v0  }
0x43: {  	[tilespmem:$0x1600] =	vst v0  }
0x44: {  	[tilespmem:$0x1680] =	vst v0  }
0x45: {  	[tilespmem:$0x1700] =	vst v0  }
0x46: {  	[tilespmem:$0x1780] =	vst v0  }
0x47: {  	[tilespmem:$0x1800] =	vst v0  }
0x48: {  	[tilespmem:$0x1880] =	vst v0  }
0x49: {  	[tilespmem:$0x1900] =	vst v0  }
0x4a: {  	[tilespmem:$0x1980] =	vst v0  }
0x4b: {  	[tilespmem:$0x1A00] =	vst v0  }
0x4c: {  	[tilespmem:$0x1A80] =	vst v0  }
0x4d: {  	[tilespmem:$0x1B00] =	vst v0  }
0x4e: {  	[tilespmem:$0x1B80] =	vst v0  }
0x4f: {  	[tilespmem:$0x1C00] =	vst v0  }
0x50: {  	[tilespmem:$0x1C80] =	vst v0  }
0x51: {  	[tilespmem:$0x1D00] =	vst v0  }
0x52: {  	[tilespmem:$0x1D80] =	vst v0  }
0x53: {  	[tilespmem:$0x1E00] =	vst v0  }
0x54: {  	[tilespmem:$0x1E80] =	vst v0  }
0x55: {  	[tilespmem:$0x1F00] =	vst v0  }
0x56: {  	[tilespmem:$0x1F80] =	vst v0  }
0x57: {  	[tilespmem:$0x2000] =	vst v0  }
0x58: {  	[tilespmem:$0x2080] =	vst v0  }
0x59: {  	[tilespmem:$0x2100] =	vst v0  }
0x5a: {  	[tilespmem:$0x2180] =	vst v0  }
0x5b: {  	[tilespmem:$0x2200] =	vst v0  }
0x5c: {  	v1 =	vld [tilespmem:$0x2510];
	[tilespmem:$0x2280] =	vst v0  }
0x5d: {  	[tilespmem:$0x2300] =	vst v0  }
0x5e: {  	[tilespmem:$0x2380] =	vst v0  }
0x5f: {  	[tilespmem:$0x2400] =	vst v0  }
0x60: {  	[tilespmem:$0x2480] =	vst v0  }
0x61: {  	[tilespmem:$0x1510] =	vst v1  }
0x62: {  	[tilespmem:$0x1590] =	vst v1  }
0x63: {  	[tilespmem:$0x1610] =	vst v1  }
0x64: {  	[tilespmem:$0x1690] =	vst v1  }
0x65: {  	[tilespmem:$0x1710] =	vst v1  }
0x66: {  	[tilespmem:$0x1790] =	vst v1  }
0x67: {  	[tilespmem:$0x1810] =	vst v1  }
0x68: {  	[tilespmem:$0x1890] =	vst v1  }
0x69: {  	[tilespmem:$0x1910] =	vst v1  }
0x6a: {  	[tilespmem:$0x1990] =	vst v1  }
0x6b: {  	[tilespmem:$0x1A10] =	vst v1  }
0x6c: {  	[tilespmem:$0x1A90] =	vst v1  }
0x6d: {  	[tilespmem:$0x1B10] =	vst v1  }
0x6e: {  	[tilespmem:$0x1B90] =	vst v1  }
0x6f: {  	[tilespmem:$0x1C10] =	vst v1  }
0x70: {  	[tilespmem:$0x1C90] =	vst v1  }
0x71: {  	[tilespmem:$0x1D10] =	vst v1  }
0x72: {  	[tilespmem:$0x1D90] =	vst v1  }
0x73: {  	[tilespmem:$0x1E10] =	vst v1  }
0x74: {  	[tilespmem:$0x1E90] =	vst v1  }
0x75: {  	[tilespmem:$0x1F10] =	vst v1  }
0x76: {  	[tilespmem:$0x1F90] =	vst v1  }
0x77: {  	[tilespmem:$0x2010] =	vst v1  }
0x78: {  	[tilespmem:$0x2090] =	vst v1  }
0x79: {  	[tilespmem:$0x2110] =	vst v1  }
0x7a: {  	[tilespmem:$0x2190] =	vst v1  }
0x7b: {  	[tilespmem:$0x2210] =	vst v1  }
0x7c: {  	v58 =	vld [tilespmem:$0x2520];
	[tilespmem:$0x2290] =	vst v1  }
0x7d: {  	[tilespmem:$0x2310] =	vst v1  }
0x7e: {  	[tilespmem:$0x2390] =	vst v1  }
0x7f: {  	[tilespmem:$0x2410] =	vst v1  }
0x80: {  	[tilespmem:$0x2490] =	vst v1  }
0x81: {  	[tilespmem:$0x1520] =	vst v58  }
0x82: {  	[tilespmem:$0x15A0] =	vst v58  }
0x83: {  	[tilespmem:$0x1620] =	vst v58  }
0x84: {  	[tilespmem:$0x16A0] =	vst v58  }
0x85: {  	[tilespmem:$0x1720] =	vst v58  }
0x86: {  	[tilespmem:$0x17A0] =	vst v58  }
0x87: {  	[tilespmem:$0x1820] =	vst v58  }
0x88: {  	[tilespmem:$0x18A0] =	vst v58  }
0x89: {  	[tilespmem:$0x1920] =	vst v58  }
0x8a: {  	[tilespmem:$0x19A0] =	vst v58  }
0x8b: {  	[tilespmem:$0x1A20] =	vst v58  }
0x8c: {  	[tilespmem:$0x1AA0] =	vst v58  }
0x8d: {  	[tilespmem:$0x1B20] =	vst v58  }
0x8e: {  	[tilespmem:$0x1BA0] =	vst v58  }
0x8f: {  	[tilespmem:$0x1C20] =	vst v58  }
0x90: {  	[tilespmem:$0x1CA0] =	vst v58  }
0x91: {  	[tilespmem:$0x1D20] =	vst v58  }
0x92: {  	[tilespmem:$0x1DA0] =	vst v58  }
0x93: {  	[tilespmem:$0x1E20] =	vst v58  }
0x94: {  	[tilespmem:$0x1EA0] =	vst v58  }
0x95: {  	[tilespmem:$0x1F20] =	vst v58  }
0x96: {  	[tilespmem:$0x1FA0] =	vst v58  }
0x97: {  	[tilespmem:$0x2020] =	vst v58  }
0x98: {  	[tilespmem:$0x20A0] =	vst v58  }
0x99: {  	[tilespmem:$0x2120] =	vst v58  }
0x9a: {  	[tilespmem:$0x21A0] =	vst v58  }
0x9b: {  	[tilespmem:$0x2220] =	vst v58  }
0x9c: {  	v59 =	vld [tilespmem:$0x2530];
	[tilespmem:$0x22A0] =	vst v58  }
0x9d: {  	[tilespmem:$0x2320] =	vst v58  }
0x9e: {  	[tilespmem:$0x23A0] =	vst v58  }
0x9f: {  	[tilespmem:$0x2420] =	vst v58  }
0xa0: {  	[tilespmem:$0x24A0] =	vst v58  }
0xa1: {  	[tilespmem:$0x1530] =	vst v59  }
0xa2: {  	[tilespmem:$0x15B0] =	vst v59  }
0xa3: {  	[tilespmem:$0x1630] =	vst v59  }
0xa4: {  	[tilespmem:$0x16B0] =	vst v59  }
0xa5: {  	[tilespmem:$0x1730] =	vst v59  }
0xa6: {  	[tilespmem:$0x17B0] =	vst v59  }
0xa7: {  	[tilespmem:$0x1830] =	vst v59  }
0xa8: {  	[tilespmem:$0x18B0] =	vst v59  }
0xa9: {  	[tilespmem:$0x1930] =	vst v59  }
0xaa: {  	[tilespmem:$0x19B0] =	vst v59  }
0xab: {  	[tilespmem:$0x1A30] =	vst v59  }
0xac: {  	[tilespmem:$0x1AB0] =	vst v59  }
0xad: {  	[tilespmem:$0x1B30] =	vst v59  }
0xae: {  	[tilespmem:$0x1BB0] =	vst v59  }
0xaf: {  	[tilespmem:$0x1C30] =	vst v59  }
0xb0: {  	[tilespmem:$0x1CB0] =	vst v59  }
0xb1: {  	[tilespmem:$0x1D30] =	vst v59  }
0xb2: {  	[tilespmem:$0x1DB0] =	vst v59  }
0xb3: {  	[tilespmem:$0x1E30] =	vst v59  }
0xb4: {  	[tilespmem:$0x1EB0] =	vst v59  }
0xb5: {  	[tilespmem:$0x1F30] =	vst v59  }
0xb6: {  	[tilespmem:$0x1FB0] =	vst v59  }
0xb7: {  	[tilespmem:$0x2030] =	vst v59  }
0xb8: {  	[tilespmem:$0x20B0] =	vst v59  }
0xb9: {  	[tilespmem:$0x2130] =	vst v59  }
0xba: {  	[tilespmem:$0x21B0] =	vst v59  }
0xbb: {  	[tilespmem:$0x2230] =	vst v59  }
0xbc: {  	v60 =	vld [tilespmem:$0x2540];
	[tilespmem:$0x22B0] =	vst v59  }
0xbd: {  	[tilespmem:$0x2330] =	vst v59  }
0xbe: {  	[tilespmem:$0x23B0] =	vst v59  }
0xbf: {  	[tilespmem:$0x2430] =	vst v59  }
0xc0: {  	[tilespmem:$0x24B0] =	vst v59  }
0xc1: {  	[tilespmem:$0x1540] =	vst v60  }
0xc2: {  	[tilespmem:$0x15C0] =	vst v60  }
0xc3: {  	[tilespmem:$0x1640] =	vst v60  }
0xc4: {  	[tilespmem:$0x16C0] =	vst v60  }
0xc5: {  	[tilespmem:$0x1740] =	vst v60  }
0xc6: {  	[tilespmem:$0x17C0] =	vst v60  }
0xc7: {  	[tilespmem:$0x1840] =	vst v60  }
0xc8: {  	[tilespmem:$0x18C0] =	vst v60  }
0xc9: {  	[tilespmem:$0x1940] =	vst v60  }
0xca: {  	[tilespmem:$0x19C0] =	vst v60  }
0xcb: {  	[tilespmem:$0x1A40] =	vst v60  }
0xcc: {  	[tilespmem:$0x1AC0] =	vst v60  }
0xcd: {  	[tilespmem:$0x1B40] =	vst v60  }
0xce: {  	[tilespmem:$0x1BC0] =	vst v60  }
0xcf: {  	[tilespmem:$0x1C40] =	vst v60  }
0xd0: {  	[tilespmem:$0x1CC0] =	vst v60  }
0xd1: {  	[tilespmem:$0x1D40] =	vst v60  }
0xd2: {  	[tilespmem:$0x1DC0] =	vst v60  }
0xd3: {  	[tilespmem:$0x1E40] =	vst v60  }
0xd4: {  	[tilespmem:$0x1EC0] =	vst v60  }
0xd5: {  	[tilespmem:$0x1F40] =	vst v60  }
0xd6: {  	[tilespmem:$0x1FC0] =	vst v60  }
0xd7: {  	[tilespmem:$0x2040] =	vst v60  }
0xd8: {  	[tilespmem:$0x20C0] =	vst v60  }
0xd9: {  	[tilespmem:$0x2140] =	vst v60  }
0xda: {  	[tilespmem:$0x21C0] =	vst v60  }
0xdb: {  	[tilespmem:$0x2240] =	vst v60  }
0xdc: {  	v61 =	vld [tilespmem:$0x2550];
	[tilespmem:$0x22C0] =	vst v60  }
0xdd: {  	[tilespmem:$0x2340] =	vst v60  }
0xde: {  	[tilespmem:$0x23C0] =	vst v60  }
0xdf: {  	[tilespmem:$0x2440] =	vst v60  }
0xe0: {  	[tilespmem:$0x24C0] =	vst v60  }
0xe1: {  	[tilespmem:$0x1550] =	vst v61  }
0xe2: {  	[tilespmem:$0x15D0] =	vst v61  }
0xe3: {  	[tilespmem:$0x1650] =	vst v61  }
0xe4: {  	[tilespmem:$0x16D0] =	vst v61  }
0xe5: {  	[tilespmem:$0x1750] =	vst v61  }
0xe6: {  	[tilespmem:$0x17D0] =	vst v61  }
0xe7: {  	[tilespmem:$0x1850] =	vst v61  }
0xe8: {  	[tilespmem:$0x18D0] =	vst v61  }
0xe9: {  	[tilespmem:$0x1950] =	vst v61  }
0xea: {  	[tilespmem:$0x19D0] =	vst v61  }
0xeb: {  	[tilespmem:$0x1A50] =	vst v61  }
0xec: {  	[tilespmem:$0x1AD0] =	vst v61  }
0xed: {  	[tilespmem:$0x1B50] =	vst v61  }
0xee: {  	[tilespmem:$0x1BD0] =	vst v61  }
0xef: {  	[tilespmem:$0x1C50] =	vst v61  }
0xf0: {  	[tilespmem:$0x1CD0] =	vst v61  }
0xf1: {  	[tilespmem:$0x1D50] =	vst v61  }
0xf2: {  	[tilespmem:$0x1DD0] =	vst v61  }
0xf3: {  	[tilespmem:$0x1E50] =	vst v61  }
0xf4: {  	[tilespmem:$0x1ED0] =	vst v61  }
0xf5: {  	[tilespmem:$0x1F50] =	vst v61  }
0xf6: {  	[tilespmem:$0x1FD0] =	vst v61  }
0xf7: {  	[tilespmem:$0x2050] =	vst v61  }
0xf8: {  	[tilespmem:$0x20D0] =	vst v61  }
0xf9: {  	[tilespmem:$0x2150] =	vst v61  }
0xfa: {  	[tilespmem:$0x21D0] =	vst v61  }
0xfb: {  	[tilespmem:$0x2250] =	vst v61  }
0xfc: {  	v62 =	vld [tilespmem:$0x2560];
	[tilespmem:$0x22D0] =	vst v61  }
0xfd: {  	[tilespmem:$0x2350] =	vst v61  }
0xfe: {  	[tilespmem:$0x23D0] =	vst v61  }
0xff: {  	[tilespmem:$0x2450] =	vst v61  }
0x100: {  	[tilespmem:$0x24D0] =	vst v61  }
0x101: {  	[tilespmem:$0x1560] =	vst v62  }
0x102: {  	[tilespmem:$0x15E0] =	vst v62  }
0x103: {  	[tilespmem:$0x1660] =	vst v62  }
0x104: {  	[tilespmem:$0x16E0] =	vst v62  }
0x105: {  	[tilespmem:$0x1760] =	vst v62  }
0x106: {  	[tilespmem:$0x17E0] =	vst v62  }
0x107: {  	[tilespmem:$0x1860] =	vst v62  }
0x108: {  	[tilespmem:$0x18E0] =	vst v62  }
0x109: {  	[tilespmem:$0x1960] =	vst v62  }
0x10a: {  	[tilespmem:$0x19E0] =	vst v62  }
0x10b: {  	[tilespmem:$0x1A60] =	vst v62  }
0x10c: {  	[tilespmem:$0x1AE0] =	vst v62  }
0x10d: {  	[tilespmem:$0x1B60] =	vst v62  }
0x10e: {  	[tilespmem:$0x1BE0] =	vst v62  }
0x10f: {  	[tilespmem:$0x1C60] =	vst v62  }
0x110: {  	[tilespmem:$0x1CE0] =	vst v62  }
0x111: {  	[tilespmem:$0x1D60] =	vst v62  }
0x112: {  	[tilespmem:$0x1DE0] =	vst v62  }
0x113: {  	[tilespmem:$0x1E60] =	vst v62  }
0x114: {  	[tilespmem:$0x1EE0] =	vst v62  }
0x115: {  	[tilespmem:$0x1F60] =	vst v62  }
0x116: {  	[tilespmem:$0x1FE0] =	vst v62  }
0x117: {  	[tilespmem:$0x2060] =	vst v62  }
0x118: {  	[tilespmem:$0x20E0] =	vst v62  }
0x119: {  	[tilespmem:$0x2160] =	vst v62  }
0x11a: {  	[tilespmem:$0x21E0] =	vst v62  }
0x11b: {  	[tilespmem:$0x2260] =	vst v62  }
0x11c: {  	v63 =	vld [tilespmem:$0x2570];
	[tilespmem:$0x22E0] =	vst v62  }
0x11d: {  	[tilespmem:$0x2360] =	vst v62  }
0x11e: {  	[tilespmem:$0x23E0] =	vst v62  }
0x11f: {  	[tilespmem:$0x2460] =	vst v62  }
0x120: {  	[tilespmem:$0x24E0] =	vst v62  }
0x121: {  	[tilespmem:$0x1570] =	vst v63  }
0x122: {  	[tilespmem:$0x15F0] =	vst v63  }
0x123: {  	[tilespmem:$0x1670] =	vst v63  }
0x124: {  	[tilespmem:$0x16F0] =	vst v63  }
0x125: {  	[tilespmem:$0x1770] =	vst v63  }
0x126: {  	[tilespmem:$0x17F0] =	vst v63  }
0x127: {  	[tilespmem:$0x1870] =	vst v63  }
0x128: {  	[tilespmem:$0x18F0] =	vst v63  }
0x129: {  	[tilespmem:$0x1970] =	vst v63  }
0x12a: {  	[tilespmem:$0x19F0] =	vst v63  }
0x12b: {  	[tilespmem:$0x1A70] =	vst v63  }
0x12c: {  	[tilespmem:$0x1AF0] =	vst v63  }
0x12d: {  	[tilespmem:$0x1B70] =	vst v63  }
0x12e: {  	[tilespmem:$0x1BF0] =	vst v63  }
0x12f: {  	[tilespmem:$0x1C70] =	vst v63  }
0x130: {  	[tilespmem:$0x1CF0] =	vst v63  }
0x131: {  	[tilespmem:$0x1D70] =	vst v63  }
0x132: {  	[tilespmem:$0x1DF0] =	vst v63  }
0x133: {  	[tilespmem:$0x1E70] =	vst v63  }
0x134: {  	[tilespmem:$0x1EF0] =	vst v63  }
0x135: {  	[tilespmem:$0x1F70] =	vst v63  }
0x136: {  	[tilespmem:$0x1FF0] =	vst v63  }
0x137: {  	[tilespmem:$0x2070] =	vst v63  }
0x138: {  	[tilespmem:$0x20F0] =	vst v63  }
0x139: {  	[tilespmem:$0x2170] =	vst v63  }
0x13a: {  	[tilespmem:$0x21F0] =	vst v63  }
0x13b: {  	[tilespmem:$0x2270] =	vst v63  }
0x13c: {  	[tilespmem:$0x22F0] =	vst v63  }
0x13d: {  	[tilespmem:$0x2370] =	vst v63  }
0x13e: {  	[tilespmem:$0x23F0] =	vst v63  }
0x13f: {  	s1 =	rddreg [dreg:$0x6];
	[tilespmem:$0x2470] =	vst v63  }
0x140: {  	s9 =	rddreg [dreg:$0x7];
	[tilespmem:$0x24F0] =	vst v63  }
0x141: {  	[hbm4b:s1+s3] =	stream.linear.scatter [tilespmem:s11], [sflag:$0x5], $0x1000, $0x38;
	[tilespmem:$0x1E580] =	vst v63  }
0x142: {  	s1 =	rddreg [dreg:$0x8]  }
0x143: {  	[hbm4b:s9+s3] =	stream.linear.scatter [tilespmem:s11], [sflag:$0x5], $0x1000, $0x38;
	[tilespmem:$0x1E580] =	vst v63  }
0x144: {  	s9 =	rddreg [dreg:$0x9]  }
0x145: {  	[hbm4b:s1+s3] =	stream.linear.scatter [tilespmem:s11], [sflag:$0x5], $0x1000, $0x38;
	[tilespmem:$0x1E580] =	vst v63  }
0x146: {  	s1 =	rddreg [dreg:$0xa]  }
0x147: {  	[hbm4b:s9+s3] =	stream.linear.scatter [tilespmem:s11], [sflag:$0x5], $0x1000, $0x38;
	[tilespmem:$0x1E580] =	vst v63  }
0x148: {  	s9 =	rddreg [dreg:$0xb]  }
0x149: {  	[hbm4b:s1+s3] =	stream.linear.scatter [tilespmem:s11], [sflag:$0x5], $0x1000, $0x38;
	[tilespmem:$0x1E580] =	vst v63  }
0x14a: {  	s1 =	rddreg [dreg:$0xc]  }
0x14b: {  	[hbm4b:s9+s3] =	stream.linear.scatter [tilespmem:s11], [sflag:$0x5], $0x1000, $0x38;
	[tilespmem:$0x1E580] =	vst v63  }
0x14c: {  	s9 =	rddreg [dreg:$0xd]  }
0x14d: {  	[hbm4b:s1+s3] =	stream.linear.scatter [tilespmem:s11], [sflag:$0x5], $0x1000, $0x38;
	[tilespmem:$0x1E580] =	vst v63  }
0x14e: {  	s1 =	rddreg [dreg:$0xe]  }
0x14f: {  	[hbm4b:s9+s3] =	stream.linear.scatter [tilespmem:s11], [sflag:$0x5], $0x1000, $0x38;
	[tilespmem:$0x1E580] =	vst v63  }
0x150: {  	s9 =	rddreg [dreg:$0xf]  }
0x151: {  	[hbm4b:s1+s3] =	stream.linear.scatter [tilespmem:s11], [sflag:$0x5], $0x1000, $0x38;
	[tilespmem:$0x1E580] =	vst v63  }
0x152: {  	s1 =	rddreg [dreg:$0x10]  }
0x153: {  	[hbm4b:s9+s3] =	stream.linear.scatter [tilespmem:s11], [sflag:$0x5], $0x1000, $0x38;
	[tilespmem:$0x1E580] =	vst v63  }
0x154: {  	s9 =	rddreg [dreg:$0x11]  }
0x155: {  	[hbm4b:s1+s3] =	stream.linear.scatter [tilespmem:s11], [sflag:$0x5], $0x1000, $0x38;
	[tilespmem:$0x1E580] =	vst v63  }
0x156: {  	s1 =	rddreg [dreg:$0x12]  }
0x157: {  	[hbm4b:s9+s3] =	stream.linear.scatter [tilespmem:s11], [sflag:$0x5], $0x1000, $0x38;
	[tilespmem:$0x1E580] =	vst v63  }
0x158: {  	s9 =	rddreg [dreg:$0x13]  }
0x159: {  	[hbm4b:s1+s3] =	stream.linear.scatter [tilespmem:s11], [sflag:$0x5], $0x1000, $0x38;
	[tilespmem:$0x1E580] =	vst v63  }
0x15a: {  	s1 =	rddreg [dreg:$0x14]  }
0x15b: {  	[hbm4b:s9+s3] =	stream.linear.scatter [tilespmem:s11], [sflag:$0x5], $0x1000, $0x38;
	[tilespmem:$0x1E580] =	vst v63  }
0x15c: {  	s9 =	rddreg [dreg:$0x15]  }
0x15d: {  	[hbm4b:s1+s3] =	stream.linear.scatter [tilespmem:s11], [sflag:$0x5], $0x1000, $0x38;
	[tilespmem:$0x1E580] =	vst v63  }
0x15e: {  	s1 =	rddreg [dreg:$0x16]  }
0x15f: {  	[hbm4b:s9+s3] =	stream.linear.scatter [tilespmem:s11], [sflag:$0x5], $0x1000, $0x38;
	[tilespmem:$0x1E580] =	vst v63  }
0x160: {  	s9 =	rddreg [dreg:$0x17]  }
0x161: {  	[hbm4b:s1+s3] =	stream.linear.scatter [tilespmem:s11], [sflag:$0x5], $0x1000, $0x38;
	[tilespmem:$0x1E580] =	vst v63  }
0x162: {  	s1 =	rddreg [dreg:$0x18]  }
0x163: {  	[hbm4b:s9+s3] =	stream.linear.scatter [tilespmem:s11], [sflag:$0x5], $0x1000, $0x38;
	[tilespmem:$0x1E580] =	vst v63  }
0x164: {  	s9 =	rddreg [dreg:$0x19]  }
0x165: {  	[hbm4b:s1+s3] =	stream.linear.scatter [tilespmem:s11], [sflag:$0x5], $0x1000, $0x38;
	[tilespmem:$0x1E580] =	vst v63  }
0x166: {  	s1 =	rddreg [dreg:$0x1a]  }
0x167: {  	[hbm4b:s9+s3] =	stream.linear.scatter [tilespmem:s11], [sflag:$0x5], $0x1000, $0x38;
	[tilespmem:$0x1E580] =	vst v63  }
0x168: {  	s9 =	rddreg [dreg:$0x1b]  }
0x169: {  	[hbm4b:s1+s3] =	stream.linear.scatter [tilespmem:s11], [sflag:$0x5], $0x1000, $0x38;
	[tilespmem:$0x1E580] =	vst v63  }
0x16a: {  	s1 =	rddreg [dreg:$0x1c]  }
0x16b: {  	[hbm4b:s9+s3] =	stream.linear.scatter [tilespmem:s11], [sflag:$0x5], $0x1000, $0x38;
	[tilespmem:$0x1E580] =	vst v63  }
0x16c: {  	s9 =	rddreg [dreg:$0x1d]  }
0x16d: {  	[hbm4b:s1+s3] =	stream.linear.scatter [tilespmem:s11], [sflag:$0x5], $0x1000, $0x38;
	[tilespmem:$0x1E580] =	vst v63  }
0x16e: {  	s1 =	rddreg [dreg:$0x1e]  }
0x16f: {  	[hbm4b:s9+s3] =	stream.linear.scatter [tilespmem:s11], [sflag:$0x5], $0x1000, $0x38;
	[tilespmem:$0x1E580] =	vst v63  }
0x170: {  	s9 =	rddreg [dreg:$0x1f]  }
0x171: {  	[hbm4b:s1+s3] =	stream.linear.scatter [tilespmem:s11], [sflag:$0x5], $0x1000, $0x38;
	[tilespmem:$0x1E580] =	vst v63  }
0x172: {  	s1 =	sld [smem:$0x7ED]  }
0x173: {  	[hbm4b:s9+s3] =	stream.linear.scatter [tilespmem:s11], [sflag:$0x5], $0x1000, $0x38;
	[tilespmem:$0x1E580] =	vst v63  }
0x174: {  	s9 =	sld [smem:$0x7EE]  }
0x175: {  	[hbm4b:s1+s3] =	stream.linear.scatter [tilespmem:s11], [sflag:$0x5], $0x1000, $0x38;
	[tilespmem:$0x1E580] =	vst v63  }
0x176: {  	s1 =	sld [smem:$0x7EF]  }
0x177: {  	[hbm4b:s9+s3] =	stream.linear.scatter [tilespmem:s11], [sflag:$0x5], $0x1000, $0x38;
	[tilespmem:$0x1E580] =	vst v63  }
0x178: {  	s9 =	sld [smem:$0x7F0]  }
0x179: {  	[hbm4b:s1+s3] =	stream.linear.scatter [tilespmem:s11], [sflag:$0x5], $0x1000, $0x38;
	[tilespmem:$0x1E580] =	vst v63  }
0x17a: {  	s1 =	sld [smem:$0x7F1]  }
0x17b: {  	[hbm4b:s9+s3] =	stream.linear.scatter [tilespmem:s11], [sflag:$0x5], $0x1000, $0x38;
	[tilespmem:$0x1E580] =	vst v63  }
0x17c: {  	s9 =	sld [smem:$0x7F2]  }
0x17d: {  	[hbm4b:s1+s3] =	stream.linear.scatter [tilespmem:s11], [sflag:$0x5], $0x1000, $0x38;
	[tilespmem:$0x1E580] =	vst v63  }
0x17e: {  	s1 =	sld [smem:$0x7F3]  }
0x17f: {  	[hbm4b:s9+s3] =	stream.linear.scatter [tilespmem:s11], [sflag:$0x5], $0x1000, $0x38;
	[tilespmem:$0x1E580] =	vst v63  }
0x180: {  	_ = 	snop  }
0x181: {  	[tilespmem:s3], [sflag:$0x6] =	stream.linear.gather [hbm4b:s1+s3], $0x580, $0x38;
	[tilespmem:$0x1E580] =	vst v63  }
0x182: {  	_ =	swait.ge [sflag:s10], $0x580  }
0x183: {  	s9 =	sld [smem:$0x7F4]  }
0x184: {  	[sflag:s10] =	ssyncset.done $0x0  }
0x185: {  	[sflag:s10] =	ssyncadd.s32 $0xFFFFFA80  }
0x186: {  	[tilespmem:s12], [sflag:$0x6] =	stream.linear.gather [hbm4b:s9+s3], $0xF80, $0x38;
	[tilespmem:$0x1E580] =	vst v63  }
0x187: {  	_ =	swait.ge [sflag:s10], $0xF80  }
0x188: {  	[sflag:s10] =	ssyncset.done $0x0  }
0x189: {  	[sflag:s10] =	ssyncadd.s32 $0xFFFFF080  }
0x18a: {  	[tilespmem:s14], [sflag:$0x1] =	stream.indirect.gather [hbm4b:s2+s13], $0x80, s3, s13, $0xb8;
	[tilespmem:$0x1E580] =	vst v63  }
0x18b: {  	_ = 	snop  }
0x18c: {  	[tilespmem:s15], [sflag:$0x2] =	stream.indirect.gather [hbm4b:s2+s13], $0x80, s13, s13, $0xb8;
	[tilespmem:$0x1E580] =	vst v63  }
0x18d: {  	_ =	swait.ge [sflag:s16], $0xE000  }
0x18e: {  	s9 =	sld [smem:$0x7F5]  }
0x18f: {  	[sflag:s16] =	ssyncset.done $0x0  }
0x190: {  	[sflag:s16] =	ssyncadd.s32 $0xFFFF2000  }
0x191: {  	[hbm4b:s9+s3] =	stream.linear.scatter [tilespmem:s14], [sflag:$0x3], $0xE000, $0x38;
	[tilespmem:$0x1E580] =	vst v63  }
0x192: {  	_ =	swait.ge [sflag:s17], $0xE000  }
0x193: {  	[sflag:s17] =	ssyncset.done $0x0  }
0x194: {  	[sflag:s17] =	ssyncadd.s32 $0xFFFF2000  }
0x195: {  	[tilespmem:s14], [sflag:$0x1] =	stream.indirect.gather [hbm4b:s2+s13], $0x80, s18, s13, $0xb8;
	[tilespmem:$0x1E580] =	vst v63  }
0x196: {  	_ =	swait.ge [sflag:s19], $0xE000  }
0x197: {  	s9 =	sld [smem:$0x7F6]  }
0x198: {  	[sflag:s19] =	ssyncset.done $0x0  }
0x199: {  	[sflag:s19] =	ssyncadd.s32 $0xFFFF2000  }
0x19a: {  	[hbm4b:s9+s3] =	stream.linear.scatter [tilespmem:s15], [sflag:$0x4], $0xE000, $0x38;
	[tilespmem:$0x1E580] =	vst v63  }
0x19b: {  	_ =	swait.ge [sflag:s20], $0xE000  }
0x19c: {  	[sflag:s20] =	ssyncset.done $0x0  }
0x19d: {  	[sflag:s20] =	ssyncadd.s32 $0xFFFF2000  }
0x19e: {  	[tilespmem:s15], [sflag:$0x2] =	stream.indirect.gather [hbm4b:s2+s13], $0x80, s21, s13, $0xb8;
	[tilespmem:$0x1E580] =	vst v63  }
0x19f: {  	_ =	swait.ge [sflag:s16], $0xE000  }
0x1a0: {  	s9 =	sld [smem:$0x7F7]  }
0x1a1: {  	[sflag:s16] =	ssyncset.done $0x0  }
0x1a2: {  	[sflag:s16] =	ssyncadd.s32 $0xFFFF2000  }
0x1a3: {  	[hbm4b:s9+s3] =	stream.linear.scatter [tilespmem:s14], [sflag:$0x3], $0xE000, $0x38;
	[tilespmem:$0x1E580] =	vst v63  }
0x1a4: {  	_ =	swait.ge [sflag:s17], $0xE000  }
0x1a5: {  	[sflag:s17] =	ssyncset.done $0x0  }
0x1a6: {  	[sflag:s17] =	ssyncadd.s32 $0xFFFF2000  }
0x1a7: {  	[tilespmem:s14], [sflag:$0x1] =	stream.indirect.gather [hbm4b:s2+s13], $0x80, s22, s13, $0xb8;
	[tilespmem:$0x1E580] =	vst v63  }
0x1a8: {  	_ =	swait.ge [sflag:s19], $0xE000  }
0x1a9: {  	s1 =	sld [smem:$0x7F8]  }
0x1aa: {  	[sflag:s19] =	ssyncset.done $0x0  }
0x1ab: {  	s9 =	sld [smem:$0x7F9];
	[sflag:s19] =	ssyncadd.s32 $0xFFFF2000  }
0x1ac: {  	[hbm4b:s1+s3] =	stream.linear.scatter [tilespmem:s15], [sflag:$0x4], $0x2000, $0x38;
	[tilespmem:$0x1E580] =	vst v63  }
0x1ad: {  	_ = 	snop  }
0x1ae: {  	[hbm4b:s9+s3] =	stream.linear.scatter [tilespmem:s23], [sflag:$0x4], $0xC000, $0x38;
	[tilespmem:$0x1E580] =	vst v63  }
0x1af: {  	_ =	swait.ge [sflag:s20], $0x2000  }
0x1b0: {  	[sflag:s20] =	ssyncset.done $0x0  }
0x1b1: {  	[sflag:s20] =	ssyncadd.s32 $0xFFFFE000  }
0x1b2: {  	_ =	swait.ge [sflag:s20], $0xC000  }
0x1b3: {  	[sflag:s20] =	ssyncset.done $0x0  }
0x1b4: {  	[sflag:s20] =	ssyncadd.s32 $0xFFFF4000  }
0x1b5: {  	[tilespmem:s15], [sflag:$0x2] =	stream.indirect.gather [hbm4b:s2+s13], $0x80, s24, s13, $0xb8;
	[tilespmem:$0x1E580] =	vst v63  }
0x1b6: {  	_ =	swait.ge [sflag:s16], $0xE000  }
0x1b7: {  	s9 =	sld [smem:$0x7FA]  }
0x1b8: {  	[sflag:s16] =	ssyncset.done $0x0  }
0x1b9: {  	[sflag:s16] =	ssyncadd.s32 $0xFFFF2000  }
0x1ba: {  	[hbm4b:s9+s3] =	stream.linear.scatter [tilespmem:s14], [sflag:$0x3], $0xE000, $0x38;
	[tilespmem:$0x1E580] =	vst v63  }
0x1bb: {  	_ =	swait.ge [sflag:s17], $0xE000  }
0x1bc: {  	[sflag:s17] =	ssyncset.done $0x0  }
0x1bd: {  	[sflag:s17] =	ssyncadd.s32 $0xFFFF2000  }
0x1be: {  	[tilespmem:s14], [sflag:$0x1] =	stream.indirect.gather [hbm4b:s2+s13], $0x80, s25, s13, $0xb8;
	[tilespmem:$0x1E580] =	vst v63  }
0x1bf: {  	_ =	swait.ge [sflag:s19], $0xE000  }
0x1c0: {  	s9 =	sld [smem:$0x7FB]  }
0x1c1: {  	[sflag:s19] =	ssyncset.done $0x0  }
0x1c2: {  	[sflag:s19] =	ssyncadd.s32 $0xFFFF2000  }
0x1c3: {  	[hbm4b:s9+s3] =	stream.linear.scatter [tilespmem:s15], [sflag:$0x4], $0xE000, $0x38;
	[tilespmem:$0x1E580] =	vst v63  }
0x1c4: {  	_ =	swait.ge [sflag:s20], $0xE000  }
0x1c5: {  	[sflag:s20] =	ssyncset.done $0x0  }
0x1c6: {  	[sflag:s20] =	ssyncadd.s32 $0xFFFF2000  }
0x1c7: {  	[tilespmem:s15], [sflag:$0x2] =	stream.indirect.gather [hbm4b:s2+s13], $0x80, s26, s13, $0xb8;
	[tilespmem:$0x1E580] =	vst v63  }
0x1c8: {  	_ =	swait.ge [sflag:s16], $0xE000  }
0x1c9: {  	s9 =	sld [smem:$0x7FC]  }
0x1ca: {  	[sflag:s16] =	ssyncset.done $0x0  }
0x1cb: {  	[sflag:s16] =	ssyncadd.s32 $0xFFFF2000  }
0x1cc: {  	[hbm4b:s9+s3] =	stream.linear.scatter [tilespmem:s14], [sflag:$0x3], $0xE000, $0x38;
	[tilespmem:$0x1E580] =	vst v63  }
0x1cd: {  	_ =	swait.ge [sflag:s17], $0xE000  }
0x1ce: {  	[sflag:s17] =	ssyncset.done $0x0  }
0x1cf: {  	[sflag:s17] =	ssyncadd.s32 $0xFFFF2000  }
0x1d0: {  	[tilespmem:s14], [sflag:$0x1] =	stream.indirect.gather [hbm4b:s2+s13], $0x80, s28, s13, $0xb8;
	[tilespmem:$0x1E580] =	vst v63  }
0x1d1: {  	_ =	swait.ge [sflag:s19], $0xE000  }
0x1d2: {  	s9 =	sld [smem:$0x7FD]  }
0x1d3: {  	[sflag:s19] =	ssyncset.done $0x0  }
0x1d4: {  	[sflag:s19] =	ssyncadd.s32 $0xFFFF2000  }
0x1d5: {  	[hbm4b:s9+s3] =	stream.linear.scatter [tilespmem:s15], [sflag:$0x4], $0xE000, $0x38;
	[tilespmem:$0x1E580] =	vst v63  }
0x1d6: {  	_ =	swait.ge [sflag:s20], $0xE000  }
0x1d7: {  	[sflag:s20] =	ssyncset.done $0x0  }
0x1d8: {  	[sflag:s20] =	ssyncadd.s32 $0xFFFF2000  }
0x1d9: {  	[tilespmem:s15], [sflag:$0x2] =	stream.indirect.gather [hbm4b:s2+s13], $0x80, s29, s13, $0xb8;
	[tilespmem:$0x1E580] =	vst v63  }
0x1da: {  	_ =	swait.ge [sflag:s16], $0xE000  }
0x1db: {  	[sflag:s16] =	ssyncset.done $0x0  }
0x1dc: {  	[sflag:s16] =	ssyncadd.s32 $0xFFFF2000  }
0x1dd: {  	[hbm4b:s4+s3] =	stream.linear.scatter [tilespmem:s14], [sflag:$0x3], $0xE000, $0x38;
	[tilespmem:$0x1E580] =	vst v63  }
0x1de: {  	_ =	swait.ge [sflag:s17], $0xE000  }
0x1df: {  	[sflag:s17] =	ssyncset.done $0x0  }
0x1e0: {  	[sflag:s17] =	ssyncadd.s32 $0xFFFF2000  }
0x1e1: {  	[tilespmem:s14], [sflag:$0x1] =	stream.indirect.gather [hbm4b:s2+s13], $0x80, s30, s13, $0xb8;
	[tilespmem:$0x1E580] =	vst v63  }
0x1e2: {  	_ =	swait.ge [sflag:s19], $0xE000  }
0x1e3: {  	[sflag:s19] =	ssyncset.done $0x0  }
0x1e4: {  	[sflag:s19] =	ssyncadd.s32 $0xFFFF2000  }
0x1e5: {  	[hbm4b:s5+s3] =	stream.linear.scatter [tilespmem:s15], [sflag:$0x4], $0xE000, $0x38;
	[tilespmem:$0x1E580] =	vst v63  }
0x1e6: {  	_ =	swait.ge [sflag:s20], $0xE000  }
0x1e7: {  	[sflag:s20] =	ssyncset.done $0x0  }
0x1e8: {  	[sflag:s20] =	ssyncadd.s32 $0xFFFF2000  }
0x1e9: {  	[tilespmem:s15], [sflag:$0x2] =	stream.indirect.gather [hbm4b:s2+s13], $0x80, s31, s13, $0xb8;
	[tilespmem:$0x1E580] =	vst v63  }
0x1ea: {  	_ =	swait.ge [sflag:s16], $0xE000  }
0x1eb: {  	[sflag:s16] =	ssyncset.done $0x0  }
0x1ec: {  	[sflag:s16] =	ssyncadd.s32 $0xFFFF2000  }
0x1ed: {  	[hbm4b:s6+s3] =	stream.linear.scatter [tilespmem:s14], [sflag:$0x3], $0xE000, $0x38;
	[tilespmem:$0x1E580] =	vst v63  }
0x1ee: {  	_ =	swait.ge [sflag:s19], $0xE000  }
0x1ef: {  	[sflag:s19] =	ssyncset.done $0x0  }
0x1f0: {  	[sflag:s19] =	ssyncadd.s32 $0xFFFF2000  }
0x1f1: {  	[hbm4b:s7+s3] =	stream.linear.scatter [tilespmem:s15], [sflag:$0x4], $0xE000, $0x38;
	[tilespmem:$0x1E580] =	vst v63  }
0x1f2: {  	_ =	swait.ge [sflag:s17], $0xE000  }
0x1f3: {  	[sflag:s17] =	ssyncset.done $0x0  }
0x1f4: {  	[sflag:s17] =	ssyncadd.s32 $0xFFFF2000  }
0x1f5: {  	_ =	swait.ge [sflag:s20], $0xE000  }
0x1f6: {  	[sflag:s20] =	ssyncset.done $0x0  }
0x1f7: {  	[sflag:s20] =	ssyncadd.s32 $0xFFFF2000  }
0x1f8: {  	_ =	swait.ge [sflag:s0], $0x1000  }
0x1f9: {  	[sflag:s0] =	ssyncset.done $0x0  }
0x1fa: {  	[sflag:s0] =	ssyncadd.s32 $0xFFFFF000  }
0x1fb: {  	_ =	swait.ge [sflag:s0], $0x1000  }
0x1fc: {  	[sflag:s0] =	ssyncset.done $0x0  }
0x1fd: {  	[sflag:s0] =	ssyncadd.s32 $0xFFFFF000  }
0x1fe: {  	_ =	swait.ge [sflag:s0], $0x1000  }
0x1ff: {  	[sflag:s0] =	ssyncset.done $0x0  }
0x200: {  	[sflag:s0] =	ssyncadd.s32 $0xFFFFF000  }
0x201: {  	_ =	swait.ge [sflag:s0], $0x1000  }
0x202: {  	[sflag:s0] =	ssyncset.done $0x0  }
0x203: {  	[sflag:s0] =	ssyncadd.s32 $0xFFFFF000  }
0x204: {  	_ =	swait.ge [sflag:s0], $0x1000  }
0x205: {  	[sflag:s0] =	ssyncset.done $0x0  }
0x206: {  	[sflag:s0] =	ssyncadd.s32 $0xFFFFF000  }
0x207: {  	_ =	swait.ge [sflag:s0], $0x1000  }
0x208: {  	[sflag:s0] =	ssyncset.done $0x0  }
0x209: {  	[sflag:s0] =	ssyncadd.s32 $0xFFFFF000  }
0x20a: {  	_ =	swait.ge [sflag:s0], $0x1000  }
0x20b: {  	[sflag:s0] =	ssyncset.done $0x0  }
0x20c: {  	[sflag:s0] =	ssyncadd.s32 $0xFFFFF000  }
0x20d: {  	_ =	swait.ge [sflag:s0], $0x1000  }
0x20e: {  	[sflag:s0] =	ssyncset.done $0x0  }
0x20f: {  	[sflag:s0] =	ssyncadd.s32 $0xFFFFF000  }
0x210: {  	_ =	swait.ge [sflag:s0], $0x1000  }
0x211: {  	[sflag:s0] =	ssyncset.done $0x0  }
0x212: {  	[sflag:s0] =	ssyncadd.s32 $0xFFFFF000  }
0x213: {  	_ =	swait.ge [sflag:s0], $0x1000  }
0x214: {  	[sflag:s0] =	ssyncset.done $0x0  }
0x215: {  	[sflag:s0] =	ssyncadd.s32 $0xFFFFF000  }
0x216: {  	_ =	swait.ge [sflag:s0], $0x1000  }
0x217: {  	[sflag:s0] =	ssyncset.done $0x0  }
0x218: {  	[sflag:s0] =	ssyncadd.s32 $0xFFFFF000  }
0x219: {  	_ =	swait.ge [sflag:s0], $0x1000  }
0x21a: {  	[sflag:s0] =	ssyncset.done $0x0  }
0x21b: {  	[sflag:s0] =	ssyncadd.s32 $0xFFFFF000  }
0x21c: {  	_ =	swait.ge [sflag:s0], $0x1000  }
0x21d: {  	[sflag:s0] =	ssyncset.done $0x0  }
0x21e: {  	[sflag:s0] =	ssyncadd.s32 $0xFFFFF000  }
0x21f: {  	_ =	swait.ge [sflag:s0], $0x1000  }
0x220: {  	[sflag:s0] =	ssyncset.done $0x0  }
0x221: {  	[sflag:s0] =	ssyncadd.s32 $0xFFFFF000  }
0x222: {  	_ =	swait.ge [sflag:s0], $0x1000  }
0x223: {  	[sflag:s0] =	ssyncset.done $0x0  }
0x224: {  	[sflag:s0] =	ssyncadd.s32 $0xFFFFF000  }
0x225: {  	_ =	swait.ge [sflag:s0], $0x1000  }
0x226: {  	[sflag:s0] =	ssyncset.done $0x0  }
0x227: {  	[sflag:s0] =	ssyncadd.s32 $0xFFFFF000  }
0x228: {  	_ =	swait.ge [sflag:s0], $0x1000  }
0x229: {  	[sflag:s0] =	ssyncset.done $0x0  }
0x22a: {  	[sflag:s0] =	ssyncadd.s32 $0xFFFFF000  }
0x22b: {  	_ =	swait.ge [sflag:s0], $0x1000  }
0x22c: {  	[sflag:s0] =	ssyncset.done $0x0  }
0x22d: {  	[sflag:s0] =	ssyncadd.s32 $0xFFFFF000  }
0x22e: {  	_ =	swait.ge [sflag:s0], $0x1000  }
0x22f: {  	[sflag:s0] =	ssyncset.done $0x0  }
0x230: {  	[sflag:s0] =	ssyncadd.s32 $0xFFFFF000  }
0x231: {  	_ =	swait.ge [sflag:s0], $0x1000  }
0x232: {  	[sflag:s0] =	ssyncset.done $0x0  }
0x233: {  	[sflag:s0] =	ssyncadd.s32 $0xFFFFF000  }
0x234: {  	_ =	swait.ge [sflag:s0], $0x1000  }
0x235: {  	[sflag:s0] =	ssyncset.done $0x0  }
0x236: {  	[sflag:s0] =	ssyncadd.s32 $0xFFFFF000  }
0x237: {  	_ =	swait.ge [sflag:s0], $0x1000  }
0x238: {  	[sflag:s0] =	ssyncset.done $0x0  }
0x239: {  	[sflag:s0] =	ssyncadd.s32 $0xFFFFF000  }
0x23a: {  	_ =	swait.ge [sflag:s0], $0x1000  }
0x23b: {  	[sflag:s0] =	ssyncset.done $0x0  }
0x23c: {  	[sflag:s0] =	ssyncadd.s32 $0xFFFFF000  }
0x23d: {  	_ =	swait.ge [sflag:s0], $0x1000  }
0x23e: {  	[sflag:s0] =	ssyncset.done $0x0  }
0x23f: {  	[sflag:s0] =	ssyncadd.s32 $0xFFFFF000  }
0x240: {  	_ =	swait.ge [sflag:s0], $0x1000  }
0x241: {  	[sflag:s0] =	ssyncset.done $0x0  }
0x242: {  	[sflag:s0] =	ssyncadd.s32 $0xFFFFF000  }
0x243: {  	_ =	swait.ge [sflag:s0], $0x1000  }
0x244: {  	[sflag:s0] =	ssyncset.done $0x0  }
0x245: {  	[sflag:s0] =	ssyncadd.s32 $0xFFFFF000  }
0x246: {  	_ =	swait.ge [sflag:s0], $0x1000  }
0x247: {  	[sflag:s0] =	ssyncset.done $0x0  }
0x248: {  	[sflag:s0] =	ssyncadd.s32 $0xFFFFF000  }
0x249: {  	_ =	swait.ge [sflag:s0], $0x1000  }
0x24a: {  	[sflag:s0] =	ssyncset.done $0x0  }
0x24b: {  	[sflag:s0] =	ssyncadd.s32 $0xFFFFF000  }
0x24c: {  	_ =	swait.ge [sflag:s0], $0x1000  }
0x24d: {  	[sflag:s0] =	ssyncset.done $0x0  }
0x24e: {  	[sflag:s0] =	ssyncadd.s32 $0xFFFFF000  }
0x24f: {  	_ =	swait.ge [sflag:s0], $0x1000  }
0x250: {  	[sflag:s0] =	ssyncset.done $0x0  }
0x251: {  	[sflag:s0] =	ssyncadd.s32 $0xFFFFF000  }
0x252: {  	p0 =	sne.s32 s8, $0x1;
	_ =	swait.ge [sflag:s0], $0x1000  }
.Ltmp0:
0x253: {  	[sflag:s0] =	ssyncset.done $0x0;
	(pc) =	sbr.rel @p0 .LBB2_1-.Ltmp0, $4  }
0x254: {  	[sflag:s0] =	ssyncadd.s32 $0xFFFFF000  }
0x255: {  	_ =	swait.ge [sflag:s0], $0x1000  }
0x256: {  	[sflag:s0] =	ssyncset.done $0x0  }
0x257: {  	s8 =	sadd.s32 $0xFFFFFFFF, s8;
	[sflag:s0] =	ssyncadd.s32 $0xFFFFF000  }
0x258: {  	_ =	sfence.sel $0x180000  }
0x259: {  	[bflag:$0x0] =	sbarrier.arrive $0xFFFF  }
0x25a: {  	_ =	strace $0x90000047  }
0x25b: {  	s0 =	stileid.u32;
	[bflag:$0x2] =	sbarrier.arrive $0xFFFF  }
0x25c: {  	p0 =	sne.s32 s0, $0x0;
	s0 =	rddreg [dreg:$0x4]  }
0x25d: {  	s0 =	sadd.s32 @!p0 $0x100000, s0  }
0x25e: {  	[sflag:s0] =	ssyncadd.tile.s32 @!p0 $0x1;
	_ =	shalt  }
.Lfunc_end2:
_tile_overlayer_lowered:
.L_overlay_start_2:
0x25f: {  	(tag) =	ssettag $0x2  }
0x260: {  	s0 =	rddreg [dreg:$0x0];
	s2 =	stileid.u32  }
0x261: {  	s1 =	rddreg [dreg:$0x1];
	p0 =	sne.s32 s2, $0x0  }
0x262: {  	s3 =	rddreg [dreg:$0x2];
	[bflag:$0x3] =	sbarrier.arrive $0xFFFF;
	s2 =	simm.s32 @!p0 $0x1C06  }
0x263: {  	[timem:s3], [sflag:s2] =	dma.local @!p0 [hbm:s0], s1  }
0x264: {  	s0 =	simm.s32 @!p0 $0x6  }
0x265: {  	_ =	swait.ge @!p0 [sflag:s0], s1  }
0x266: {  	s1 =	ssub.s32 @!p0 $0x0, s1;
	[sflag:s0] =	ssyncset.done @!p0 $0x0  }
0x267: {  	[sflag:s0] =	ssyncadd.s32 @!p0 s1  }
0x268: {  	[bflag:$0x3] =	sbarrier.arrive $0xFFFF  }
0x269: {  	_ =	shalt  }

</sc_bundles>
